<compile_context>
chip_gen: v7x
topology: tpu7x:2x2x1
jax: 0.10.2.dev20260603
libtpu: 0.0.44.dev20260713+nightly
codegen_flags: <defaults>
</compile_context>

<pallas_src>
import functools

import jax
import jax.numpy as jnp
from jax import lax
from jax.experimental import pallas as pl
from jax.experimental.pallas import tpu as pltpu
from jax.experimental.pallas import tpu_sc as plsc

N = 10000
E = 160000
D = 256
H = 128
NC = 2
NS = 16
CH = 128
EP = 163840
SP_CHUNKS = EP // NS // CH
HI_CHUNKS = EP // (NC * NS) // CH
TRASH = N
ACC_ROWS = 10240
ZPT = ACC_ROWS // NS
OPT = N // NS
R = 1000

_mesh = plsc.VectorSubcoreMesh(core_axis_name="c", subcore_axis_name="s")



@functools.partial(
    pl.kernel,
    out_type=jax.ShapeDtypeStruct((NC, ACC_ROWS, H), jnp.float32),
    mesh=_mesh,
    scratch_types=[
        pltpu.VMEM((HI_CHUNKS, CH), jnp.int32),
        pltpu.VMEM((CH, H), jnp.float32),
        pltpu.VMEM((16, H), jnp.float32),
        pltpu.VMEM_SHARED((ACC_ROWS, H), jnp.float32),
    ],
)
def _hist(dst_hbm, out_hbm, dst_v, ones_v, zer_v, acc_sh):
    c = lax.axis_index("c")
    s = lax.axis_index("s")
    pltpu.sync_copy(dst_hbm.at[c, s], dst_v)
    one16 = jnp.full((16,), 1.0, jnp.float32)
    z16 = jnp.zeros((16,), jnp.float32)
    for i in range(16):
        for j in range(H // 16):
            zer_v[i, pl.ds(j * 16, 16)] = z16

    def oinit(i, carry):
        for j in range(H // 16):
            ones_v[i, pl.ds(j * 16, 16)] = one16
        return carry
    lax.fori_loop(0, CH, oinit, 0)

    def zcopy(i, carry):
        pltpu.sync_copy(zer_v, acc_sh.at[pl.ds(s * ZPT + i * 16, 16)])
        return carry
    lax.fori_loop(0, ZPT // 16, zcopy, 0)
    plsc.subcore_barrier()

    def body(j, carry):
        pltpu.sync_copy(ones_v, acc_sh.at[dst_v.at[j]], add=True)
        return carry
    lax.fori_loop(0, HI_CHUNKS, body, 0)
    plsc.subcore_barrier()
    pltpu.sync_copy(acc_sh.at[pl.ds(s * ZPT, ZPT)], out_hbm.at[c, pl.ds(s * ZPT, ZPT)])


@functools.partial(
    pl.kernel,
    out_type=jax.ShapeDtypeStruct((NC, N, H), jnp.float32),
    mesh=_mesh,
    scratch_types=[
        pltpu.VMEM((SP_CHUNKS, CH), jnp.int32),
        pltpu.VMEM((SP_CHUNKS, CH), jnp.int32),
        pltpu.VMEM((CH, H), jnp.float32),
        pltpu.VMEM((16, H), jnp.float32),
        pltpu.VMEM_SHARED((ACC_ROWS, H), jnp.float32),
        pltpu.SemaphoreType.DMA,
    ],
)
def _spmm(src_hbm, dst_hbm, g_hbm, out_hbm, src_v, dst_v, rows_v, zer_v, acc_sh, sem):
    c = lax.axis_index("c")
    s = lax.axis_index("s")
    pltpu.sync_copy(src_hbm.at[c, s], src_v)
    pltpu.sync_copy(dst_hbm.at[s], dst_v)
    z16 = jnp.zeros((16,), jnp.float32)

    def zinit(i, carry):
        for j in range(H // 16):
            zer_v[i, pl.ds(j * 16, 16)] = z16
        return carry
    lax.fori_loop(0, 16, zinit, 0)

    def zcopy(i, carry):
        pltpu.sync_copy(zer_v, acc_sh.at[pl.ds(s * ZPT + i * 16, 16)])
        return carry
    lax.fori_loop(0, ZPT // 16, zcopy, 0)
    plsc.subcore_barrier()

    def body(j, carry):
        pltpu.async_copy(g_hbm.at[src_v.at[j]], rows_v, sem).wait()
        pltpu.sync_copy(rows_v, acc_sh.at[dst_v.at[j]], add=True)
        return carry
    lax.fori_loop(0, SP_CHUNKS, body, 0)
    plsc.subcore_barrier()

    @pl.when(s < NS - 1)
    def _():
        pltpu.sync_copy(acc_sh.at[pl.ds(s * ZPT, ZPT)], out_hbm.at[c, pl.ds(s * ZPT, ZPT)])

    @pl.when(s == NS - 1)
    def _():
        pltpu.sync_copy(acc_sh.at[pl.ds((NS - 1) * ZPT, N - (NS - 1) * ZPT)],
                        out_hbm.at[c, pl.ds((NS - 1) * ZPT, N - (NS - 1) * ZPT)])



def _dinv_of(deg_ref):
    return lax.rsqrt(1.0 + deg_ref[:, 0:1] + deg_ref[:, 1:2])


def _mm1_body(x_ref, w_ref, deg_ref, g_ref):
    dinv = _dinv_of(deg_ref)
    h = jnp.dot(x_ref[...], w_ref[...], preferred_element_type=jnp.float32)
    g = h * dinv
    g_ref[0, :, :] = g[:, :H]
    g_ref[1, :, :] = g[:, H:]


def _mid_body(s_ref, g_ref, deg_ref, b_ref, w_ref, o_ref):
    dinv = _dinv_of(deg_ref)
    h = jnp.concatenate([s_ref[0] + g_ref[0], s_ref[1] + g_ref[1]], axis=-1)
    h = jnp.maximum(h * dinv + b_ref[...], 0.0)
    g = jnp.dot(h, w_ref[...], preferred_element_type=jnp.float32) * dinv
    o_ref[0, :, :] = g[:, :H]
    o_ref[1, :, :] = g[:, H:]


def _fin_body(s_ref, g_ref, deg_ref, b3_ref, wf1_ref, bf1_ref, wf2_ref, bf2_ref, o_ref):
    dinv = _dinv_of(deg_ref)
    h = jnp.concatenate([s_ref[0] + g_ref[0], s_ref[1] + g_ref[1]], axis=-1)
    h = jnp.maximum(h * dinv + b3_ref[...], 0.0)
    t = jnp.dot(h, wf1_ref[...], preferred_element_type=jnp.float32)
    t = jnp.maximum(t + bf1_ref[...], 0.0)
    o_ref[...] = jnp.dot(t, wf2_ref[...], preferred_element_type=jnp.float32) + bf2_ref[...]


_grid = (N // R,)
_spec_rows2 = pl.BlockSpec((R, 2), lambda i: (i, 0))
_spec_half = pl.BlockSpec((NC, R, H), lambda i: (0, i, 0))
_spec_full = lambda shape: pl.BlockSpec(shape, lambda i: tuple(0 for _ in shape))

_mm1 = pl.pallas_call(
    _mm1_body,
    grid=_grid,
    in_specs=[
        pl.BlockSpec((R, D), lambda i: (i, 0)),
        _spec_full((D, D)),
        _spec_rows2,
    ],
    out_specs=_spec_half,
    out_shape=jax.ShapeDtypeStruct((NC, N, H), jnp.float32),
)

_mid = pl.pallas_call(
    _mid_body,
    grid=_grid,
    in_specs=[
        _spec_half,
        _spec_half,
        _spec_rows2,
        _spec_full((1, D)),
        _spec_full((D, D)),
    ],
    out_specs=_spec_half,
    out_shape=jax.ShapeDtypeStruct((NC, N, H), jnp.float32),
)

_fin = pl.pallas_call(
    _fin_body,
    grid=_grid,
    in_specs=[
        _spec_half,
        _spec_half,
        _spec_rows2,
        _spec_full((1, D)),
        _spec_full((D, D)),
        _spec_full((1, D)),
        _spec_full((D, 4)),
        _spec_full((1, 4)),
    ],
    out_specs=pl.BlockSpec((R, 4), lambda i: (i, 0)),
    out_shape=jax.ShapeDtypeStruct((N, 4), jnp.float32),
)


def kernel(x, edge_index, W1, b1, W2, b2, W3, b3, Wf1, bf1, Wf2, bf2):
    src = edge_index[0]
    dst = edge_index[1]
    pad = EP - E
    srcp = jnp.concatenate([src, jnp.zeros((pad,), jnp.int32)])
    dstp = jnp.concatenate([dst, jnp.full((pad,), TRASH, jnp.int32)])
    dst_h = dstp.reshape(NC, NS, HI_CHUNKS, CH)
    src2 = jnp.stack([srcp, srcp + N]).reshape(NC, NS, SP_CHUNKS, CH)
    dst_t = dstp.reshape(NS, SP_CHUNKS, CH)

    degp = _hist(dst_h)
    degT = jnp.transpose(degp[:, :N, 0])

    g1 = _mm1(x, W1, degT)
    s1 = _spmm(src2, dst_t, g1.reshape(NC * N, H))
    g2 = _mid(s1, g1, degT, b1.reshape(1, D), W2)
    s2 = _spmm(src2, dst_t, g2.reshape(NC * N, H))
    g3 = _mid(s2, g2, degT, b2.reshape(1, D), W3)
    s3 = _spmm(src2, dst_t, g3.reshape(NC * N, H))
    pred = _fin(s3, g3, degT, b3.reshape(1, D), Wf1, bf1.reshape(1, D),
                Wf2, bf2.reshape(1, 4))
    return pred

# --- scband reference (transcript-rebuilt; emitter-appended) ---
"""Pipeline reference for scband-syn-gcn-tg-40321152974886 (READ-ONLY COPY).

The authoritative reference and input builder live on the scoring server;
editing this copy changes nothing except your own understanding.
"""

import jax, jax.numpy as jnp
import numpy as np

N = 10000
E = 160000
D_IN = 256
D_HID = 256
D_OUT = 4


def setup_inputs(seed: int = 0) -> dict:
    key = jax.random.key(seed)
    ks = jax.random.split(key, 12)
    x = jax.random.normal(ks[0], (N, D_IN), dtype=jnp.float32)
    edge_index = jax.random.randint(ks[1], (2, E), 0, N, dtype=jnp.int32)
    def lin(k, fan_in, fan_out):
        s = 1.0 / np.sqrt(fan_in)
        return jax.random.uniform(k, (fan_in, fan_out), dtype=jnp.float32, minval=-s, maxval=s)
    W1 = lin(ks[2], D_IN, D_HID)
    b1 = jnp.zeros((D_HID,), dtype=jnp.float32)
    W2 = lin(ks[3], D_HID, D_HID)
    b2 = jnp.zeros((D_HID,), dtype=jnp.float32)
    W3 = lin(ks[4], D_HID, D_HID)
    b3 = jnp.zeros((D_HID,), dtype=jnp.float32)
    Wf1 = lin(ks[5], D_HID, D_HID)
    bf1 = jax.random.uniform(ks[6], (D_HID,), dtype=jnp.float32, minval=-1.0/np.sqrt(D_HID), maxval=1.0/np.sqrt(D_HID))
    Wf2 = lin(ks[7], D_HID, D_OUT)
    bf2 = jax.random.uniform(ks[8], (D_OUT,), dtype=jnp.float32, minval=-1.0/np.sqrt(D_HID), maxval=1.0/np.sqrt(D_HID))
    return {"x": x, "edge_index": edge_index, "W1": W1, "b1": b1, "W2": W2, "b2": b2, "W3": W3, "b3": b3, "Wf1": Wf1, "bf1": bf1, "Wf2": Wf2, "bf2": bf2}


def gcn_conv(x, edge_index, W, b):
    # PyG GCNConv: add self-loops, symmetric normalization D^{-1/2}(A+I)D^{-1/2} x W + b
    n = x.shape[0]
    loop = jnp.arange(n, dtype=edge_index.dtype)
    src = jnp.concatenate([edge_index[0], loop])
    dst = jnp.concatenate([edge_index[1], loop])
    w = jnp.ones(src.shape[0], dtype=x.dtype)
    deg = jax.ops.segment_sum(w, dst, num_segments=n)
    dinv = jnp.where(deg > 0, jax.lax.rsqrt(deg), 0.0)
    norm = dinv[src] * w * dinv[dst]
    h = x @ W
    msg = h[src] * norm[:, None]
    out = jax.ops.segment_sum(msg, dst, num_segments=n)
    return out + b


def reference(x, edge_index, W1, b1, W2, b2, W3, b3, Wf1, bf1, Wf2, bf2):
    # forward: 3 GCNConv + ReLU layers (batch norms are built but unused in forward)
    h = jax.nn.relu(gcn_conv(x, edge_index, W1, b1))
    h = jax.nn.relu(gcn_conv(h, edge_index, W2, b2))
    h = jax.nn.relu(gcn_conv(h, edge_index, W3, b3))
    # ffn: Linear -> ReLU -> Dropout (identity in eval) -> Linear
    pred = jax.nn.relu(h @ Wf1 + bf1) @ Wf2 + bf2
    # module stores softmax readout but returns pred
    return pred

if __name__ == "__main__":
    import jax
    _d = setup_inputs()
    print(jax.jit(kernel)(*tuple(_d.values())))

</pallas_src>

<mosaic_0001>
#map = affine_map<(d0, d1) -> (0, 0, 0, 0)>
#map1 = affine_map<(d0, d1) -> (0, 0, 0)>
#map2 = affine_map<(d0, d1) -> (0, 0)>
module attributes {stable_mosaic.version = 14 : i64} {
  func.func @_spmm(%arg0: i32, %arg1: i32, %arg2: memref<2x16x80x128xi32, #tpu.memory_space<hbm>>, %arg3: memref<16x80x128xi32, #tpu.memory_space<hbm>>, %arg4: memref<20000x128xf32, #tpu.memory_space<hbm>>, %arg5: memref<2x10000x128xf32, #tpu.memory_space<hbm>>, %arg6: memref<80x128xi32, #tpu.memory_space<vmem>>, %arg7: memref<80x128xi32, #tpu.memory_space<vmem>>, %arg8: memref<128x128xf32, #tpu.memory_space<vmem>>, %arg9: memref<16x128xf32, #tpu.memory_space<vmem>>, %arg10: memref<10240x128xf32, #tpu.memory_space<vmem_shared>>, %arg11: memref<!tpu.dma_semaphore, #tpu.memory_space<semaphore_mem>>) attributes {dimension_semantics = [#tpu.dimension_semantics<core_parallel>, #tpu.dimension_semantics<subcore_parallel>], iteration_bounds = array<i64: 2, 16>, scalar_prefetch = 0 : i64, scratch_operands = 6 : i64, tpu.core_type = #tpu.core_type<sc_vector_subcore>, window_params = [{transform_indices = #map}, {transform_indices = #map1}, {transform_indices = #map2}, {transform_indices = #map1}]} {
    "tpu.region"() ({
      %run_scoped3A = tpu.sem_alloc : memref<!tpu.dma_semaphore, #tpu.memory_space<semaphore_mem>>
      %dma_start3A = arith.constant 0 : i32
      %dma_start3A_25 = arith.constant 0 : i32
      %dma_start3A_26 = tpu.memref_slice %arg2[%arg0, %arg1, %dma_start3A, %dma_start3A_25] : memref<2x16x80x128xi32, #tpu.memory_space<hbm>> -> memref<1x1x80x128xi32, #tpu.memory_space<hbm>>
      %dma_start3A_27 = tpu.memref_squeeze %dma_start3A_26 : memref<1x1x80x128xi32, #tpu.memory_space<hbm>> -> memref<80x128xi32, #tpu.memory_space<hbm>>
      %dma_start3A_28 = arith.constant 0 : i32
      %dma_start3A_29 = arith.constant 0 : i32
      %dma_start3A_30 = tpu.memref_slice %arg2[%arg0, %arg1, %dma_start3A_28, %dma_start3A_29] : memref<2x16x80x128xi32, #tpu.memory_space<hbm>> -> memref<1x1x80x128xi32, #tpu.memory_space<hbm>>
      %dma_start3A_31 = tpu.memref_squeeze %dma_start3A_30 : memref<1x1x80x128xi32, #tpu.memory_space<hbm>> -> memref<80x128xi32, #tpu.memory_space<hbm>>
      tpu.enqueue_dma source(%dma_start3A_31 : memref<80x128xi32, #tpu.memory_space<hbm>>) target(%arg6 : memref<80x128xi32, #tpu.memory_space<vmem>>) target_semaphore(%run_scoped3A : memref<!tpu.dma_semaphore, #tpu.memory_space<semaphore_mem>>)
      %dma_wait3A = arith.constant 0 : i32
      %dma_wait3A_32 = arith.constant 0 : i32
      %dma_wait3A_33 = tpu.memref_slice %arg2[%arg0, %arg1, %dma_wait3A, %dma_wait3A_32] : memref<2x16x80x128xi32, #tpu.memory_space<hbm>> -> memref<1x1x80x128xi32, #tpu.memory_space<hbm>>
      %dma_wait3A_34 = tpu.memref_squeeze %dma_wait3A_33 : memref<1x1x80x128xi32, #tpu.memory_space<hbm>> -> memref<80x128xi32, #tpu.memory_space<hbm>>
      %dma_wait3A_35 = arith.constant 0 : i32
      %dma_wait3A_36 = arith.constant 0 : i32
      %dma_wait3A_37 = tpu.memref_slice %arg2[%arg0, %arg1, %dma_wait3A_35, %dma_wait3A_36] : memref<2x16x80x128xi32, #tpu.memory_space<hbm>> -> memref<1x1x80x128xi32, #tpu.memory_space<hbm>>
      %dma_wait3A_38 = tpu.memref_squeeze %dma_wait3A_37 : memref<1x1x80x128xi32, #tpu.memory_space<hbm>> -> memref<80x128xi32, #tpu.memory_space<hbm>>
      tpu.wait_dma2 semaphore(%run_scoped3A : memref<!tpu.dma_semaphore, #tpu.memory_space<semaphore_mem>>) src(%dma_wait3A_38 : memref<80x128xi32, #tpu.memory_space<hbm>>) dst(%arg6 : memref<80x128xi32, #tpu.memory_space<vmem>>)
      tpu.yield
    }) : () -> ()
    "tpu.region"() ({
      %run_scoped3A = tpu.sem_alloc : memref<!tpu.dma_semaphore, #tpu.memory_space<semaphore_mem>>
      %dma_start3A = arith.constant 0 : i32
      %dma_start3A_25 = arith.constant 0 : i32
      %dma_start3A_26 = tpu.memref_slice %arg3[%arg1, %dma_start3A, %dma_start3A_25] : memref<16x80x128xi32, #tpu.memory_space<hbm>> -> memref<1x80x128xi32, #tpu.memory_space<hbm>>
      %dma_start3A_27 = tpu.memref_squeeze %dma_start3A_26 : memref<1x80x128xi32, #tpu.memory_space<hbm>> -> memref<80x128xi32, #tpu.memory_space<hbm>>
      %dma_start3A_28 = arith.constant 0 : i32
      %dma_start3A_29 = arith.constant 0 : i32
      %dma_start3A_30 = tpu.memref_slice %arg3[%arg1, %dma_start3A_28, %dma_start3A_29] : memref<16x80x128xi32, #tpu.memory_space<hbm>> -> memref<1x80x128xi32, #tpu.memory_space<hbm>>
      %dma_start3A_31 = tpu.memref_squeeze %dma_start3A_30 : memref<1x80x128xi32, #tpu.memory_space<hbm>> -> memref<80x128xi32, #tpu.memory_space<hbm>>
      tpu.enqueue_dma source(%dma_start3A_31 : memref<80x128xi32, #tpu.memory_space<hbm>>) target(%arg7 : memref<80x128xi32, #tpu.memory_space<vmem>>) target_semaphore(%run_scoped3A : memref<!tpu.dma_semaphore, #tpu.memory_space<semaphore_mem>>)
      %dma_wait3A = arith.constant 0 : i32
      %dma_wait3A_32 = arith.constant 0 : i32
      %dma_wait3A_33 = tpu.memref_slice %arg3[%arg1, %dma_wait3A, %dma_wait3A_32] : memref<16x80x128xi32, #tpu.memory_space<hbm>> -> memref<1x80x128xi32, #tpu.memory_space<hbm>>
      %dma_wait3A_34 = tpu.memref_squeeze %dma_wait3A_33 : memref<1x80x128xi32, #tpu.memory_space<hbm>> -> memref<80x128xi32, #tpu.memory_space<hbm>>
      %dma_wait3A_35 = arith.constant 0 : i32
      %dma_wait3A_36 = arith.constant 0 : i32
      %dma_wait3A_37 = tpu.memref_slice %arg3[%arg1, %dma_wait3A_35, %dma_wait3A_36] : memref<16x80x128xi32, #tpu.memory_space<hbm>> -> memref<1x80x128xi32, #tpu.memory_space<hbm>>
      %dma_wait3A_38 = tpu.memref_squeeze %dma_wait3A_37 : memref<1x80x128xi32, #tpu.memory_space<hbm>> -> memref<80x128xi32, #tpu.memory_space<hbm>>
      tpu.wait_dma2 semaphore(%run_scoped3A : memref<!tpu.dma_semaphore, #tpu.memory_space<semaphore_mem>>) src(%dma_wait3A_38 : memref<80x128xi32, #tpu.memory_space<hbm>>) dst(%arg7 : memref<80x128xi32, #tpu.memory_space<vmem>>)
      tpu.yield
    }) : () -> ()
    %broadcast_in_dim3A = arith.constant 0.000000e+00 : f32
    %broadcast_in_dim3A_0 = vector.broadcast %broadcast_in_dim3A : f32 to vector<16xf32>
    %scan3A = arith.constant 0 : i32
    %scan3A_1 = arith.constant 0 : i32
    %scan3A_2 = arith.constant 16 : i32
    %scan3A_3 = arith.addi %scan3A_1, %scan3A_2 : i32
    %scan3A_4 = arith.constant 1 : i32
    scf.for %scan3A_25 = %scan3A_1 to %scan3A_3 step %scan3A_4  : i32 {
      %swap3A = arith.index_cast %scan3A_25 : i32 to index
      %swap3A_26 = arith.constant 0 : index
      %swap3A_27 = tpu.vector_load %arg9[%swap3A, %swap3A_26] {strides = array<i32>} : memref<16x128xf32, #tpu.memory_space<vmem>>, vector<1x16xf32>,
      %swap3A_28 = vector.shape_cast %swap3A_27 : vector<1x16xf32> to vector<16xf32>
      %swap3A_29 = vector.shape_cast %broadcast_in_dim3A_0 : vector<16xf32> to vector<1x16xf32>
      tpu.vector_store %arg9[%swap3A, %swap3A_26], %swap3A_29 {strides = array<i32>} : memref<16x128xf32, #tpu.memory_space<vmem>>, vector<1x16xf32>,
      %swap3A_30 = arith.index_cast %scan3A_25 : i32 to index
      %swap3A_31 = arith.constant 16 : index
      %swap3A_32 = tpu.vector_load %arg9[%swap3A_30, %swap3A_31] {strides = array<i32>} : memref<16x128xf32, #tpu.memory_space<vmem>>, vector<1x16xf32>,
      %swap3A_33 = vector.shape_cast %swap3A_32 : vector<1x16xf32> to vector<16xf32>
      %swap3A_34 = vector.shape_cast %broadcast_in_dim3A_0 : vector<16xf32> to vector<1x16xf32>
      tpu.vector_store %arg9[%swap3A_30, %swap3A_31], %swap3A_34 {strides = array<i32>} : memref<16x128xf32, #tpu.memory_space<vmem>>, vector<1x16xf32>,
      %swap3A_35 = arith.index_cast %scan3A_25 : i32 to index
      %swap3A_36 = arith.constant 32 : index
      %swap3A_37 = tpu.vector_load %arg9[%swap3A_35, %swap3A_36] {strides = array<i32>} : memref<16x128xf32, #tpu.memory_space<vmem>>, vector<1x16xf32>,
      %swap3A_38 = vector.shape_cast %swap3A_37 : vector<1x16xf32> to vector<16xf32>
      %swap3A_39 = vector.shape_cast %broadcast_in_dim3A_0 : vector<16xf32> to vector<1x16xf32>
      tpu.vector_store %arg9[%swap3A_35, %swap3A_36], %swap3A_39 {strides = array<i32>} : memref<16x128xf32, #tpu.memory_space<vmem>>, vector<1x16xf32>,
      %swap3A_40 = arith.index_cast %scan3A_25 : i32 to index
      %swap3A_41 = arith.constant 48 : index
      %swap3A_42 = tpu.vector_load %arg9[%swap3A_40, %swap3A_41] {strides = array<i32>} : memref<16x128xf32, #tpu.memory_space<vmem>>, vector<1x16xf32>,
      %swap3A_43 = vector.shape_cast %swap3A_42 : vector<1x16xf32> to vector<16xf32>
      %swap3A_44 = vector.shape_cast %broadcast_in_dim3A_0 : vector<16xf32> to vector<1x16xf32>
      tpu.vector_store %arg9[%swap3A_40, %swap3A_41], %swap3A_44 {strides = array<i32>} : memref<16x128xf32, #tpu.memory_space<vmem>>, vector<1x16xf32>,
      %swap3A_45 = arith.index_cast %scan3A_25 : i32 to index
      %swap3A_46 = arith.constant 64 : index
      %swap3A_47 = tpu.vector_load %arg9[%swap3A_45, %swap3A_46] {strides = array<i32>} : memref<16x128xf32, #tpu.memory_space<vmem>>, vector<1x16xf32>,
      %swap3A_48 = vector.shape_cast %swap3A_47 : vector<1x16xf32> to vector<16xf32>
      %swap3A_49 = vector.shape_cast %broadcast_in_dim3A_0 : vector<16xf32> to vector<1x16xf32>
      tpu.vector_store %arg9[%swap3A_45, %swap3A_46], %swap3A_49 {strides = array<i32>} : memref<16x128xf32, #tpu.memory_space<vmem>>, vector<1x16xf32>,
      %swap3A_50 = arith.index_cast %scan3A_25 : i32 to index
      %swap3A_51 = arith.constant 80 : index
      %swap3A_52 = tpu.vector_load %arg9[%swap3A_50, %swap3A_51] {strides = array<i32>} : memref<16x128xf32, #tpu.memory_space<vmem>>, vector<1x16xf32>,
      %swap3A_53 = vector.shape_cast %swap3A_52 : vector<1x16xf32> to vector<16xf32>
      %swap3A_54 = vector.shape_cast %broadcast_in_dim3A_0 : vector<16xf32> to vector<1x16xf32>
      tpu.vector_store %arg9[%swap3A_50, %swap3A_51], %swap3A_54 {strides = array<i32>} : memref<16x128xf32, #tpu.memory_space<vmem>>, vector<1x16xf32>,
      %swap3A_55 = arith.index_cast %scan3A_25 : i32 to index
      %swap3A_56 = arith.constant 96 : index
      %swap3A_57 = tpu.vector_load %arg9[%swap3A_55, %swap3A_56] {strides = array<i32>} : memref<16x128xf32, #tpu.memory_space<vmem>>, vector<1x16xf32>,
      %swap3A_58 = vector.shape_cast %swap3A_57 : vector<1x16xf32> to vector<16xf32>
      %swap3A_59 = vector.shape_cast %broadcast_in_dim3A_0 : vector<16xf32> to vector<1x16xf32>
      tpu.vector_store %arg9[%swap3A_55, %swap3A_56], %swap3A_59 {strides = array<i32>} : memref<16x128xf32, #tpu.memory_space<vmem>>, vector<1x16xf32>,
      %swap3A_60 = arith.index_cast %scan3A_25 : i32 to index
      %swap3A_61 = arith.constant 112 : index
      %swap3A_62 = tpu.vector_load %arg9[%swap3A_60, %swap3A_61] {strides = array<i32>} : memref<16x128xf32, #tpu.memory_space<vmem>>, vector<1x16xf32>,
      %swap3A_63 = vector.shape_cast %swap3A_62 : vector<1x16xf32> to vector<16xf32>
      %swap3A_64 = vector.shape_cast %broadcast_in_dim3A_0 : vector<16xf32> to vector<1x16xf32>
      tpu.vector_store %arg9[%swap3A_60, %swap3A_61], %swap3A_64 {strides = array<i32>} : memref<16x128xf32, #tpu.memory_space<vmem>>, vector<1x16xf32>,
    }
    %scan3A_5 = arith.constant 16 : i32
    %scan3A_6 = arith.constant 0 : i32
    %scan3A_7 = arith.constant 0 : i32
    %scan3A_8 = arith.constant 40 : i32
    %scan3A_9 = arith.addi %scan3A_7, %scan3A_8 : i32
    %scan3A_10 = arith.constant 1 : i32
    scf.for %scan3A_25 = %scan3A_7 to %scan3A_9 step %scan3A_10  : i32 {
      %mul3A = arith.constant 640 : i32
      %mul3A_26 = arith.muli %arg1, %mul3A : i32
      %mul3A_27 = arith.constant 16 : i32
      %mul3A_28 = arith.muli %scan3A_25, %mul3A_27 : i32
      %add3A = arith.addi %mul3A_26, %mul3A_28 : i32
      "tpu.region"() ({
        %run_scoped3A = tpu.sem_alloc : memref<!tpu.dma_semaphore, #tpu.memory_space<semaphore_mem>>
        %dma_start3A = arith.constant 0 : i32
        %dma_start3A_29 = tpu.memref_slice %arg10[%add3A, %dma_start3A] : memref<10240x128xf32, #tpu.memory_space<vmem_shared>> -> memref<16x128xf32, #tpu.memory_space<vmem_shared>>
        %dma_start3A_30 = arith.constant 0 : i32
        %dma_start3A_31 = tpu.memref_slice %arg10[%add3A, %dma_start3A_30] : memref<10240x128xf32, #tpu.memory_space<vmem_shared>> -> memref<16x128xf32, #tpu.memory_space<vmem_shared>>
        tpu.enqueue_dma source(%arg9 : memref<16x128xf32, #tpu.memory_space<vmem>>) target(%dma_start3A_31 : memref<16x128xf32, #tpu.memory_space<vmem_shared>>) target_semaphore(%run_scoped3A : memref<!tpu.dma_semaphore, #tpu.memory_space<semaphore_mem>>)
        %dma_wait3A = arith.constant 0 : i32
        %dma_wait3A_32 = tpu.memref_slice %arg10[%add3A, %dma_wait3A] : memref<10240x128xf32, #tpu.memory_space<vmem_shared>> -> memref<16x128xf32, #tpu.memory_space<vmem_shared>>
        %dma_wait3A_33 = arith.constant 0 : i32
        %dma_wait3A_34 = tpu.memref_slice %arg10[%add3A, %dma_wait3A_33] : memref<10240x128xf32, #tpu.memory_space<vmem_shared>> -> memref<16x128xf32, #tpu.memory_space<vmem_shared>>
        tpu.wait_dma2 semaphore(%run_scoped3A : memref<!tpu.dma_semaphore, #tpu.memory_space<semaphore_mem>>) src(%arg9 : memref<16x128xf32, #tpu.memory_space<vmem>>) dst(%dma_wait3A_34 : memref<16x128xf32, #tpu.memory_space<vmem_shared>>)
        tpu.yield
      }) : () -> ()
    }
    %scan3A_11 = arith.constant 40 : i32
    %barrier3A = arith.constant 0 : index
    tpu.barrier barrier_id(%barrier3A)
    %scan3A_12 = arith.constant 0 : i32
    %scan3A_13 = arith.constant 0 : i32
    %scan3A_14 = arith.constant 80 : i32
    %scan3A_15 = arith.addi %scan3A_13, %scan3A_14 : i32
    %scan3A_16 = arith.constant 1 : i32
    scf.for %scan3A_25 = %scan3A_13 to %scan3A_15 step %scan3A_16  : i32 {
      %dma_start3A = arith.constant 0 : i32
      %dma_start3A_26 = tpu.memref_slice %arg6[%scan3A_25, %dma_start3A] : memref<80x128xi32, #tpu.memory_space<vmem>> -> memref<1x128xi32, #tpu.memory_space<vmem>>
      %dma_start3A_27 = tpu.memref_squeeze %dma_start3A_26 : memref<1x128xi32, #tpu.memory_space<vmem>> -> memref<128xi32, #tpu.memory_space<vmem>>
      %dma_start3A_28 = arith.constant 0 : i32
      %dma_start3A_29 = arith.constant 0 : i32
      %dma_start3A_30 = tpu.memref_slice %arg4[%dma_start3A_28, %dma_start3A_29] : memref<20000x128xf32, #tpu.memory_space<hbm>> -> memref<20000x128xf32, #tpu.memory_space<hbm>>
      tpu.enqueue_indirect_dma source(%dma_start3A_30 : memref<20000x128xf32, #tpu.memory_space<hbm>>) target(%arg8 : memref<128x128xf32, #tpu.memory_space<vmem>>) offsets(%dma_start3A_27 : memref<128xi32, #tpu.memory_space<vmem>>) semaphore(%arg11 : memref<!tpu.dma_semaphore, #tpu.memory_space<semaphore_mem>>)
      %dma_wait3A = arith.constant 0 : i32
      %dma_wait3A_31 = tpu.memref_slice %arg6[%scan3A_25, %dma_wait3A] : memref<80x128xi32, #tpu.memory_space<vmem>> -> memref<1x128xi32, #tpu.memory_space<vmem>>
      %dma_wait3A_32 = tpu.memref_squeeze %dma_wait3A_31 : memref<1x128xi32, #tpu.memory_space<vmem>> -> memref<128xi32, #tpu.memory_space<vmem>>
      %dma_wait3A_33 = arith.constant 0 : i32
      %dma_wait3A_34 = arith.constant 0 : i32
      %dma_wait3A_35 = tpu.memref_slice %arg4[%dma_wait3A_33, %dma_wait3A_34] : memref<20000x128xf32, #tpu.memory_space<hbm>> -> memref<20000x128xf32, #tpu.memory_space<hbm>>
      tpu.wait_indirect_dma semaphore(%arg11 : memref<!tpu.dma_semaphore, #tpu.memory_space<semaphore_mem>>) src(%dma_wait3A_35 : memref<20000x128xf32, #tpu.memory_space<hbm>>) dst(%arg8 : memref<128x128xf32, #tpu.memory_space<vmem>>)
      "tpu.region"() ({
        %run_scoped3A = tpu.sem_alloc : memref<!tpu.dma_semaphore, #tpu.memory_space<semaphore_mem>>
        %dma_start3A_36 = arith.constant 0 : i32
        %dma_start3A_37 = tpu.memref_slice %arg7[%scan3A_25, %dma_start3A_36] : memref<80x128xi32, #tpu.memory_space<vmem>> -> memref<1x128xi32, #tpu.memory_space<vmem>>
        %dma_start3A_38 = tpu.memref_squeeze %dma_start3A_37 : memref<1x128xi32, #tpu.memory_space<vmem>> -> memref<128xi32, #tpu.memory_space<vmem>>
        %dma_start3A_39 = arith.constant 0 : i32
        %dma_start3A_40 = arith.constant 0 : i32
        %dma_start3A_41 = tpu.memref_slice %arg10[%dma_start3A_39, %dma_start3A_40] : memref<10240x128xf32, #tpu.memory_space<vmem_shared>> -> memref<10240x128xf32, #tpu.memory_space<vmem_shared>>
        tpu.enqueue_indirect_dma source(%arg8 : memref<128x128xf32, #tpu.memory_space<vmem>>) target(%dma_start3A_41 : memref<10240x128xf32, #tpu.memory_space<vmem_shared>>) offsets(%dma_start3A_38 : memref<128xi32, #tpu.memory_space<vmem>>) semaphore(%run_scoped3A : memref<!tpu.dma_semaphore, #tpu.memory_space<semaphore_mem>>) {add = true}
        %dma_wait3A_42 = arith.constant 0 : i32
        %dma_wait3A_43 = tpu.memref_slice %arg7[%scan3A_25, %dma_wait3A_42] : memref<80x128xi32, #tpu.memory_space<vmem>> -> memref<1x128xi32, #tpu.memory_space<vmem>>
        %dma_wait3A_44 = tpu.memref_squeeze %dma_wait3A_43 : memref<1x128xi32, #tpu.memory_space<vmem>> -> memref<128xi32, #tpu.memory_space<vmem>>
        %dma_wait3A_45 = arith.constant 0 : i32
        %dma_wait3A_46 = arith.constant 0 : i32
        %dma_wait3A_47 = tpu.memref_slice %arg10[%dma_wait3A_45, %dma_wait3A_46] : memref<10240x128xf32, #tpu.memory_space<vmem_shared>> -> memref<10240x128xf32, #tpu.memory_space<vmem_shared>>
        tpu.wait_indirect_dma semaphore(%run_scoped3A : memref<!tpu.dma_semaphore, #tpu.memory_space<semaphore_mem>>) src(%arg8 : memref<128x128xf32, #tpu.memory_space<vmem>>) dst(%dma_wait3A_47 : memref<10240x128xf32, #tpu.memory_space<vmem_shared>>)
        tpu.yield
      }) : () -> ()
    }
    %scan3A_17 = arith.constant 80 : i32
    %barrier3A_18 = arith.constant 0 : index
    tpu.barrier barrier_id(%barrier3A_18)
    %lt3A = arith.constant 15 : i32
    %lt3A_19 = arith.cmpi slt, %arg1, %lt3A : i32
    %convert_element_type3A = arith.extui %lt3A_19 : i1 to i32
    %cond3A = arith.constant 0 : i32
    %cond3A_20 = arith.cmpi ne, %convert_element_type3A, %cond3A : i32
    scf.if %cond3A_20 {
      %mul3A = arith.constant 640 : i32
      %mul3A_25 = arith.muli %arg1, %mul3A : i32
      %mul3A_26 = arith.constant 640 : i32
      %mul3A_27 = arith.muli %arg1, %mul3A_26 : i32
      "tpu.region"() ({
        %run_scoped3A = tpu.sem_alloc : memref<!tpu.dma_semaphore, #tpu.memory_space<semaphore_mem>>
        %dma_start3A = arith.constant 0 : i32
        %dma_start3A_28 = tpu.memref_slice %arg5[%arg0, %mul3A_27, %dma_start3A] : memref<2x10000x128xf32, #tpu.memory_space<hbm>> -> memref<1x640x128xf32, #tpu.memory_space<hbm>>
        %dma_start3A_29 = tpu.memref_squeeze %dma_start3A_28 : memref<1x640x128xf32, #tpu.memory_space<hbm>> -> memref<640x128xf32, #tpu.memory_space<hbm>>
        %dma_start3A_30 = arith.constant 0 : i32
        %dma_start3A_31 = tpu.memref_slice %arg10[%mul3A_25, %dma_start3A_30] : memref<10240x128xf32, #tpu.memory_space<vmem_shared>> -> memref<640x128xf32, #tpu.memory_space<vmem_shared>>
        tpu.enqueue_dma source(%dma_start3A_31 : memref<640x128xf32, #tpu.memory_space<vmem_shared>>) target(%dma_start3A_29 : memref<640x128xf32, #tpu.memory_space<hbm>>) target_semaphore(%run_scoped3A : memref<!tpu.dma_semaphore, #tpu.memory_space<semaphore_mem>>)
        %dma_wait3A = arith.constant 0 : i32
        %dma_wait3A_32 = tpu.memref_slice %arg5[%arg0, %mul3A_27, %dma_wait3A] : memref<2x10000x128xf32, #tpu.memory_space<hbm>> -> memref<1x640x128xf32, #tpu.memory_space<hbm>>
        %dma_wait3A_33 = tpu.memref_squeeze %dma_wait3A_32 : memref<1x640x128xf32, #tpu.memory_space<hbm>> -> memref<640x128xf32, #tpu.memory_space<hbm>>
        %dma_wait3A_34 = arith.constant 0 : i32
        %dma_wait3A_35 = tpu.memref_slice %arg10[%mul3A_25, %dma_wait3A_34] : memref<10240x128xf32, #tpu.memory_space<vmem_shared>> -> memref<640x128xf32, #tpu.memory_space<vmem_shared>>
        tpu.wait_dma2 semaphore(%run_scoped3A : memref<!tpu.dma_semaphore, #tpu.memory_space<semaphore_mem>>) src(%dma_wait3A_35 : memref<640x128xf32, #tpu.memory_space<vmem_shared>>) dst(%dma_wait3A_33 : memref<640x128xf32, #tpu.memory_space<hbm>>)
        tpu.yield
      }) : () -> ()
    } else {
    }
    %eq3A = arith.constant 15 : i32
    %eq3A_21 = arith.cmpi eq, %arg1, %eq3A : i32
    %convert_element_type3A_22 = arith.extui %eq3A_21 : i1 to i32
    %cond3A_23 = arith.constant 0 : i32
    %cond3A_24 = arith.cmpi ne, %convert_element_type3A_22, %cond3A_23 : i32
    scf.if %cond3A_24 {
      "tpu.region"() ({
        %run_scoped3A = tpu.sem_alloc : memref<!tpu.dma_semaphore, #tpu.memory_space<semaphore_mem>>
        %dma_start3A = arith.constant 9600 : i32
        %dma_start3A_25 = arith.constant 0 : i32
        %dma_start3A_26 = tpu.memref_slice %arg5[%arg0, %dma_start3A, %dma_start3A_25] : memref<2x10000x128xf32, #tpu.memory_space<hbm>> -> memref<1x400x128xf32, #tpu.memory_space<hbm>>
        %dma_start3A_27 = tpu.memref_squeeze %dma_start3A_26 : memref<1x400x128xf32, #tpu.memory_space<hbm>> -> memref<400x128xf32, #tpu.memory_space<hbm>>
        %dma_start3A_28 = arith.constant 9600 : i32
        %dma_start3A_29 = arith.constant 0 : i32
        %dma_start3A_30 = tpu.memref_slice %arg10[%dma_start3A_28, %dma_start3A_29] : memref<10240x128xf32, #tpu.memory_space<vmem_shared>> -> memref<400x128xf32, #tpu.memory_space<vmem_shared>>
        tpu.enqueue_dma source(%dma_start3A_30 : memref<400x128xf32, #tpu.memory_space<vmem_shared>>) target(%dma_start3A_27 : memref<400x128xf32, #tpu.memory_space<hbm>>) target_semaphore(%run_scoped3A : memref<!tpu.dma_semaphore, #tpu.memory_space<semaphore_mem>>)
        %dma_wait3A = arith.constant 9600 : i32
        %dma_wait3A_31 = arith.constant 0 : i32
        %dma_wait3A_32 = tpu.memref_slice %arg5[%arg0, %dma_wait3A, %dma_wait3A_31] : memref<2x10000x128xf32, #tpu.memory_space<hbm>> -> memref<1x400x128xf32, #tpu.memory_space<hbm>>
        %dma_wait3A_33 = tpu.memref_squeeze %dma_wait3A_32 : memref<1x400x128xf32, #tpu.memory_space<hbm>> -> memref<400x128xf32, #tpu.memory_space<hbm>>
        %dma_wait3A_34 = arith.constant 9600 : i32
        %dma_wait3A_35 = arith.constant 0 : i32
        %dma_wait3A_36 = tpu.memref_slice %arg10[%dma_wait3A_34, %dma_wait3A_35] : memref<10240x128xf32, #tpu.memory_space<vmem_shared>> -> memref<400x128xf32, #tpu.memory_space<vmem_shared>>
        tpu.wait_dma2 semaphore(%run_scoped3A : memref<!tpu.dma_semaphore, #tpu.memory_space<semaphore_mem>>) src(%dma_wait3A_36 : memref<400x128xf32, #tpu.memory_space<vmem_shared>>) dst(%dma_wait3A_33 : memref<400x128xf32, #tpu.memory_space<hbm>>)
        tpu.yield
      }) : () -> ()
    } else {
    }
    return
  }
}

#map = affine_map<(d0, d1) -> (0, 0, 0, 0)>
#map1 = affine_map<(d0, d1) -> (0, 0, 0)>
#map2 = affine_map<(d0, d1) -> (0, 0)>
module attributes {stable_mosaic.version = 14 : i64} {
  func.func @_spmm(%arg0: i32, %arg1: i32, %arg2: memref<2x16x80x128xi32, #tpu.memory_space<hbm>>, %arg3: memref<16x80x128xi32, #tpu.memory_space<hbm>>, %arg4: memref<20000x128xf32, #tpu.memory_space<hbm>>, %arg5: memref<2x10000x128xf32, #tpu.memory_space<hbm>>, %arg6: memref<80x128xi32, #tpu.memory_space<vmem>>, %arg7: memref<80x128xi32, #tpu.memory_space<vmem>>, %arg8: memref<128x128xf32, #tpu.memory_space<vmem>>, %arg9: memref<16x128xf32, #tpu.memory_space<vmem>>, %arg10: memref<10240x128xf32, #tpu.memory_space<vmem_shared>>, %arg11: memref<!tpu.dma_semaphore, #tpu.memory_space<semaphore_mem>>) attributes {dimension_semantics = [#tpu.dimension_semantics<core_parallel>, #tpu.dimension_semantics<subcore_parallel>], iteration_bounds = array<i64: 2, 16>, scalar_prefetch = 0 : i64, scratch_operands = 6 : i64, tpu.core_type = #tpu.core_type<sc_vector_subcore>, window_params = [{transform_indices = #map}, {transform_indices = #map1}, {transform_indices = #map2}, {transform_indices = #map1}]} {
    "tpu.region"() ({
      %run_scoped3A = tpu.sem_alloc : memref<!tpu.dma_semaphore, #tpu.memory_space<semaphore_mem>>
      %dma_start3A = arith.constant 0 : i32
      %dma_start3A_25 = arith.constant 0 : i32
      %dma_start3A_26 = tpu.memref_slice %arg2[%arg0, %arg1, %dma_start3A, %dma_start3A_25] : memref<2x16x80x128xi32, #tpu.memory_space<hbm>> -> memref<1x1x80x128xi32, #tpu.memory_space<hbm>>
      %dma_start3A_27 = tpu.memref_squeeze %dma_start3A_26 : memref<1x1x80x128xi32, #tpu.memory_space<hbm>> -> memref<80x128xi32, #tpu.memory_space<hbm>>
      %dma_start3A_28 = arith.constant 0 : i32
      %dma_start3A_29 = arith.constant 0 : i32
      %dma_start3A_30 = tpu.memref_slice %arg2[%arg0, %arg1, %dma_start3A_28, %dma_start3A_29] : memref<2x16x80x128xi32, #tpu.memory_space<hbm>> -> memref<1x1x80x128xi32, #tpu.memory_space<hbm>>
      %dma_start3A_31 = tpu.memref_squeeze %dma_start3A_30 : memref<1x1x80x128xi32, #tpu.memory_space<hbm>> -> memref<80x128xi32, #tpu.memory_space<hbm>>
      tpu.enqueue_dma source(%dma_start3A_31 : memref<80x128xi32, #tpu.memory_space<hbm>>) target(%arg6 : memref<80x128xi32, #tpu.memory_space<vmem>>) target_semaphore(%run_scoped3A : memref<!tpu.dma_semaphore, #tpu.memory_space<semaphore_mem>>)
      %dma_wait3A = arith.constant 0 : i32
      %dma_wait3A_32 = arith.constant 0 : i32
      %dma_wait3A_33 = tpu.memref_slice %arg2[%arg0, %arg1, %dma_wait3A, %dma_wait3A_32] : memref<2x16x80x128xi32, #tpu.memory_space<hbm>> -> memref<1x1x80x128xi32, #tpu.memory_space<hbm>>
      %dma_wait3A_34 = tpu.memref_squeeze %dma_wait3A_33 : memref<1x1x80x128xi32, #tpu.memory_space<hbm>> -> memref<80x128xi32, #tpu.memory_space<hbm>>
      %dma_wait3A_35 = arith.constant 0 : i32
      %dma_wait3A_36 = arith.constant 0 : i32
      %dma_wait3A_37 = tpu.memref_slice %arg2[%arg0, %arg1, %dma_wait3A_35, %dma_wait3A_36] : memref<2x16x80x128xi32, #tpu.memory_space<hbm>> -> memref<1x1x80x128xi32, #tpu.memory_space<hbm>>
      %dma_wait3A_38 = tpu.memref_squeeze %dma_wait3A_37 : memref<1x1x80x128xi32, #tpu.memory_space<hbm>> -> memref<80x128xi32, #tpu.memory_space<hbm>>
      tpu.wait_dma2 semaphore(%run_scoped3A : memref<!tpu.dma_semaphore, #tpu.memory_space<semaphore_mem>>) src(%dma_wait3A_38 : memref<80x128xi32, #tpu.memory_space<hbm>>) dst(%arg6 : memref<80x128xi32, #tpu.memory_space<vmem>>)
      tpu.yield
    }) : () -> ()
    "tpu.region"() ({
      %run_scoped3A = tpu.sem_alloc : memref<!tpu.dma_semaphore, #tpu.memory_space<semaphore_mem>>
      %dma_start3A = arith.constant 0 : i32
      %dma_start3A_25 = arith.constant 0 : i32
      %dma_start3A_26 = tpu.memref_slice %arg3[%arg1, %dma_start3A, %dma_start3A_25] : memref<16x80x128xi32, #tpu.memory_space<hbm>> -> memref<1x80x128xi32, #tpu.memory_space<hbm>>
      %dma_start3A_27 = tpu.memref_squeeze %dma_start3A_26 : memref<1x80x128xi32, #tpu.memory_space<hbm>> -> memref<80x128xi32, #tpu.memory_space<hbm>>
      %dma_start3A_28 = arith.constant 0 : i32
      %dma_start3A_29 = arith.constant 0 : i32
      %dma_start3A_30 = tpu.memref_slice %arg3[%arg1, %dma_start3A_28, %dma_start3A_29] : memref<16x80x128xi32, #tpu.memory_space<hbm>> -> memref<1x80x128xi32, #tpu.memory_space<hbm>>
      %dma_start3A_31 = tpu.memref_squeeze %dma_start3A_30 : memref<1x80x128xi32, #tpu.memory_space<hbm>> -> memref<80x128xi32, #tpu.memory_space<hbm>>
      tpu.enqueue_dma source(%dma_start3A_31 : memref<80x128xi32, #tpu.memory_space<hbm>>) target(%arg7 : memref<80x128xi32, #tpu.memory_space<vmem>>) target_semaphore(%run_scoped3A : memref<!tpu.dma_semaphore, #tpu.memory_space<semaphore_mem>>)
      %dma_wait3A = arith.constant 0 : i32
      %dma_wait3A_32 = arith.constant 0 : i32
      %dma_wait3A_33 = tpu.memref_slice %arg3[%arg1, %dma_wait3A, %dma_wait3A_32] : memref<16x80x128xi32, #tpu.memory_space<hbm>> -> memref<1x80x128xi32, #tpu.memory_space<hbm>>
      %dma_wait3A_34 = tpu.memref_squeeze %dma_wait3A_33 : memref<1x80x128xi32, #tpu.memory_space<hbm>> -> memref<80x128xi32, #tpu.memory_space<hbm>>
      %dma_wait3A_35 = arith.constant 0 : i32
      %dma_wait3A_36 = arith.constant 0 : i32
      %dma_wait3A_37 = tpu.memref_slice %arg3[%arg1, %dma_wait3A_35, %dma_wait3A_36] : memref<16x80x128xi32, #tpu.memory_space<hbm>> -> memref<1x80x128xi32, #tpu.memory_space<hbm>>
      %dma_wait3A_38 = tpu.memref_squeeze %dma_wait3A_37 : memref<1x80x128xi32, #tpu.memory_space<hbm>> -> memref<80x128xi32, #tpu.memory_space<hbm>>
      tpu.wait_dma2 semaphore(%run_scoped3A : memref<!tpu.dma_semaphore, #tpu.memory_space<semaphore_mem>>) src(%dma_wait3A_38 : memref<80x128xi32, #tpu.memory_space<hbm>>) dst(%arg7 : memref<80x128xi32, #tpu.memory_space<vmem>>)
      tpu.yield
    }) : () -> ()
    %broadcast_in_dim3A = arith.constant 0.000000e+00 : f32
    %broadcast_in_dim3A_0 = vector.broadcast %broadcast_in_dim3A : f32 to vector<16xf32>
    %scan3A = arith.constant 0 : i32
    %scan3A_1 = arith.constant 0 : i32
    %scan3A_2 = arith.constant 16 : i32
    %scan3A_3 = arith.addi %scan3A_1, %scan3A_2 : i32
    %scan3A_4 = arith.constant 1 : i32
    scf.for %scan3A_25 = %scan3A_1 to %scan3A_3 step %scan3A_4  : i32 {
      %swap3A = arith.index_cast %scan3A_25 : i32 to index
      %swap3A_26 = arith.constant 0 : index
      %swap3A_27 = tpu.vector_load %arg9[%swap3A, %swap3A_26] {strides = array<i32>} : memref<16x128xf32, #tpu.memory_space<vmem>>, vector<1x16xf32>,
      %swap3A_28 = vector.shape_cast %swap3A_27 : vector<1x16xf32> to vector<16xf32>
      %swap3A_29 = vector.shape_cast %broadcast_in_dim3A_0 : vector<16xf32> to vector<1x16xf32>
      tpu.vector_store %arg9[%swap3A, %swap3A_26], %swap3A_29 {strides = array<i32>} : memref<16x128xf32, #tpu.memory_space<vmem>>, vector<1x16xf32>,
      %swap3A_30 = arith.index_cast %scan3A_25 : i32 to index
      %swap3A_31 = arith.constant 16 : index
      %swap3A_32 = tpu.vector_load %arg9[%swap3A_30, %swap3A_31] {strides = array<i32>} : memref<16x128xf32, #tpu.memory_space<vmem>>, vector<1x16xf32>,
      %swap3A_33 = vector.shape_cast %swap3A_32 : vector<1x16xf32> to vector<16xf32>
      %swap3A_34 = vector.shape_cast %broadcast_in_dim3A_0 : vector<16xf32> to vector<1x16xf32>
      tpu.vector_store %arg9[%swap3A_30, %swap3A_31], %swap3A_34 {strides = array<i32>} : memref<16x128xf32, #tpu.memory_space<vmem>>, vector<1x16xf32>,
      %swap3A_35 = arith.index_cast %scan3A_25 : i32 to index
      %swap3A_36 = arith.constant 32 : index
      %swap3A_37 = tpu.vector_load %arg9[%swap3A_35, %swap3A_36] {strides = array<i32>} : memref<16x128xf32, #tpu.memory_space<vmem>>, vector<1x16xf32>,
      %swap3A_38 = vector.shape_cast %swap3A_37 : vector<1x16xf32> to vector<16xf32>
      %swap3A_39 = vector.shape_cast %broadcast_in_dim3A_0 : vector<16xf32> to vector<1x16xf32>
      tpu.vector_store %arg9[%swap3A_35, %swap3A_36], %swap3A_39 {strides = array<i32>} : memref<16x128xf32, #tpu.memory_space<vmem>>, vector<1x16xf32>,
      %swap3A_40 = arith.index_cast %scan3A_25 : i32 to index
      %swap3A_41 = arith.constant 48 : index
      %swap3A_42 = tpu.vector_load %arg9[%swap3A_40, %swap3A_41] {strides = array<i32>} : memref<16x128xf32, #tpu.memory_space<vmem>>, vector<1x16xf32>,
      %swap3A_43 = vector.shape_cast %swap3A_42 : vector<1x16xf32> to vector<16xf32>
      %swap3A_44 = vector.shape_cast %broadcast_in_dim3A_0 : vector<16xf32> to vector<1x16xf32>
      tpu.vector_store %arg9[%swap3A_40, %swap3A_41], %swap3A_44 {strides = array<i32>} : memref<16x128xf32, #tpu.memory_space<vmem>>, vector<1x16xf32>,
      %swap3A_45 = arith.index_cast %scan3A_25 : i32 to index
      %swap3A_46 = arith.constant 64 : index
      %swap3A_47 = tpu.vector_load %arg9[%swap3A_45, %swap3A_46] {strides = array<i32>} : memref<16x128xf32, #tpu.memory_space<vmem>>, vector<1x16xf32>,
      %swap3A_48 = vector.shape_cast %swap3A_47 : vector<1x16xf32> to vector<16xf32>
      %swap3A_49 = vector.shape_cast %broadcast_in_dim3A_0 : vector<16xf32> to vector<1x16xf32>
      tpu.vector_store %arg9[%swap3A_45, %swap3A_46], %swap3A_49 {strides = array<i32>} : memref<16x128xf32, #tpu.memory_space<vmem>>, vector<1x16xf32>,
      %swap3A_50 = arith.index_cast %scan3A_25 : i32 to index
      %swap3A_51 = arith.constant 80 : index
      %swap3A_52 = tpu.vector_load %arg9[%swap3A_50, %swap3A_51] {strides = array<i32>} : memref<16x128xf32, #tpu.memory_space<vmem>>, vector<1x16xf32>,
      %swap3A_53 = vector.shape_cast %swap3A_52 : vector<1x16xf32> to vector<16xf32>
      %swap3A_54 = vector.shape_cast %broadcast_in_dim3A_0 : vector<16xf32> to vector<1x16xf32>
      tpu.vector_store %arg9[%swap3A_50, %swap3A_51], %swap3A_54 {strides = array<i32>} : memref<16x128xf32, #tpu.memory_space<vmem>>, vector<1x16xf32>,
      %swap3A_55 = arith.index_cast %scan3A_25 : i32 to index
      %swap3A_56 = arith.constant 96 : index
      %swap3A_57 = tpu.vector_load %arg9[%swap3A_55, %swap3A_56] {strides = array<i32>} : memref<16x128xf32, #tpu.memory_space<vmem>>, vector<1x16xf32>,
      %swap3A_58 = vector.shape_cast %swap3A_57 : vector<1x16xf32> to vector<16xf32>
      %swap3A_59 = vector.shape_cast %broadcast_in_dim3A_0 : vector<16xf32> to vector<1x16xf32>
      tpu.vector_store %arg9[%swap3A_55, %swap3A_56], %swap3A_59 {strides = array<i32>} : memref<16x128xf32, #tpu.memory_space<vmem>>, vector<1x16xf32>,
      %swap3A_60 = arith.index_cast %scan3A_25 : i32 to index
      %swap3A_61 = arith.constant 112 : index
      %swap3A_62 = tpu.vector_load %arg9[%swap3A_60, %swap3A_61] {strides = array<i32>} : memref<16x128xf32, #tpu.memory_space<vmem>>, vector<1x16xf32>,
      %swap3A_63 = vector.shape_cast %swap3A_62 : vector<1x16xf32> to vector<16xf32>
      %swap3A_64 = vector.shape_cast %broadcast_in_dim3A_0 : vector<16xf32> to vector<1x16xf32>
      tpu.vector_store %arg9[%swap3A_60, %swap3A_61], %swap3A_64 {strides = array<i32>} : memref<16x128xf32, #tpu.memory_space<vmem>>, vector<1x16xf32>,
    }
    %scan3A_5 = arith.constant 16 : i32
    %scan3A_6 = arith.constant 0 : i32
    %scan3A_7 = arith.constant 0 : i32
    %scan3A_8 = arith.constant 40 : i32
    %scan3A_9 = arith.addi %scan3A_7, %scan3A_8 : i32
    %scan3A_10 = arith.constant 1 : i32
    scf.for %scan3A_25 = %scan3A_7 to %scan3A_9 step %scan3A_10  : i32 {
      %mul3A = arith.constant 640 : i32
      %mul3A_26 = arith.muli %arg1, %mul3A : i32
      %mul3A_27 = arith.constant 16 : i32
      %mul3A_28 = arith.muli %scan3A_25, %mul3A_27 : i32
      %add3A = arith.addi %mul3A_26, %mul3A_28 : i32
      "tpu.region"() ({
        %run_scoped3A = tpu.sem_alloc : memref<!tpu.dma_semaphore, #tpu.memory_space<semaphore_mem>>
        %dma_start3A = arith.constant 0 : i32
        %dma_start3A_29 = tpu.memref_slice %arg10[%add3A, %dma_start3A] : memref<10240x128xf32, #tpu.memory_space<vmem_shared>> -> memref<16x128xf32, #tpu.memory_space<vmem_shared>>
        %dma_start3A_30 = arith.constant 0 : i32
        %dma_start3A_31 = tpu.memref_slice %arg10[%add3A, %dma_start3A_30] : memref<10240x128xf32, #tpu.memory_space<vmem_shared>> -> memref<16x128xf32, #tpu.memory_space<vmem_shared>>
        tpu.enqueue_dma source(%arg9 : memref<16x128xf32, #tpu.memory_space<vmem>>) target(%dma_start3A_31 : memref<16x128xf32, #tpu.memory_space<vmem_shared>>) target_semaphore(%run_scoped3A : memref<!tpu.dma_semaphore, #tpu.memory_space<semaphore_mem>>)
        %dma_wait3A = arith.constant 0 : i32
        %dma_wait3A_32 = tpu.memref_slice %arg10[%add3A, %dma_wait3A] : memref<10240x128xf32, #tpu.memory_space<vmem_shared>> -> memref<16x128xf32, #tpu.memory_space<vmem_shared>>
        %dma_wait3A_33 = arith.constant 0 : i32
        %dma_wait3A_34 = tpu.memref_slice %arg10[%add3A, %dma_wait3A_33] : memref<10240x128xf32, #tpu.memory_space<vmem_shared>> -> memref<16x128xf32, #tpu.memory_space<vmem_shared>>
        tpu.wait_dma2 semaphore(%run_scoped3A : memref<!tpu.dma_semaphore, #tpu.memory_space<semaphore_mem>>) src(%arg9 : memref<16x128xf32, #tpu.memory_space<vmem>>) dst(%dma_wait3A_34 : memref<16x128xf32, #tpu.memory_space<vmem_shared>>)
        tpu.yield
      }) : () -> ()
    }
    %scan3A_11 = arith.constant 40 : i32
    %barrier3A = arith.constant 0 : index
    tpu.barrier barrier_id(%barrier3A)
    %scan3A_12 = arith.constant 0 : i32
    %scan3A_13 = arith.constant 0 : i32
    %scan3A_14 = arith.constant 80 : i32
    %scan3A_15 = arith.addi %scan3A_13, %scan3A_14 : i32
    %scan3A_16 = arith.constant 1 : i32
    scf.for %scan3A_25 = %scan3A_13 to %scan3A_15 step %scan3A_16  : i32 {
      %dma_start3A = arith.constant 0 : i32
      %dma_start3A_26 = tpu.memref_slice %arg6[%scan3A_25, %dma_start3A] : memref<80x128xi32, #tpu.memory_space<vmem>> -> memref<1x128xi32, #tpu.memory_space<vmem>>
      %dma_start3A_27 = tpu.memref_squeeze %dma_start3A_26 : memref<1x128xi32, #tpu.memory_space<vmem>> -> memref<128xi32, #tpu.memory_space<vmem>>
      %dma_start3A_28 = arith.constant 0 : i32
      %dma_start3A_29 = arith.constant 0 : i32
      %dma_start3A_30 = tpu.memref_slice %arg4[%dma_start3A_28, %dma_start3A_29] : memref<20000x128xf32, #tpu.memory_space<hbm>> -> memref<20000x128xf32, #tpu.memory_space<hbm>>
      tpu.enqueue_indirect_dma source(%dma_start3A_30 : memref<20000x128xf32, #tpu.memory_space<hbm>>) target(%arg8 : memref<128x128xf32, #tpu.memory_space<vmem>>) offsets(%dma_start3A_27 : memref<128xi32, #tpu.memory_space<vmem>>) semaphore(%arg11 : memref<!tpu.dma_semaphore, #tpu.memory_space<semaphore_mem>>)
      %dma_wait3A = arith.constant 0 : i32
      %dma_wait3A_31 = tpu.memref_slice %arg6[%scan3A_25, %dma_wait3A] : memref<80x128xi32, #tpu.memory_space<vmem>> -> memref<1x128xi32, #tpu.memory_space<vmem>>
      %dma_wait3A_32 = tpu.memref_squeeze %dma_wait3A_31 : memref<1x128xi32, #tpu.memory_space<vmem>> -> memref<128xi32, #tpu.memory_space<vmem>>
      %dma_wait3A_33 = arith.constant 0 : i32
      %dma_wait3A_34 = arith.constant 0 : i32
      %dma_wait3A_35 = tpu.memref_slice %arg4[%dma_wait3A_33, %dma_wait3A_34] : memref<20000x128xf32, #tpu.memory_space<hbm>> -> memref<20000x128xf32, #tpu.memory_space<hbm>>
      tpu.wait_indirect_dma semaphore(%arg11 : memref<!tpu.dma_semaphore, #tpu.memory_space<semaphore_mem>>) src(%dma_wait3A_35 : memref<20000x128xf32, #tpu.memory_space<hbm>>) dst(%arg8 : memref<128x128xf32, #tpu.memory_space<vmem>>)
      "tpu.region"() ({
        %run_scoped3A = tpu.sem_alloc : memref<!tpu.dma_semaphore, #tpu.memory_space<semaphore_mem>>
        %dma_start3A_36 = arith.constant 0 : i32
        %dma_start3A_37 = tpu.memref_slice %arg7[%scan3A_25, %dma_start3A_36] : memref<80x128xi32, #tpu.memory_space<vmem>> -> memref<1x128xi32, #tpu.memory_space<vmem>>
        %dma_start3A_38 = tpu.memref_squeeze %dma_start3A_37 : memref<1x128xi32, #tpu.memory_space<vmem>> -> memref<128xi32, #tpu.memory_space<vmem>>
        %dma_start3A_39 = arith.constant 0 : i32
        %dma_start3A_40 = arith.constant 0 : i32
        %dma_start3A_41 = tpu.memref_slice %arg10[%dma_start3A_39, %dma_start3A_40] : memref<10240x128xf32, #tpu.memory_space<vmem_shared>> -> memref<10240x128xf32, #tpu.memory_space<vmem_shared>>
        tpu.enqueue_indirect_dma source(%arg8 : memref<128x128xf32, #tpu.memory_space<vmem>>) target(%dma_start3A_41 : memref<10240x128xf32, #tpu.memory_space<vmem_shared>>) offsets(%dma_start3A_38 : memref<128xi32, #tpu.memory_space<vmem>>) semaphore(%run_scoped3A : memref<!tpu.dma_semaphore, #tpu.memory_space<semaphore_mem>>) {add = true}
        %dma_wait3A_42 = arith.constant 0 : i32
        %dma_wait3A_43 = tpu.memref_slice %arg7[%scan3A_25, %dma_wait3A_42] : memref<80x128xi32, #tpu.memory_space<vmem>> -> memref<1x128xi32, #tpu.memory_space<vmem>>
        %dma_wait3A_44 = tpu.memref_squeeze %dma_wait3A_43 : memref<1x128xi32, #tpu.memory_space<vmem>> -> memref<128xi32, #tpu.memory_space<vmem>>
        %dma_wait3A_45 = arith.constant 0 : i32
        %dma_wait3A_46 = arith.constant 0 : i32
        %dma_wait3A_47 = tpu.memref_slice %arg10[%dma_wait3A_45, %dma_wait3A_46] : memref<10240x128xf32, #tpu.memory_space<vmem_shared>> -> memref<10240x128xf32, #tpu.memory_space<vmem_shared>>
        tpu.wait_indirect_dma semaphore(%run_scoped3A : memref<!tpu.dma_semaphore, #tpu.memory_space<semaphore_mem>>) src(%arg8 : memref<128x128xf32, #tpu.memory_space<vmem>>) dst(%dma_wait3A_47 : memref<10240x128xf32, #tpu.memory_space<vmem_shared>>)
        tpu.yield
      }) : () -> ()
    }
    %scan3A_17 = arith.constant 80 : i32
    %barrier3A_18 = arith.constant 0 : index
    tpu.barrier barrier_id(%barrier3A_18)
    %lt3A = arith.constant 15 : i32
    %lt3A_19 = arith.cmpi slt, %arg1, %lt3A : i32
    %convert_element_type3A = arith.extui %lt3A_19 : i1 to i32
    %cond3A = arith.constant 0 : i32
    %cond3A_20 = arith.cmpi ne, %convert_element_type3A, %cond3A : i32
    scf.if %cond3A_20 {
      %mul3A = arith.constant 640 : i32
      %mul3A_25 = arith.muli %arg1, %mul3A : i32
      %mul3A_26 = arith.constant 640 : i32
      %mul3A_27 = arith.muli %arg1, %mul3A_26 : i32
      "tpu.region"() ({
        %run_scoped3A = tpu.sem_alloc : memref<!tpu.dma_semaphore, #tpu.memory_space<semaphore_mem>>
        %dma_start3A = arith.constant 0 : i32
        %dma_start3A_28 = tpu.memref_slice %arg5[%arg0, %mul3A_27, %dma_start3A] : memref<2x10000x128xf32, #tpu.memory_space<hbm>> -> memref<1x640x128xf32, #tpu.memory_space<hbm>>
        %dma_start3A_29 = tpu.memref_squeeze %dma_start3A_28 : memref<1x640x128xf32, #tpu.memory_space<hbm>> -> memref<640x128xf32, #tpu.memory_space<hbm>>
        %dma_start3A_30 = arith.constant 0 : i32
        %dma_start3A_31 = tpu.memref_slice %arg10[%mul3A_25, %dma_start3A_30] : memref<10240x128xf32, #tpu.memory_space<vmem_shared>> -> memref<640x128xf32, #tpu.memory_space<vmem_shared>>
        tpu.enqueue_dma source(%dma_start3A_31 : memref<640x128xf32, #tpu.memory_space<vmem_shared>>) target(%dma_start3A_29 : memref<640x128xf32, #tpu.memory_space<hbm>>) target_semaphore(%run_scoped3A : memref<!tpu.dma_semaphore, #tpu.memory_space<semaphore_mem>>)
        %dma_wait3A = arith.constant 0 : i32
        %dma_wait3A_32 = tpu.memref_slice %arg5[%arg0, %mul3A_27, %dma_wait3A] : memref<2x10000x128xf32, #tpu.memory_space<hbm>> -> memref<1x640x128xf32, #tpu.memory_space<hbm>>
        %dma_wait3A_33 = tpu.memref_squeeze %dma_wait3A_32 : memref<1x640x128xf32, #tpu.memory_space<hbm>> -> memref<640x128xf32, #tpu.memory_space<hbm>>
        %dma_wait3A_34 = arith.constant 0 : i32
        %dma_wait3A_35 = tpu.memref_slice %arg10[%mul3A_25, %dma_wait3A_34] : memref<10240x128xf32, #tpu.memory_space<vmem_shared>> -> memref<640x128xf32, #tpu.memory_space<vmem_shared>>
        tpu.wait_dma2 semaphore(%run_scoped3A : memref<!tpu.dma_semaphore, #tpu.memory_space<semaphore_mem>>) src(%dma_wait3A_35 : memref<640x128xf32, #tpu.memory_space<vmem_shared>>) dst(%dma_wait3A_33 : memref<640x128xf32, #tpu.memory_space<hbm>>)
        tpu.yield
      }) : () -> ()
    } else {
    }
    %eq3A = arith.constant 15 : i32
    %eq3A_21 = arith.cmpi eq, %arg1, %eq3A : i32
    %convert_element_type3A_22 = arith.extui %eq3A_21 : i1 to i32
    %cond3A_23 = arith.constant 0 : i32
    %cond3A_24 = arith.cmpi ne, %convert_element_type3A_22, %cond3A_23 : i32
    scf.if %cond3A_24 {
      "tpu.region"() ({
        %run_scoped3A = tpu.sem_alloc : memref<!tpu.dma_semaphore, #tpu.memory_space<semaphore_mem>>
        %dma_start3A = arith.constant 9600 : i32
        %dma_start3A_25 = arith.constant 0 : i32
        %dma_start3A_26 = tpu.memref_slice %arg5[%arg0, %dma_start3A, %dma_start3A_25] : memref<2x10000x128xf32, #tpu.memory_space<hbm>> -> memref<1x400x128xf32, #tpu.memory_space<hbm>>
        %dma_start3A_27 = tpu.memref_squeeze %dma_start3A_26 : memref<1x400x128xf32, #tpu.memory_space<hbm>> -> memref<400x128xf32, #tpu.memory_space<hbm>>
        %dma_start3A_28 = arith.constant 9600 : i32
        %dma_start3A_29 = arith.constant 0 : i32
        %dma_start3A_30 = tpu.memref_slice %arg10[%dma_start3A_28, %dma_start3A_29] : memref<10240x128xf32, #tpu.memory_space<vmem_shared>> -> memref<400x128xf32, #tpu.memory_space<vmem_shared>>
        tpu.enqueue_dma source(%dma_start3A_30 : memref<400x128xf32, #tpu.memory_space<vmem_shared>>) target(%dma_start3A_27 : memref<400x128xf32, #tpu.memory_space<hbm>>) target_semaphore(%run_scoped3A : memref<!tpu.dma_semaphore, #tpu.memory_space<semaphore_mem>>)
        %dma_wait3A = arith.constant 9600 : i32
        %dma_wait3A_31 = arith.constant 0 : i32
        %dma_wait3A_32 = tpu.memref_slice %arg5[%arg0, %dma_wait3A, %dma_wait3A_31] : memref<2x10000x128xf32, #tpu.memory_space<hbm>> -> memref<1x400x128xf32, #tpu.memory_space<hbm>>
        %dma_wait3A_33 = tpu.memref_squeeze %dma_wait3A_32 : memref<1x400x128xf32, #tpu.memory_space<hbm>> -> memref<400x128xf32, #tpu.memory_space<hbm>>
        %dma_wait3A_34 = arith.constant 9600 : i32
        %dma_wait3A_35 = arith.constant 0 : i32
        %dma_wait3A_36 = tpu.memref_slice %arg10[%dma_wait3A_34, %dma_wait3A_35] : memref<10240x128xf32, #tpu.memory_space<vmem_shared>> -> memref<400x128xf32, #tpu.memory_space<vmem_shared>>
        tpu.wait_dma2 semaphore(%run_scoped3A : memref<!tpu.dma_semaphore, #tpu.memory_space<semaphore_mem>>) src(%dma_wait3A_36 : memref<400x128xf32, #tpu.memory_space<vmem_shared>>) dst(%dma_wait3A_33 : memref<400x128xf32, #tpu.memory_space<hbm>>)
        tpu.yield
      }) : () -> ()
    } else {
    }
    return
  }
}

#map = affine_map<(d0, d1) -> (0, 0, 0, 0)>
#map1 = affine_map<(d0, d1) -> (0, 0, 0)>
module attributes {stable_mosaic.version = 14 : i64} {
  func.func @_hist(%arg0: i32, %arg1: i32, %arg2: memref<2x16x40x128xi32, #tpu.memory_space<hbm>>, %arg3: memref<2x10240x128xf32, #tpu.memory_space<hbm>>, %arg4: memref<40x128xi32, #tpu.memory_space<vmem>>, %arg5: memref<128x128xf32, #tpu.memory_space<vmem>>, %arg6: memref<16x128xf32, #tpu.memory_space<vmem>>, %arg7: memref<10240x128xf32, #tpu.memory_space<vmem_shared>>) attributes {dimension_semantics = [#tpu.dimension_semantics<core_parallel>, #tpu.dimension_semantics<subcore_parallel>], iteration_bounds = array<i64: 2, 16>, scalar_prefetch = 0 : i64, scratch_operands = 4 : i64, tpu.core_type = #tpu.core_type<sc_vector_subcore>, window_params = [{transform_indices = #map}, {transform_indices = #map1}]} {
    "tpu.region"() ({
      %run_scoped3A = tpu.sem_alloc : memref<!tpu.dma_semaphore, #tpu.memory_space<semaphore_mem>>
      %dma_start3A = arith.constant 0 : i32
      %dma_start3A_791 = arith.constant 0 : i32
      %dma_start3A_792 = tpu.memref_slice %arg2[%arg0, %arg1, %dma_start3A, %dma_start3A_791] : memref<2x16x40x128xi32, #tpu.memory_space<hbm>> -> memref<1x1x40x128xi32, #tpu.memory_space<hbm>>
      %dma_start3A_793 = tpu.memref_squeeze %dma_start3A_792 : memref<1x1x40x128xi32, #tpu.memory_space<hbm>> -> memref<40x128xi32, #tpu.memory_space<hbm>>
      %dma_start3A_794 = arith.constant 0 : i32
      %dma_start3A_795 = arith.constant 0 : i32
      %dma_start3A_796 = tpu.memref_slice %arg2[%arg0, %arg1, %dma_start3A_794, %dma_start3A_795] : memref<2x16x40x128xi32, #tpu.memory_space<hbm>> -> memref<1x1x40x128xi32, #tpu.memory_space<hbm>>
      %dma_start3A_797 = tpu.memref_squeeze %dma_start3A_796 : memref<1x1x40x128xi32, #tpu.memory_space<hbm>> -> memref<40x128xi32, #tpu.memory_space<hbm>>
      tpu.enqueue_dma source(%dma_start3A_797 : memref<40x128xi32, #tpu.memory_space<hbm>>) target(%arg4 : memref<40x128xi32, #tpu.memory_space<vmem>>) target_semaphore(%run_scoped3A : memref<!tpu.dma_semaphore, #tpu.memory_space<semaphore_mem>>)
      %dma_wait3A = arith.constant 0 : i32
      %dma_wait3A_798 = arith.constant 0 : i32
      %dma_wait3A_799 = tpu.memref_slice %arg2[%arg0, %arg1, %dma_wait3A, %dma_wait3A_798] : memref<2x16x40x128xi32, #tpu.memory_space<hbm>> -> memref<1x1x40x128xi32, #tpu.memory_space<hbm>>
      %dma_wait3A_800 = tpu.memref_squeeze %dma_wait3A_799 : memref<1x1x40x128xi32, #tpu.memory_space<hbm>> -> memref<40x128xi32, #tpu.memory_space<hbm>>
      %dma_wait3A_801 = arith.constant 0 : i32
      %dma_wait3A_802 = arith.constant 0 : i32
      %dma_wait3A_803 = tpu.memref_slice %arg2[%arg0, %arg1, %dma_wait3A_801, %dma_wait3A_802] : memref<2x16x40x128xi32, #tpu.memory_space<hbm>> -> memref<1x1x40x128xi32, #tpu.memory_space<hbm>>
      %dma_wait3A_804 = tpu.memref_squeeze %dma_wait3A_803 : memref<1x1x40x128xi32, #tpu.memory_space<hbm>> -> memref<40x128xi32, #tpu.memory_space<hbm>>
      tpu.wait_dma2 semaphore(%run_scoped3A : memref<!tpu.dma_semaphore, #tpu.memory_space<semaphore_mem>>) src(%dma_wait3A_804 : memref<40x128xi32, #tpu.memory_space<hbm>>) dst(%arg4 : memref<40x128xi32, #tpu.memory_space<vmem>>)
      tpu.yield
    }) : () -> ()
    %broadcast_in_dim3A = arith.constant 1.000000e+00 : f32
    %broadcast_in_dim3A_0 = vector.broadcast %broadcast_in_dim3A : f32 to vector<16xf32>
    %broadcast_in_dim3A_1 = arith.constant 0.000000e+00 : f32
    %broadcast_in_dim3A_2 = vector.broadcast %broadcast_in_dim3A_1 : f32 to vector<16xf32>
    %swap3A = arith.constant 0 : i32
    %swap3A_3 = arith.index_cast %swap3A : i32 to index
    %swap3A_4 = arith.constant 0 : index
    %swap3A_5 = tpu.vector_load %arg6[%swap3A_3, %swap3A_4] {strides = array<i32>} : memref<16x128xf32, #tpu.memory_space<vmem>>, vector<1x16xf32>,
    %swap3A_6 = vector.shape_cast %swap3A_5 : vector<1x16xf32> to vector<16xf32>
    %swap3A_7 = vector.shape_cast %broadcast_in_dim3A_2 : vector<16xf32> to vector<1x16xf32>
    tpu.vector_store %arg6[%swap3A_3, %swap3A_4], %swap3A_7 {strides = array<i32>} : memref<16x128xf32, #tpu.memory_space<vmem>>, vector<1x16xf32>,
    %swap3A_8 = arith.constant 0 : i32
    %swap3A_9 = arith.index_cast %swap3A_8 : i32 to index
    %swap3A_10 = arith.constant 16 : index
    %swap3A_11 = tpu.vector_load %arg6[%swap3A_9, %swap3A_10] {strides = array<i32>} : memref<16x128xf32, #tpu.memory_space<vmem>>, vector<1x16xf32>,
    %swap3A_12 = vector.shape_cast %swap3A_11 : vector<1x16xf32> to vector<16xf32>
    %swap3A_13 = vector.shape_cast %broadcast_in_dim3A_2 : vector<16xf32> to vector<1x16xf32>
    tpu.vector_store %arg6[%swap3A_9, %swap3A_10], %swap3A_13 {strides = array<i32>} : memref<16x128xf32, #tpu.memory_space<vmem>>, vector<1x16xf32>,
    %swap3A_14 = arith.constant 0 : i32
    %swap3A_15 = arith.index_cast %swap3A_14 : i32 to index
    %swap3A_16 = arith.constant 32 : index
    %swap3A_17 = tpu.vector_load %arg6[%swap3A_15, %swap3A_16] {strides = array<i32>} : memref<16x128xf32, #tpu.memory_space<vmem>>, vector<1x16xf32>,
    %swap3A_18 = vector.shape_cast %swap3A_17 : vector<1x16xf32> to vector<16xf32>
    %swap3A_19 = vector.shape_cast %broadcast_in_dim3A_2 : vector<16xf32> to vector<1x16xf32>
    tpu.vector_store %arg6[%swap3A_15, %swap3A_16], %swap3A_19 {strides = array<i32>} : memref<16x128xf32, #tpu.memory_space<vmem>>, vector<1x16xf32>,
    %swap3A_20 = arith.constant 0 : i32
    %swap3A_21 = arith.index_cast %swap3A_20 : i32 to index
    %swap3A_22 = arith.constant 48 : index
    %swap3A_23 = tpu.vector_load %arg6[%swap3A_21, %swap3A_22] {strides = array<i32>} : memref<16x128xf32, #tpu.memory_space<vmem>>, vector<1x16xf32>,
    %swap3A_24 = vector.shape_cast %swap3A_23 : vector<1x16xf32> to vector<16xf32>
    %swap3A_25 = vector.shape_cast %broadcast_in_dim3A_2 : vector<16xf32> to vector<1x16xf32>
    tpu.vector_store %arg6[%swap3A_21, %swap3A_22], %swap3A_25 {strides = array<i32>} : memref<16x128xf32, #tpu.memory_space<vmem>>, vector<1x16xf32>,
    %swap3A_26 = arith.constant 0 : i32
    %swap3A_27 = arith.index_cast %swap3A_26 : i32 to index
    %swap3A_28 = arith.constant 64 : index
    %swap3A_29 = tpu.vector_load %arg6[%swap3A_27, %swap3A_28] {strides = array<i32>} : memref<16x128xf32, #tpu.memory_space<vmem>>, vector<1x16xf32>,
    %swap3A_30 = vector.shape_cast %swap3A_29 : vector<1x16xf32> to vector<16xf32>
    %swap3A_31 = vector.shape_cast %broadcast_in_dim3A_2 : vector<16xf32> to vector<1x16xf32>
    tpu.vector_store %arg6[%swap3A_27, %swap3A_28], %swap3A_31 {strides = array<i32>} : memref<16x128xf32, #tpu.memory_space<vmem>>, vector<1x16xf32>,
    %swap3A_32 = arith.constant 0 : i32
    %swap3A_33 = arith.index_cast %swap3A_32 : i32 to index
    %swap3A_34 = arith.constant 80 : index
    %swap3A_35 = tpu.vector_load %arg6[%swap3A_33, %swap3A_34] {strides = array<i32>} : memref<16x128xf32, #tpu.memory_space<vmem>>, vector<1x16xf32>,
    %swap3A_36 = vector.shape_cast %swap3A_35 : vector<1x16xf32> to vector<16xf32>
    %swap3A_37 = vector.shape_cast %broadcast_in_dim3A_2 : vector<16xf32> to vector<1x16xf32>
    tpu.vector_store %arg6[%swap3A_33, %swap3A_34], %swap3A_37 {strides = array<i32>} : memref<16x128xf32, #tpu.memory_space<vmem>>, vector<1x16xf32>,
    %swap3A_38 = arith.constant 0 : i32
    %swap3A_39 = arith.index_cast %swap3A_38 : i32 to index
    %swap3A_40 = arith.constant 96 : index
    %swap3A_41 = tpu.vector_load %arg6[%swap3A_39, %swap3A_40] {strides = array<i32>} : memref<16x128xf32, #tpu.memory_space<vmem>>, vector<1x16xf32>,
    %swap3A_42 = vector.shape_cast %swap3A_41 : vector<1x16xf32> to vector<16xf32>
    %swap3A_43 = vector.shape_cast %broadcast_in_dim3A_2 : vector<16xf32> to vector<1x16xf32>
    tpu.vector_store %arg6[%swap3A_39, %swap3A_40], %swap3A_43 {strides = array<i32>} : memref<16x128xf32, #tpu.memory_space<vmem>>, vector<1x16xf32>,
    %swap3A_44 = arith.constant 0 : i32
    %swap3A_45 = arith.index_cast %swap3A_44 : i32 to index
    %swap3A_46 = arith.constant 112 : index
    %swap3A_47 = tpu.vector_load %arg6[%swap3A_45, %swap3A_46] {strides = array<i32>} : memref<16x128xf32, #tpu.memory_space<vmem>>, vector<1x16xf32>,
    %swap3A_48 = vector.shape_cast %swap3A_47 : vector<1x16xf32> to vector<16xf32>
    %swap3A_49 = vector.shape_cast %broadcast_in_dim3A_2 : vector<16xf32> to vector<1x16xf32>
    tpu.vector_store %arg6[%swap3A_45, %swap3A_46], %swap3A_49 {strides = array<i32>} : memref<16x128xf32, #tpu.memory_space<vmem>>, vector<1x16xf32>,
    %swap3A_50 = arith.constant 1 : i32
    %swap3A_51 = arith.index_cast %swap3A_50 : i32 to index
    %swap3A_52 = arith.constant 0 : index
    %swap3A_53 = tpu.vector_load %arg6[%swap3A_51, %swap3A_52] {strides = array<i32>} : memref<16x128xf32, #tpu.memory_space<vmem>>, vector<1x16xf32>,
    %swap3A_54 = vector.shape_cast %swap3A_53 : vector<1x16xf32> to vector<16xf32>
    %swap3A_55 = vector.shape_cast %broadcast_in_dim3A_2 : vector<16xf32> to vector<1x16xf32>
    tpu.vector_store %arg6[%swap3A_51, %swap3A_52], %swap3A_55 {strides = array<i32>} : memref<16x128xf32, #tpu.memory_space<vmem>>, vector<1x16xf32>,
    %swap3A_56 = arith.constant 1 : i32
    %swap3A_57 = arith.index_cast %swap3A_56 : i32 to index
    %swap3A_58 = arith.constant 16 : index
    %swap3A_59 = tpu.vector_load %arg6[%swap3A_57, %swap3A_58] {strides = array<i32>} : memref<16x128xf32, #tpu.memory_space<vmem>>, vector<1x16xf32>,
    %swap3A_60 = vector.shape_cast %swap3A_59 : vector<1x16xf32> to vector<16xf32>
    %swap3A_61 = vector.shape_cast %broadcast_in_dim3A_2 : vector<16xf32> to vector<1x16xf32>
    tpu.vector_store %arg6[%swap3A_57, %swap3A_58], %swap3A_61 {strides = array<i32>} : memref<16x128xf32, #tpu.memory_space<vmem>>, vector<1x16xf32>,
    %swap3A_62 = arith.constant 1 : i32
    %swap3A_63 = arith.index_cast %swap3A_62 : i32 to index
    %swap3A_64 = arith.constant 32 : index
    %swap3A_65 = tpu.vector_load %arg6[%swap3A_63, %swap3A_64] {strides = array<i32>} : memref<16x128xf32, #tpu.memory_space<vmem>>, vector<1x16xf32>,
    %swap3A_66 = vector.shape_cast %swap3A_65 : vector<1x16xf32> to vector<16xf32>
    %swap3A_67 = vector.shape_cast %broadcast_in_dim3A_2 : vector<16xf32> to vector<1x16xf32>
    tpu.vector_store %arg6[%swap3A_63, %swap3A_64], %swap3A_67 {strides = array<i32>} : memref<16x128xf32, #tpu.memory_space<vmem>>, vector<1x16xf32>,
    %swap3A_68 = arith.constant 1 : i32
    %swap3A_69 = arith.index_cast %swap3A_68 : i32 to index
    %swap3A_70 = arith.constant 48 : index
    %swap3A_71 = tpu.vector_load %arg6[%swap3A_69, %swap3A_70] {strides = array<i32>} : memref<16x128xf32, #tpu.memory_space<vmem>>, vector<1x16xf32>,
    %swap3A_72 = vector.shape_cast %swap3A_71 : vector<1x16xf32> to vector<16xf32>
    %swap3A_73 = vector.shape_cast %broadcast_in_dim3A_2 : vector<16xf32> to vector<1x16xf32>
    tpu.vector_store %arg6[%swap3A_69, %swap3A_70], %swap3A_73 {strides = array<i32>} : memref<16x128xf32, #tpu.memory_space<vmem>>, vector<1x16xf32>,
    %swap3A_74 = arith.constant 1 : i32
    %swap3A_75 = arith.index_cast %swap3A_74 : i32 to index
    %swap3A_76 = arith.constant 64 : index
    %swap3A_77 = tpu.vector_load %arg6[%swap3A_75, %swap3A_76] {strides = array<i32>} : memref<16x128xf32, #tpu.memory_space<vmem>>, vector<1x16xf32>,
    %swap3A_78 = vector.shape_cast %swap3A_77 : vector<1x16xf32> to vector<16xf32>
    %swap3A_79 = vector.shape_cast %broadcast_in_dim3A_2 : vector<16xf32> to vector<1x16xf32>
    tpu.vector_store %arg6[%swap3A_75, %swap3A_76], %swap3A_79 {strides = array<i32>} : memref<16x128xf32, #tpu.memory_space<vmem>>, vector<1x16xf32>,
    %swap3A_80 = arith.constant 1 : i32
    %swap3A_81 = arith.index_cast %swap3A_80 : i32 to index
    %swap3A_82 = arith.constant 80 : index
    %swap3A_83 = tpu.vector_load %arg6[%swap3A_81, %swap3A_82] {strides = array<i32>} : memref<16x128xf32, #tpu.memory_space<vmem>>, vector<1x16xf32>,
    %swap3A_84 = vector.shape_cast %swap3A_83 : vector<1x16xf32> to vector<16xf32>
    %swap3A_85 = vector.shape_cast %broadcast_in_dim3A_2 : vector<16xf32> to vector<1x16xf32>
    tpu.vector_store %arg6[%swap3A_81, %swap3A_82], %swap3A_85 {strides = array<i32>} : memref<16x128xf32, #tpu.memory_space<vmem>>, vector<1x16xf32>,
    %swap3A_86 = arith.constant 1 : i32
    %swap3A_87 = arith.index_cast %swap3A_86 : i32 to index
    %swap3A_88 = arith.constant 96 : index
    %swap3A_89 = tpu.vector_load %arg6[%swap3A_87, %swap3A_88] {strides = array<i32>} : memref<16x128xf32, #tpu.memory_space<vmem>>, vector<1x16xf32>,
    %swap3A_90 = vector.shape_cast %swap3A_89 : vector<1x16xf32> to vector<16xf32>
    %swap3A_91 = vector.shape_cast %broadcast_in_dim3A_2 : vector<16xf32> to vector<1x16xf32>
    tpu.vector_store %arg6[%swap3A_87, %swap3A_88], %swap3A_91 {strides = array<i32>} : memref<16x128xf32, #tpu.memory_space<vmem>>, vector<1x16xf32>,
    %swap3A_92 = arith.constant 1 : i32
    %swap3A_93 = arith.index_cast %swap3A_92 : i32 to index
    %swap3A_94 = arith.constant 112 : index
    %swap3A_95 = tpu.vector_load %arg6[%swap3A_93, %swap3A_94] {strides = array<i32>} : memref<16x128xf32, #tpu.memory_space<vmem>>, vector<1x16xf32>,
    %swap3A_96 = vector.shape_cast %swap3A_95 : vector<1x16xf32> to vector<16xf32>
    %swap3A_97 = vector.shape_cast %broadcast_in_dim3A_2 : vector<16xf32> to vector<1x16xf32>
    tpu.vector_store %arg6[%swap3A_93, %swap3A_94], %swap3A_97 {strides = array<i32>} : memref<16x128xf32, #tpu.memory_space<vmem>>, vector<1x16xf32>,
    %swap3A_98 = arith.constant 2 : i32
    %swap3A_99 = arith.index_cast %swap3A_98 : i32 to index
    %swap3A_100 = arith.constant 0 : index
    %swap3A_101 = tpu.vector_load %arg6[%swap3A_99, %swap3A_100] {strides = array<i32>} : memref<16x128xf32, #tpu.memory_space<vmem>>, vector<1x16xf32>,
    %swap3A_102 = vector.shape_cast %swap3A_101 : vector<1x16xf32> to vector<16xf32>
    %swap3A_103 = vector.shape_cast %broadcast_in_dim3A_2 : vector<16xf32> to vector<1x16xf32>
    tpu.vector_store %arg6[%swap3A_99, %swap3A_100], %swap3A_103 {strides = array<i32>} : memref<16x128xf32, #tpu.memory_space<vmem>>, vector<1x16xf32>,
    %swap3A_104 = arith.constant 2 : i32
    %swap3A_105 = arith.index_cast %swap3A_104 : i32 to index
    %swap3A_106 = arith.constant 16 : index
    %swap3A_107 = tpu.vector_load %arg6[%swap3A_105, %swap3A_106] {strides = array<i32>} : memref<16x128xf32, #tpu.memory_space<vmem>>, vector<1x16xf32>,
    %swap3A_108 = vector.shape_cast %swap3A_107 : vector<1x16xf32> to vector<16xf32>
    %swap3A_109 = vector.shape_cast %broadcast_in_dim3A_2 : vector<16xf32> to vector<1x16xf32>
    tpu.vector_store %arg6[%swap3A_105, %swap3A_106], %swap3A_109 {strides = array<i32>} : memref<16x128xf32, #tpu.memory_space<vmem>>, vector<1x16xf32>,
    %swap3A_110 = arith.constant 2 : i32
    %swap3A_111 = arith.index_cast %swap3A_110 : i32 to index
    %swap3A_112 = arith.constant 32 : index
    %swap3A_113 = tpu.vector_load %arg6[%swap3A_111, %swap3A_112] {strides = array<i32>} : memref<16x128xf32, #tpu.memory_space<vmem>>, vector<1x16xf32>,
    %swap3A_114 = vector.shape_cast %swap3A_113 : vector<1x16xf32> to vector<16xf32>
    %swap3A_115 = vector.shape_cast %broadcast_in_dim3A_2 : vector<16xf32> to vector<1x16xf32>
    tpu.vector_store %arg6[%swap3A_111, %swap3A_112], %swap3A_115 {strides = array<i32>} : memref<16x128xf32, #tpu.memory_space<vmem>>, vector<1x16xf32>,
    %swap3A_116 = arith.constant 2 : i32
    %swap3A_117 = arith.index_cast %swap3A_116 : i32 to index
    %swap3A_118 = arith.constant 48 : index
    %swap3A_119 = tpu.vector_load %arg6[%swap3A_117, %swap3A_118] {strides = array<i32>} : memref<16x128xf32, #tpu.memory_space<vmem>>, vector<1x16xf32>,
    %swap3A_120 = vector.shape_cast %swap3A_119 : vector<1x16xf32> to vector<16xf32>
    %swap3A_121 = vector.shape_cast %broadcast_in_dim3A_2 : vector<16xf32> to vector<1x16xf32>
    tpu.vector_store %arg6[%swap3A_117, %swap3A_118], %swap3A_121 {strides = array<i32>} : memref<16x128xf32, #tpu.memory_space<vmem>>, vector<1x16xf32>,
    %swap3A_122 = arith.constant 2 : i32
    %swap3A_123 = arith.index_cast %swap3A_122 : i32 to index
    %swap3A_124 = arith.constant 64 : index
    %swap3A_125 = tpu.vector_load %arg6[%swap3A_123, %swap3A_124] {strides = array<i32>} : memref<16x128xf32, #tpu.memory_space<vmem>>, vector<1x16xf32>,
    %swap3A_126 = vector.shape_cast %swap3A_125 : vector<1x16xf32> to vector<16xf32>
    %swap3A_127 = vector.shape_cast %broadcast_in_dim3A_2 : vector<16xf32> to vector<1x16xf32>
    tpu.vector_store %arg6[%swap3A_123, %swap3A_124], %swap3A_127 {strides = array<i32>} : memref<16x128xf32, #tpu.memory_space<vmem>>, vector<1x16xf32>,
    %swap3A_128 = arith.constant 2 : i32
    %swap3A_129 = arith.index_cast %swap3A_128 : i32 to index
    %swap3A_130 = arith.constant 80 : index
    %swap3A_131 = tpu.vector_load %arg6[%swap3A_129, %swap3A_130] {strides = array<i32>} : memref<16x128xf32, #tpu.memory_space<vmem>>, vector<1x16xf32>,
    %swap3A_132 = vector.shape_cast %swap3A_131 : vector<1x16xf32> to vector<16xf32>
    %swap3A_133 = vector.shape_cast %broadcast_in_dim3A_2 : vector<16xf32> to vector<1x16xf32>
    tpu.vector_store %arg6[%swap3A_129, %swap3A_130], %swap3A_133 {strides = array<i32>} : memref<16x128xf32, #tpu.memory_space<vmem>>, vector<1x16xf32>,
    %swap3A_134 = arith.constant 2 : i32
    %swap3A_135 = arith.index_cast %swap3A_134 : i32 to index
    %swap3A_136 = arith.constant 96 : index
    %swap3A_137 = tpu.vector_load %arg6[%swap3A_135, %swap3A_136] {strides = array<i32>} : memref<16x128xf32, #tpu.memory_space<vmem>>, vector<1x16xf32>,
    %swap3A_138 = vector.shape_cast %swap3A_137 : vector<1x16xf32> to vector<16xf32>
    %swap3A_139 = vector.shape_cast %broadcast_in_dim3A_2 : vector<16xf32> to vector<1x16xf32>
    tpu.vector_store %arg6[%swap3A_135, %swap3A_136], %swap3A_139 {strides = array<i32>} : memref<16x128xf32, #tpu.memory_space<vmem>>, vector<1x16xf32>,
    %swap3A_140 = arith.constant 2 : i32
    %swap3A_141 = arith.index_cast %swap3A_140 : i32 to index
    %swap3A_142 = arith.constant 112 : index
    %swap3A_143 = tpu.vector_load %arg6[%swap3A_141, %swap3A_142] {strides = array<i32>} : memref<16x128xf32, #tpu.memory_space<vmem>>, vector<1x16xf32>,
    %swap3A_144 = vector.shape_cast %swap3A_143 : vector<1x16xf32> to vector<16xf32>
    %swap3A_145 = vector.shape_cast %broadcast_in_dim3A_2 : vector<16xf32> to vector<1x16xf32>
    tpu.vector_store %arg6[%swap3A_141, %swap3A_142], %swap3A_145 {strides = array<i32>} : memref<16x128xf32, #tpu.memory_space<vmem>>, vector<1x16xf32>,
    %swap3A_146 = arith.constant 3 : i32
    %swap3A_147 = arith.index_cast %swap3A_146 : i32 to index
    %swap3A_148 = arith.constant 0 : index
    %swap3A_149 = tpu.vector_load %arg6[%swap3A_147, %swap3A_148] {strides = array<i32>} : memref<16x128xf32, #tpu.memory_space<vmem>>, vector<1x16xf32>,
    %swap3A_150 = vector.shape_cast %swap3A_149 : vector<1x16xf32> to vector<16xf32>
    %swap3A_151 = vector.shape_cast %broadcast_in_dim3A_2 : vector<16xf32> to vector<1x16xf32>
    tpu.vector_store %arg6[%swap3A_147, %swap3A_148], %swap3A_151 {strides = array<i32>} : memref<16x128xf32, #tpu.memory_space<vmem>>, vector<1x16xf32>,
    %swap3A_152 = arith.constant 3 : i32
    %swap3A_153 = arith.index_cast %swap3A_152 : i32 to index
    %swap3A_154 = arith.constant 16 : index
    %swap3A_155 = tpu.vector_load %arg6[%swap3A_153, %swap3A_154] {strides = array<i32>} : memref<16x128xf32, #tpu.memory_space<vmem>>, vector<1x16xf32>,
    %swap3A_156 = vector.shape_cast %swap3A_155 : vector<1x16xf32> to vector<16xf32>
    %swap3A_157 = vector.shape_cast %broadcast_in_dim3A_2 : vector<16xf32> to vector<1x16xf32>
    tpu.vector_store %arg6[%swap3A_153, %swap3A_154], %swap3A_157 {strides = array<i32>} : memref<16x128xf32, #tpu.memory_space<vmem>>, vector<1x16xf32>,
    %swap3A_158 = arith.constant 3 : i32
    %swap3A_159 = arith.index_cast %swap3A_158 : i32 to index
    %swap3A_160 = arith.constant 32 : index
    %swap3A_161 = tpu.vector_load %arg6[%swap3A_159, %swap3A_160] {strides = array<i32>} : memref<16x128xf32, #tpu.memory_space<vmem>>, vector<1x16xf32>,
    %swap3A_162 = vector.shape_cast %swap3A_161 : vector<1x16xf32> to vector<16xf32>
    %swap3A_163 = vector.shape_cast %broadcast_in_dim3A_2 : vector<16xf32> to vector<1x16xf32>
    tpu.vector_store %arg6[%swap3A_159, %swap3A_160], %swap3A_163 {strides = array<i32>} : memref<16x128xf32, #tpu.memory_space<vmem>>, vector<1x16xf32>,
    %swap3A_164 = arith.constant 3 : i32
    %swap3A_165 = arith.index_cast %swap3A_164 : i32 to index
    %swap3A_166 = arith.constant 48 : index
    %swap3A_167 = tpu.vector_load %arg6[%swap3A_165, %swap3A_166] {strides = array<i32>} : memref<16x128xf32, #tpu.memory_space<vmem>>, vector<1x16xf32>,
    %swap3A_168 = vector.shape_cast %swap3A_167 : vector<1x16xf32> to vector<16xf32>
    %swap3A_169 = vector.shape_cast %broadcast_in_dim3A_2 : vector<16xf32> to vector<1x16xf32>
    tpu.vector_store %arg6[%swap3A_165, %swap3A_166], %swap3A_169 {strides = array<i32>} : memref<16x128xf32, #tpu.memory_space<vmem>>, vector<1x16xf32>,
    %swap3A_170 = arith.constant 3 : i32
    %swap3A_171 = arith.index_cast %swap3A_170 : i32 to index
    %swap3A_172 = arith.constant 64 : index
    %swap3A_173 = tpu.vector_load %arg6[%swap3A_171, %swap3A_172] {strides = array<i32>} : memref<16x128xf32, #tpu.memory_space<vmem>>, vector<1x16xf32>,
    %swap3A_174 = vector.shape_cast %swap3A_173 : vector<1x16xf32> to vector<16xf32>
    %swap3A_175 = vector.shape_cast %broadcast_in_dim3A_2 : vector<16xf32> to vector<1x16xf32>
    tpu.vector_store %arg6[%swap3A_171, %swap3A_172], %swap3A_175 {strides = array<i32>} : memref<16x128xf32, #tpu.memory_space<vmem>>, vector<1x16xf32>,
    %swap3A_176 = arith.constant 3 : i32
    %swap3A_177 = arith.index_cast %swap3A_176 : i32 to index
    %swap3A_178 = arith.constant 80 : index
    %swap3A_179 = tpu.vector_load %arg6[%swap3A_177, %swap3A_178] {strides = array<i32>} : memref<16x128xf32, #tpu.memory_space<vmem>>, vector<1x16xf32>,
    %swap3A_180 = vector.shape_cast %swap3A_179 : vector<1x16xf32> to vector<16xf32>
    %swap3A_181 = vector.shape_cast %broadcast_in_dim3A_2 : vector<16xf32> to vector<1x16xf32>
    tpu.vector_store %arg6[%swap3A_177, %swap3A_178], %swap3A_181 {strides = array<i32>} : memref<16x128xf32, #tpu.memory_space<vmem>>, vector<1x16xf32>,
    %swap3A_182 = arith.constant 3 : i32
    %swap3A_183 = arith.index_cast %swap3A_182 : i32 to index
    %swap3A_184 = arith.constant 96 : index
    %swap3A_185 = tpu.vector_load %arg6[%swap3A_183, %swap3A_184] {strides = array<i32>} : memref<16x128xf32, #tpu.memory_space<vmem>>, vector<1x16xf32>,
    %swap3A_186 = vector.shape_cast %swap3A_185 : vector<1x16xf32> to vector<16xf32>
    %swap3A_187 = vector.shape_cast %broadcast_in_dim3A_2 : vector<16xf32> to vector<1x16xf32>
    tpu.vector_store %arg6[%swap3A_183, %swap3A_184], %swap3A_187 {strides = array<i32>} : memref<16x128xf32, #tpu.memory_space<vmem>>, vector<1x16xf32>,
    %swap3A_188 = arith.constant 3 : i32
    %swap3A_189 = arith.index_cast %swap3A_188 : i32 to index
    %swap3A_190 = arith.constant 112 : index
    %swap3A_191 = tpu.vector_load %arg6[%swap3A_189, %swap3A_190] {strides = array<i32>} : memref<16x128xf32, #tpu.memory_space<vmem>>, vector<1x16xf32>,
    %swap3A_192 = vector.shape_cast %swap3A_191 : vector<1x16xf32> to vector<16xf32>
    %swap3A_193 = vector.shape_cast %broadcast_in_dim3A_2 : vector<16xf32> to vector<1x16xf32>
    tpu.vector_store %arg6[%swap3A_189, %swap3A_190], %swap3A_193 {strides = array<i32>} : memref<16x128xf32, #tpu.memory_space<vmem>>, vector<1x16xf32>,
    %swap3A_194 = arith.constant 4 : i32
    %swap3A_195 = arith.index_cast %swap3A_194 : i32 to index
    %swap3A_196 = arith.constant 0 : index
    %swap3A_197 = tpu.vector_load %arg6[%swap3A_195, %swap3A_196] {strides = array<i32>} : memref<16x128xf32, #tpu.memory_space<vmem>>, vector<1x16xf32>,
    %swap3A_198 = vector.shape_cast %swap3A_197 : vector<1x16xf32> to vector<16xf32>
    %swap3A_199 = vector.shape_cast %broadcast_in_dim3A_2 : vector<16xf32> to vector<1x16xf32>
    tpu.vector_store %arg6[%swap3A_195, %swap3A_196], %swap3A_199 {strides = array<i32>} : memref<16x128xf32, #tpu.memory_space<vmem>>, vector<1x16xf32>,
    %swap3A_200 = arith.constant 4 : i32
    %swap3A_201 = arith.index_cast %swap3A_200 : i32 to index
    %swap3A_202 = arith.constant 16 : index
    %swap3A_203 = tpu.vector_load %arg6[%swap3A_201, %swap3A_202] {strides = array<i32>} : memref<16x128xf32, #tpu.memory_space<vmem>>, vector<1x16xf32>,
    %swap3A_204 = vector.shape_cast %swap3A_203 : vector<1x16xf32> to vector<16xf32>
    %swap3A_205 = vector.shape_cast %broadcast_in_dim3A_2 : vector<16xf32> to vector<1x16xf32>
    tpu.vector_store %arg6[%swap3A_201, %swap3A_202], %swap3A_205 {strides = array<i32>} : memref<16x128xf32, #tpu.memory_space<vmem>>, vector<1x16xf32>,
    %swap3A_206 = arith.constant 4 : i32
    %swap3A_207 = arith.index_cast %swap3A_206 : i32 to index
    %swap3A_208 = arith.constant 32 : index
    %swap3A_209 = tpu.vector_load %arg6[%swap3A_207, %swap3A_208] {strides = array<i32>} : memref<16x128xf32, #tpu.memory_space<vmem>>, vector<1x16xf32>,
    %swap3A_210 = vector.shape_cast %swap3A_209 : vector<1x16xf32> to vector<16xf32>
    %swap3A_211 = vector.shape_cast %broadcast_in_dim3A_2 : vector<16xf32> to vector<1x16xf32>
    tpu.vector_store %arg6[%swap3A_207, %swap3A_208], %swap3A_211 {strides = array<i32>} : memref<16x128xf32, #tpu.memory_space<vmem>>, vector<1x16xf32>,
    %swap3A_212 = arith.constant 4 : i32
    %swap3A_213 = arith.index_cast %swap3A_212 : i32 to index
    %swap3A_214 = arith.constant 48 : index
    %swap3A_215 = tpu.vector_load %arg6[%swap3A_213, %swap3A_214] {strides = array<i32>} : memref<16x128xf32, #tpu.memory_space<vmem>>, vector<1x16xf32>,
    %swap3A_216 = vector.shape_cast %swap3A_215 : vector<1x16xf32> to vector<16xf32>
    %swap3A_217 = vector.shape_cast %broadcast_in_dim3A_2 : vector<16xf32> to vector<1x16xf32>
    tpu.vector_store %arg6[%swap3A_213, %swap3A_214], %swap3A_217 {strides = array<i32>} : memref<16x128xf32, #tpu.memory_space<vmem>>, vector<1x16xf32>,
    %swap3A_218 = arith.constant 4 : i32
    %swap3A_219 = arith.index_cast %swap3A_218 : i32 to index
    %swap3A_220 = arith.constant 64 : index
    %swap3A_221 = tpu.vector_load %arg6[%swap3A_219, %swap3A_220] {strides = array<i32>} : memref<16x128xf32, #tpu.memory_space<vmem>>, vector<1x16xf32>,
    %swap3A_222 = vector.shape_cast %swap3A_221 : vector<1x16xf32> to vector<16xf32>
    %swap3A_223 = vector.shape_cast %broadcast_in_dim3A_2 : vector<16xf32> to vector<1x16xf32>
    tpu.vector_store %arg6[%swap3A_219, %swap3A_220], %swap3A_223 {strides = array<i32>} : memref<16x128xf32, #tpu.memory_space<vmem>>, vector<1x16xf32>,
    %swap3A_224 = arith.constant 4 : i32
    %swap3A_225 = arith.index_cast %swap3A_224 : i32 to index
    %swap3A_226 = arith.constant 80 : index
    %swap3A_227 = tpu.vector_load %arg6[%swap3A_225, %swap3A_226] {strides = array<i32>} : memref<16x128xf32, #tpu.memory_space<vmem>>, vector<1x16xf32>,
    %swap3A_228 = vector.shape_cast %swap3A_227 : vector<1x16xf32> to vector<16xf32>
    %swap3A_229 = vector.shape_cast %broadcast_in_dim3A_2 : vector<16xf32> to vector<1x16xf32>
    tpu.vector_store %arg6[%swap3A_225, %swap3A_226], %swap3A_229 {strides = array<i32>} : memref<16x128xf32, #tpu.memory_space<vmem>>, vector<1x16xf32>,
    %swap3A_230 = arith.constant 4 : i32
    %swap3A_231 = arith.index_cast %swap3A_230 : i32 to index
    %swap3A_232 = arith.constant 96 : index
    %swap3A_233 = tpu.vector_load %arg6[%swap3A_231, %swap3A_232] {strides = array<i32>} : memref<16x128xf32, #tpu.memory_space<vmem>>, vector<1x16xf32>,
    %swap3A_234 = vector.shape_cast %swap3A_233 : vector<1x16xf32> to vector<16xf32>
    %swap3A_235 = vector.shape_cast %broadcast_in_dim3A_2 : vector<16xf32> to vector<1x16xf32>
    tpu.vector_store %arg6[%swap3A_231, %swap3A_232], %swap3A_235 {strides = array<i32>} : memref<16x128xf32, #tpu.memory_space<vmem>>, vector<1x16xf32>,
    %swap3A_236 = arith.constant 4 : i32
    %swap3A_237 = arith.index_cast %swap3A_236 : i32 to index
    %swap3A_238 = arith.constant 112 : index
    %swap3A_239 = tpu.vector_load %arg6[%swap3A_237, %swap3A_238] {strides = array<i32>} : memref<16x128xf32, #tpu.memory_space<vmem>>, vector<1x16xf32>,
    %swap3A_240 = vector.shape_cast %swap3A_239 : vector<1x16xf32> to vector<16xf32>
    %swap3A_241 = vector.shape_cast %broadcast_in_dim3A_2 : vector<16xf32> to vector<1x16xf32>
    tpu.vector_store %arg6[%swap3A_237, %swap3A_238], %swap3A_241 {strides = array<i32>} : memref<16x128xf32, #tpu.memory_space<vmem>>, vector<1x16xf32>,
    %swap3A_242 = arith.constant 5 : i32
    %swap3A_243 = arith.index_cast %swap3A_242 : i32 to index
    %swap3A_244 = arith.constant 0 : index
    %swap3A_245 = tpu.vector_load %arg6[%swap3A_243, %swap3A_244] {strides = array<i32>} : memref<16x128xf32, #tpu.memory_space<vmem>>, vector<1x16xf32>,
    %swap3A_246 = vector.shape_cast %swap3A_245 : vector<1x16xf32> to vector<16xf32>
    %swap3A_247 = vector.shape_cast %broadcast_in_dim3A_2 : vector<16xf32> to vector<1x16xf32>
    tpu.vector_store %arg6[%swap3A_243, %swap3A_244], %swap3A_247 {strides = array<i32>} : memref<16x128xf32, #tpu.memory_space<vmem>>, vector<1x16xf32>,
    %swap3A_248 = arith.constant 5 : i32
    %swap3A_249 = arith.index_cast %swap3A_248 : i32 to index
    %swap3A_250 = arith.constant 16 : index
    %swap3A_251 = tpu.vector_load %arg6[%swap3A_249, %swap3A_250] {strides = array<i32>} : memref<16x128xf32, #tpu.memory_space<vmem>>, vector<1x16xf32>,
    %swap3A_252 = vector.shape_cast %swap3A_251 : vector<1x16xf32> to vector<16xf32>
    %swap3A_253 = vector.shape_cast %broadcast_in_dim3A_2 : vector<16xf32> to vector<1x16xf32>
    tpu.vector_store %arg6[%swap3A_249, %swap3A_250], %swap3A_253 {strides = array<i32>} : memref<16x128xf32, #tpu.memory_space<vmem>>, vector<1x16xf32>,
    %swap3A_254 = arith.constant 5 : i32
    %swap3A_255 = arith.index_cast %swap3A_254 : i32 to index
    %swap3A_256 = arith.constant 32 : index
    %swap3A_257 = tpu.vector_load %arg6[%swap3A_255, %swap3A_256] {strides = array<i32>} : memref<16x128xf32, #tpu.memory_space<vmem>>, vector<1x16xf32>,
    %swap3A_258 = vector.shape_cast %swap3A_257 : vector<1x16xf32> to vector<16xf32>
    %swap3A_259 = vector.shape_cast %broadcast_in_dim3A_2 : vector<16xf32> to vector<1x16xf32>
    tpu.vector_store %arg6[%swap3A_255, %swap3A_256], %swap3A_259 {strides = array<i32>} : memref<16x128xf32, #tpu.memory_space<vmem>>, vector<1x16xf32>,
    %swap3A_260 = arith.constant 5 : i32
    %swap3A_261 = arith.index_cast %swap3A_260 : i32 to index
    %swap3A_262 = arith.constant 48 : index
    %swap3A_263 = tpu.vector_load %arg6[%swap3A_261, %swap3A_262] {strides = array<i32>} : memref<16x128xf32, #tpu.memory_space<vmem>>, vector<1x16xf32>,
    %swap3A_264 = vector.shape_cast %swap3A_263 : vector<1x16xf32> to vector<16xf32>
    %swap3A_265 = vector.shape_cast %broadcast_in_dim3A_2 : vector<16xf32> to vector<1x16xf32>
    tpu.vector_store %arg6[%swap3A_261, %swap3A_262], %swap3A_265 {strides = array<i32>} : memref<16x128xf32, #tpu.memory_space<vmem>>, vector<1x16xf32>,
    %swap3A_266 = arith.constant 5 : i32
    %swap3A_267 = arith.index_cast %swap3A_266 : i32 to index
    %swap3A_268 = arith.constant 64 : index
    %swap3A_269 = tpu.vector_load %arg6[%swap3A_267, %swap3A_268] {strides = array<i32>} : memref<16x128xf32, #tpu.memory_space<vmem>>, vector<1x16xf32>,
    %swap3A_270 = vector.shape_cast %swap3A_269 : vector<1x16xf32> to vector<16xf32>
    %swap3A_271 = vector.shape_cast %broadcast_in_dim3A_2 : vector<16xf32> to vector<1x16xf32>
    tpu.vector_store %arg6[%swap3A_267, %swap3A_268], %swap3A_271 {strides = array<i32>} : memref<16x128xf32, #tpu.memory_space<vmem>>, vector<1x16xf32>,
    %swap3A_272 = arith.constant 5 : i32
    %swap3A_273 = arith.index_cast %swap3A_272 : i32 to index
    %swap3A_274 = arith.constant 80 : index
    %swap3A_275 = tpu.vector_load %arg6[%swap3A_273, %swap3A_274] {strides = array<i32>} : memref<16x128xf32, #tpu.memory_space<vmem>>, vector<1x16xf32>,
    %swap3A_276 = vector.shape_cast %swap3A_275 : vector<1x16xf32> to vector<16xf32>
    %swap3A_277 = vector.shape_cast %broadcast_in_dim3A_2 : vector<16xf32> to vector<1x16xf32>
    tpu.vector_store %arg6[%swap3A_273, %swap3A_274], %swap3A_277 {strides = array<i32>} : memref<16x128xf32, #tpu.memory_space<vmem>>, vector<1x16xf32>,
    %swap3A_278 = arith.constant 5 : i32
    %swap3A_279 = arith.index_cast %swap3A_278 : i32 to index
    %swap3A_280 = arith.constant 96 : index
    %swap3A_281 = tpu.vector_load %arg6[%swap3A_279, %swap3A_280] {strides = array<i32>} : memref<16x128xf32, #tpu.memory_space<vmem>>, vector<1x16xf32>,
    %swap3A_282 = vector.shape_cast %swap3A_281 : vector<1x16xf32> to vector<16xf32>
    %swap3A_283 = vector.shape_cast %broadcast_in_dim3A_2 : vector<16xf32> to vector<1x16xf32>
    tpu.vector_store %arg6[%swap3A_279, %swap3A_280], %swap3A_283 {strides = array<i32>} : memref<16x128xf32, #tpu.memory_space<vmem>>, vector<1x16xf32>,
    %swap3A_284 = arith.constant 5 : i32
    %swap3A_285 = arith.index_cast %swap3A_284 : i32 to index
    %swap3A_286 = arith.constant 112 : index
    %swap3A_287 = tpu.vector_load %arg6[%swap3A_285, %swap3A_286] {strides = array<i32>} : memref<16x128xf32, #tpu.memory_space<vmem>>, vector<1x16xf32>,
    %swap3A_288 = vector.shape_cast %swap3A_287 : vector<1x16xf32> to vector<16xf32>
    %swap3A_289 = vector.shape_cast %broadcast_in_dim3A_2 : vector<16xf32> to vector<1x16xf32>
    tpu.vector_store %arg6[%swap3A_285, %swap3A_286], %swap3A_289 {strides = array<i32>} : memref<16x128xf32, #tpu.memory_space<vmem>>, vector<1x16xf32>,
    %swap3A_290 = arith.constant 6 : i32
    %swap3A_291 = arith.index_cast %swap3A_290 : i32 to index
    %swap3A_292 = arith.constant 0 : index
    %swap3A_293 = tpu.vector_load %arg6[%swap3A_291, %swap3A_292] {strides = array<i32>} : memref<16x128xf32, #tpu.memory_space<vmem>>, vector<1x16xf32>,
    %swap3A_294 = vector.shape_cast %swap3A_293 : vector<1x16xf32> to vector<16xf32>
    %swap3A_295 = vector.shape_cast %broadcast_in_dim3A_2 : vector<16xf32> to vector<1x16xf32>
    tpu.vector_store %arg6[%swap3A_291, %swap3A_292], %swap3A_295 {strides = array<i32>} : memref<16x128xf32, #tpu.memory_space<vmem>>, vector<1x16xf32>,
    %swap3A_296 = arith.constant 6 : i32
    %swap3A_297 = arith.index_cast %swap3A_296 : i32 to index
    %swap3A_298 = arith.constant 16 : index
    %swap3A_299 = tpu.vector_load %arg6[%swap3A_297, %swap3A_298] {strides = array<i32>} : memref<16x128xf32, #tpu.memory_space<vmem>>, vector<1x16xf32>,
    %swap3A_300 = vector.shape_cast %swap3A_299 : vector<1x16xf32> to vector<16xf32>
    %swap3A_301 = vector.shape_cast %broadcast_in_dim3A_2 : vector<16xf32> to vector<1x16xf32>
    tpu.vector_store %arg6[%swap3A_297, %swap3A_298], %swap3A_301 {strides = array<i32>} : memref<16x128xf32, #tpu.memory_space<vmem>>, vector<1x16xf32>,
    %swap3A_302 = arith.constant 6 : i32
    %swap3A_303 = arith.index_cast %swap3A_302 : i32 to index
    %swap3A_304 = arith.constant 32 : index
    %swap3A_305 = tpu.vector_load %arg6[%swap3A_303, %swap3A_304] {strides = array<i32>} : memref<16x128xf32, #tpu.memory_space<vmem>>, vector<1x16xf32>,
    %swap3A_306 = vector.shape_cast %swap3A_305 : vector<1x16xf32> to vector<16xf32>
    %swap3A_307 = vector.shape_cast %broadcast_in_dim3A_2 : vector<16xf32> to vector<1x16xf32>
    tpu.vector_store %arg6[%swap3A_303, %swap3A_304], %swap3A_307 {strides = array<i32>} : memref<16x128xf32, #tpu.memory_space<vmem>>, vector<1x16xf32>,
    %swap3A_308 = arith.constant 6 : i32
    %swap3A_309 = arith.index_cast %swap3A_308 : i32 to index
    %swap3A_310 = arith.constant 48 : index
    %swap3A_311 = tpu.vector_load %arg6[%swap3A_309, %swap3A_310] {strides = array<i32>} : memref<16x128xf32, #tpu.memory_space<vmem>>, vector<1x16xf32>,
    %swap3A_312 = vector.shape_cast %swap3A_311 : vector<1x16xf32> to vector<16xf32>
    %swap3A_313 = vector.shape_cast %broadcast_in_dim3A_2 : vector<16xf32> to vector<1x16xf32>
    tpu.vector_store %arg6[%swap3A_309, %swap3A_310], %swap3A_313 {strides = array<i32>} : memref<16x128xf32, #tpu.memory_space<vmem>>, vector<1x16xf32>,
    %swap3A_314 = arith.constant 6 : i32
    %swap3A_315 = arith.index_cast %swap3A_314 : i32 to index
    %swap3A_316 = arith.constant 64 : index
    %swap3A_317 = tpu.vector_load %arg6[%swap3A_315, %swap3A_316] {strides = array<i32>} : memref<16x128xf32, #tpu.memory_space<vmem>>, vector<1x16xf32>,
    %swap3A_318 = vector.shape_cast %swap3A_317 : vector<1x16xf32> to vector<16xf32>
    %swap3A_319 = vector.shape_cast %broadcast_in_dim3A_2 : vector<16xf32> to vector<1x16xf32>
    tpu.vector_store %arg6[%swap3A_315, %swap3A_316], %swap3A_319 {strides = array<i32>} : memref<16x128xf32, #tpu.memory_space<vmem>>, vector<1x16xf32>,
    %swap3A_320 = arith.constant 6 : i32
    %swap3A_321 = arith.index_cast %swap3A_320 : i32 to index
    %swap3A_322 = arith.constant 80 : index
    %swap3A_323 = tpu.vector_load %arg6[%swap3A_321, %swap3A_322] {strides = array<i32>} : memref<16x128xf32, #tpu.memory_space<vmem>>, vector<1x16xf32>,
    %swap3A_324 = vector.shape_cast %swap3A_323 : vector<1x16xf32> to vector<16xf32>
    %swap3A_325 = vector.shape_cast %broadcast_in_dim3A_2 : vector<16xf32> to vector<1x16xf32>
    tpu.vector_store %arg6[%swap3A_321, %swap3A_322], %swap3A_325 {strides = array<i32>} : memref<16x128xf32, #tpu.memory_space<vmem>>, vector<1x16xf32>,
    %swap3A_326 = arith.constant 6 : i32
    %swap3A_327 = arith.index_cast %swap3A_326 : i32 to index
    %swap3A_328 = arith.constant 96 : index
    %swap3A_329 = tpu.vector_load %arg6[%swap3A_327, %swap3A_328] {strides = array<i32>} : memref<16x128xf32, #tpu.memory_space<vmem>>, vector<1x16xf32>,
    %swap3A_330 = vector.shape_cast %swap3A_329 : vector<1x16xf32> to vector<16xf32>
    %swap3A_331 = vector.shape_cast %broadcast_in_dim3A_2 : vector<16xf32> to vector<1x16xf32>
    tpu.vector_store %arg6[%swap3A_327, %swap3A_328], %swap3A_331 {strides = array<i32>} : memref<16x128xf32, #tpu.memory_space<vmem>>, vector<1x16xf32>,
    %swap3A_332 = arith.constant 6 : i32
    %swap3A_333 = arith.index_cast %swap3A_332 : i32 to index
    %swap3A_334 = arith.constant 112 : index
    %swap3A_335 = tpu.vector_load %arg6[%swap3A_333, %swap3A_334] {strides = array<i32>} : memref<16x128xf32, #tpu.memory_space<vmem>>, vector<1x16xf32>,
    %swap3A_336 = vector.shape_cast %swap3A_335 : vector<1x16xf32> to vector<16xf32>
    %swap3A_337 = vector.shape_cast %broadcast_in_dim3A_2 : vector<16xf32> to vector<1x16xf32>
    tpu.vector_store %arg6[%swap3A_333, %swap3A_334], %swap3A_337 {strides = array<i32>} : memref<16x128xf32, #tpu.memory_space<vmem>>, vector<1x16xf32>,
    %swap3A_338 = arith.constant 7 : i32
    %swap3A_339 = arith.index_cast %swap3A_338 : i32 to index
    %swap3A_340 = arith.constant 0 : index
    %swap3A_341 = tpu.vector_load %arg6[%swap3A_339, %swap3A_340] {strides = array<i32>} : memref<16x128xf32, #tpu.memory_space<vmem>>, vector<1x16xf32>,
    %swap3A_342 = vector.shape_cast %swap3A_341 : vector<1x16xf32> to vector<16xf32>
    %swap3A_343 = vector.shape_cast %broadcast_in_dim3A_2 : vector<16xf32> to vector<1x16xf32>
    tpu.vector_store %arg6[%swap3A_339, %swap3A_340], %swap3A_343 {strides = array<i32>} : memref<16x128xf32, #tpu.memory_space<vmem>>, vector<1x16xf32>,
    %swap3A_344 = arith.constant 7 : i32
    %swap3A_345 = arith.index_cast %swap3A_344 : i32 to index
    %swap3A_346 = arith.constant 16 : index
    %swap3A_347 = tpu.vector_load %arg6[%swap3A_345, %swap3A_346] {strides = array<i32>} : memref<16x128xf32, #tpu.memory_space<vmem>>, vector<1x16xf32>,
    %swap3A_348 = vector.shape_cast %swap3A_347 : vector<1x16xf32> to vector<16xf32>
    %swap3A_349 = vector.shape_cast %broadcast_in_dim3A_2 : vector<16xf32> to vector<1x16xf32>
    tpu.vector_store %arg6[%swap3A_345, %swap3A_346], %swap3A_349 {strides = array<i32>} : memref<16x128xf32, #tpu.memory_space<vmem>>, vector<1x16xf32>,
    %swap3A_350 = arith.constant 7 : i32
    %swap3A_351 = arith.index_cast %swap3A_350 : i32 to index
    %swap3A_352 = arith.constant 32 : index
    %swap3A_353 = tpu.vector_load %arg6[%swap3A_351, %swap3A_352] {strides = array<i32>} : memref<16x128xf32, #tpu.memory_space<vmem>>, vector<1x16xf32>,
    %swap3A_354 = vector.shape_cast %swap3A_353 : vector<1x16xf32> to vector<16xf32>
    %swap3A_355 = vector.shape_cast %broadcast_in_dim3A_2 : vector<16xf32> to vector<1x16xf32>
    tpu.vector_store %arg6[%swap3A_351, %swap3A_352], %swap3A_355 {strides = array<i32>} : memref<16x128xf32, #tpu.memory_space<vmem>>, vector<1x16xf32>,
    %swap3A_356 = arith.constant 7 : i32
    %swap3A_357 = arith.index_cast %swap3A_356 : i32 to index
    %swap3A_358 = arith.constant 48 : index
    %swap3A_359 = tpu.vector_load %arg6[%swap3A_357, %swap3A_358] {strides = array<i32>} : memref<16x128xf32, #tpu.memory_space<vmem>>, vector<1x16xf32>,
    %swap3A_360 = vector.shape_cast %swap3A_359 : vector<1x16xf32> to vector<16xf32>
    %swap3A_361 = vector.shape_cast %broadcast_in_dim3A_2 : vector<16xf32> to vector<1x16xf32>
    tpu.vector_store %arg6[%swap3A_357, %swap3A_358], %swap3A_361 {strides = array<i32>} : memref<16x128xf32, #tpu.memory_space<vmem>>, vector<1x16xf32>,
    %swap3A_362 = arith.constant 7 : i32
    %swap3A_363 = arith.index_cast %swap3A_362 : i32 to index
    %swap3A_364 = arith.constant 64 : index
    %swap3A_365 = tpu.vector_load %arg6[%swap3A_363, %swap3A_364] {strides = array<i32>} : memref<16x128xf32, #tpu.memory_space<vmem>>, vector<1x16xf32>,
    %swap3A_366 = vector.shape_cast %swap3A_365 : vector<1x16xf32> to vector<16xf32>
    %swap3A_367 = vector.shape_cast %broadcast_in_dim3A_2 : vector<16xf32> to vector<1x16xf32>
    tpu.vector_store %arg6[%swap3A_363, %swap3A_364], %swap3A_367 {strides = array<i32>} : memref<16x128xf32, #tpu.memory_space<vmem>>, vector<1x16xf32>,
    %swap3A_368 = arith.constant 7 : i32
    %swap3A_369 = arith.index_cast %swap3A_368 : i32 to index
    %swap3A_370 = arith.constant 80 : index
    %swap3A_371 = tpu.vector_load %arg6[%swap3A_369, %swap3A_370] {strides = array<i32>} : memref<16x128xf32, #tpu.memory_space<vmem>>, vector<1x16xf32>,
    %swap3A_372 = vector.shape_cast %swap3A_371 : vector<1x16xf32> to vector<16xf32>
    %swap3A_373 = vector.shape_cast %broadcast_in_dim3A_2 : vector<16xf32> to vector<1x16xf32>
    tpu.vector_store %arg6[%swap3A_369, %swap3A_370], %swap3A_373 {strides = array<i32>} : memref<16x128xf32, #tpu.memory_space<vmem>>, vector<1x16xf32>,
    %swap3A_374 = arith.constant 7 : i32
    %swap3A_375 = arith.index_cast %swap3A_374 : i32 to index
    %swap3A_376 = arith.constant 96 : index
    %swap3A_377 = tpu.vector_load %arg6[%swap3A_375, %swap3A_376] {strides = array<i32>} : memref<16x128xf32, #tpu.memory_space<vmem>>, vector<1x16xf32>,
    %swap3A_378 = vector.shape_cast %swap3A_377 : vector<1x16xf32> to vector<16xf32>
    %swap3A_379 = vector.shape_cast %broadcast_in_dim3A_2 : vector<16xf32> to vector<1x16xf32>
    tpu.vector_store %arg6[%swap3A_375, %swap3A_376], %swap3A_379 {strides = array<i32>} : memref<16x128xf32, #tpu.memory_space<vmem>>, vector<1x16xf32>,
    %swap3A_380 = arith.constant 7 : i32
    %swap3A_381 = arith.index_cast %swap3A_380 : i32 to index
    %swap3A_382 = arith.constant 112 : index
    %swap3A_383 = tpu.vector_load %arg6[%swap3A_381, %swap3A_382] {strides = array<i32>} : memref<16x128xf32, #tpu.memory_space<vmem>>, vector<1x16xf32>,
    %swap3A_384 = vector.shape_cast %swap3A_383 : vector<1x16xf32> to vector<16xf32>
    %swap3A_385 = vector.shape_cast %broadcast_in_dim3A_2 : vector<16xf32> to vector<1x16xf32>
    tpu.vector_store %arg6[%swap3A_381, %swap3A_382], %swap3A_385 {strides = array<i32>} : memref<16x128xf32, #tpu.memory_space<vmem>>, vector<1x16xf32>,
    %swap3A_386 = arith.constant 8 : i32
    %swap3A_387 = arith.index_cast %swap3A_386 : i32 to index
    %swap3A_388 = arith.constant 0 : index
    %swap3A_389 = tpu.vector_load %arg6[%swap3A_387, %swap3A_388] {strides = array<i32>} : memref<16x128xf32, #tpu.memory_space<vmem>>, vector<1x16xf32>,
    %swap3A_390 = vector.shape_cast %swap3A_389 : vector<1x16xf32> to vector<16xf32>
    %swap3A_391 = vector.shape_cast %broadcast_in_dim3A_2 : vector<16xf32> to vector<1x16xf32>
    tpu.vector_store %arg6[%swap3A_387, %swap3A_388], %swap3A_391 {strides = array<i32>} : memref<16x128xf32, #tpu.memory_space<vmem>>, vector<1x16xf32>,
    %swap3A_392 = arith.constant 8 : i32
    %swap3A_393 = arith.index_cast %swap3A_392 : i32 to index
    %swap3A_394 = arith.constant 16 : index
    %swap3A_395 = tpu.vector_load %arg6[%swap3A_393, %swap3A_394] {strides = array<i32>} : memref<16x128xf32, #tpu.memory_space<vmem>>, vector<1x16xf32>,
    %swap3A_396 = vector.shape_cast %swap3A_395 : vector<1x16xf32> to vector<16xf32>
    %swap3A_397 = vector.shape_cast %broadcast_in_dim3A_2 : vector<16xf32> to vector<1x16xf32>
    tpu.vector_store %arg6[%swap3A_393, %swap3A_394], %swap3A_397 {strides = array<i32>} : memref<16x128xf32, #tpu.memory_space<vmem>>, vector<1x16xf32>,
    %swap3A_398 = arith.constant 8 : i32
    %swap3A_399 = arith.index_cast %swap3A_398 : i32 to index
    %swap3A_400 = arith.constant 32 : index
    %swap3A_401 = tpu.vector_load %arg6[%swap3A_399, %swap3A_400] {strides = array<i32>} : memref<16x128xf32, #tpu.memory_space<vmem>>, vector<1x16xf32>,
    %swap3A_402 = vector.shape_cast %swap3A_401 : vector<1x16xf32> to vector<16xf32>
    %swap3A_403 = vector.shape_cast %broadcast_in_dim3A_2 : vector<16xf32> to vector<1x16xf32>
    tpu.vector_store %arg6[%swap3A_399, %swap3A_400], %swap3A_403 {strides = array<i32>} : memref<16x128xf32, #tpu.memory_space<vmem>>, vector<1x16xf32>,
    %swap3A_404 = arith.constant 8 : i32
    %swap3A_405 = arith.index_cast %swap3A_404 : i32 to index
    %swap3A_406 = arith.constant 48 : index
    %swap3A_407 = tpu.vector_load %arg6[%swap3A_405, %swap3A_406] {strides = array<i32>} : memref<16x128xf32, #tpu.memory_space<vmem>>, vector<1x16xf32>,
    %swap3A_408 = vector.shape_cast %swap3A_407 : vector<1x16xf32> to vector<16xf32>
    %swap3A_409 = vector.shape_cast %broadcast_in_dim3A_2 : vector<16xf32> to vector<1x16xf32>
    tpu.vector_store %arg6[%swap3A_405, %swap3A_406], %swap3A_409 {strides = array<i32>} : memref<16x128xf32, #tpu.memory_space<vmem>>, vector<1x16xf32>,
    %swap3A_410 = arith.constant 8 : i32
    %swap3A_411 = arith.index_cast %swap3A_410 : i32 to index
    %swap3A_412 = arith.constant 64 : index
    %swap3A_413 = tpu.vector_load %arg6[%swap3A_411, %swap3A_412] {strides = array<i32>} : memref<16x128xf32, #tpu.memory_space<vmem>>, vector<1x16xf32>,
    %swap3A_414 = vector.shape_cast %swap3A_413 : vector<1x16xf32> to vector<16xf32>
    %swap3A_415 = vector.shape_cast %broadcast_in_dim3A_2 : vector<16xf32> to vector<1x16xf32>
    tpu.vector_store %arg6[%swap3A_411, %swap3A_412], %swap3A_415 {strides = array<i32>} : memref<16x128xf32, #tpu.memory_space<vmem>>, vector<1x16xf32>,
    %swap3A_416 = arith.constant 8 : i32
    %swap3A_417 = arith.index_cast %swap3A_416 : i32 to index
    %swap3A_418 = arith.constant 80 : index
    %swap3A_419 = tpu.vector_load %arg6[%swap3A_417, %swap3A_418] {strides = array<i32>} : memref<16x128xf32, #tpu.memory_space<vmem>>, vector<1x16xf32>,
    %swap3A_420 = vector.shape_cast %swap3A_419 : vector<1x16xf32> to vector<16xf32>
    %swap3A_421 = vector.shape_cast %broadcast_in_dim3A_2 : vector<16xf32> to vector<1x16xf32>
    tpu.vector_store %arg6[%swap3A_417, %swap3A_418], %swap3A_421 {strides = array<i32>} : memref<16x128xf32, #tpu.memory_space<vmem>>, vector<1x16xf32>,
    %swap3A_422 = arith.constant 8 : i32
    %swap3A_423 = arith.index_cast %swap3A_422 : i32 to index
    %swap3A_424 = arith.constant 96 : index
    %swap3A_425 = tpu.vector_load %arg6[%swap3A_423, %swap3A_424] {strides = array<i32>} : memref<16x128xf32, #tpu.memory_space<vmem>>, vector<1x16xf32>,
    %swap3A_426 = vector.shape_cast %swap3A_425 : vector<1x16xf32> to vector<16xf32>
    %swap3A_427 = vector.shape_cast %broadcast_in_dim3A_2 : vector<16xf32> to vector<1x16xf32>
    tpu.vector_store %arg6[%swap3A_423, %swap3A_424], %swap3A_427 {strides = array<i32>} : memref<16x128xf32, #tpu.memory_space<vmem>>, vector<1x16xf32>,
    %swap3A_428 = arith.constant 8 : i32
    %swap3A_429 = arith.index_cast %swap3A_428 : i32 to index
    %swap3A_430 = arith.constant 112 : index
    %swap3A_431 = tpu.vector_load %arg6[%swap3A_429, %swap3A_430] {strides = array<i32>} : memref<16x128xf32, #tpu.memory_space<vmem>>, vector<1x16xf32>,
    %swap3A_432 = vector.shape_cast %swap3A_431 : vector<1x16xf32> to vector<16xf32>
    %swap3A_433 = vector.shape_cast %broadcast_in_dim3A_2 : vector<16xf32> to vector<1x16xf32>
    tpu.vector_store %arg6[%swap3A_429, %swap3A_430], %swap3A_433 {strides = array<i32>} : memref<16x128xf32, #tpu.memory_space<vmem>>, vector<1x16xf32>,
    %swap3A_434 = arith.constant 9 : i32
    %swap3A_435 = arith.index_cast %swap3A_434 : i32 to index
    %swap3A_436 = arith.constant 0 : index
    %swap3A_437 = tpu.vector_load %arg6[%swap3A_435, %swap3A_436] {strides = array<i32>} : memref<16x128xf32, #tpu.memory_space<vmem>>, vector<1x16xf32>,
    %swap3A_438 = vector.shape_cast %swap3A_437 : vector<1x16xf32> to vector<16xf32>
    %swap3A_439 = vector.shape_cast %broadcast_in_dim3A_2 : vector<16xf32> to vector<1x16xf32>
    tpu.vector_store %arg6[%swap3A_435, %swap3A_436], %swap3A_439 {strides = array<i32>} : memref<16x128xf32, #tpu.memory_space<vmem>>, vector<1x16xf32>,
    %swap3A_440 = arith.constant 9 : i32
    %swap3A_441 = arith.index_cast %swap3A_440 : i32 to index
    %swap3A_442 = arith.constant 16 : index
    %swap3A_443 = tpu.vector_load %arg6[%swap3A_441, %swap3A_442] {strides = array<i32>} : memref<16x128xf32, #tpu.memory_space<vmem>>, vector<1x16xf32>,
    %swap3A_444 = vector.shape_cast %swap3A_443 : vector<1x16xf32> to vector<16xf32>
    %swap3A_445 = vector.shape_cast %broadcast_in_dim3A_2 : vector<16xf32> to vector<1x16xf32>
    tpu.vector_store %arg6[%swap3A_441, %swap3A_442], %swap3A_445 {strides = array<i32>} : memref<16x128xf32, #tpu.memory_space<vmem>>, vector<1x16xf32>,
    %swap3A_446 = arith.constant 9 : i32
    %swap3A_447 = arith.index_cast %swap3A_446 : i32 to index
    %swap3A_448 = arith.constant 32 : index
    %swap3A_449 = tpu.vector_load %arg6[%swap3A_447, %swap3A_448] {strides = array<i32>} : memref<16x128xf32, #tpu.memory_space<vmem>>, vector<1x16xf32>,
    %swap3A_450 = vector.shape_cast %swap3A_449 : vector<1x16xf32> to vector<16xf32>
    %swap3A_451 = vector.shape_cast %broadcast_in_dim3A_2 : vector<16xf32> to vector<1x16xf32>
    tpu.vector_store %arg6[%swap3A_447, %swap3A_448], %swap3A_451 {strides = array<i32>} : memref<16x128xf32, #tpu.memory_space<vmem>>, vector<1x16xf32>,
    %swap3A_452 = arith.constant 9 : i32
    %swap3A_453 = arith.index_cast %swap3A_452 : i32 to index
    %swap3A_454 = arith.constant 48 : index
    %swap3A_455 = tpu.vector_load %arg6[%swap3A_453, %swap3A_454] {strides = array<i32>} : memref<16x128xf32, #tpu.memory_space<vmem>>, vector<1x16xf32>,
    %swap3A_456 = vector.shape_cast %swap3A_455 : vector<1x16xf32> to vector<16xf32>
    %swap3A_457 = vector.shape_cast %broadcast_in_dim3A_2 : vector<16xf32> to vector<1x16xf32>
    tpu.vector_store %arg6[%swap3A_453, %swap3A_454], %swap3A_457 {strides = array<i32>} : memref<16x128xf32, #tpu.memory_space<vmem>>, vector<1x16xf32>,
    %swap3A_458 = arith.constant 9 : i32
    %swap3A_459 = arith.index_cast %swap3A_458 : i32 to index
    %swap3A_460 = arith.constant 64 : index
    %swap3A_461 = tpu.vector_load %arg6[%swap3A_459, %swap3A_460] {strides = array<i32>} : memref<16x128xf32, #tpu.memory_space<vmem>>, vector<1x16xf32>,
    %swap3A_462 = vector.shape_cast %swap3A_461 : vector<1x16xf32> to vector<16xf32>
    %swap3A_463 = vector.shape_cast %broadcast_in_dim3A_2 : vector<16xf32> to vector<1x16xf32>
    tpu.vector_store %arg6[%swap3A_459, %swap3A_460], %swap3A_463 {strides = array<i32>} : memref<16x128xf32, #tpu.memory_space<vmem>>, vector<1x16xf32>,
    %swap3A_464 = arith.constant 9 : i32
    %swap3A_465 = arith.index_cast %swap3A_464 : i32 to index
    %swap3A_466 = arith.constant 80 : index
    %swap3A_467 = tpu.vector_load %arg6[%swap3A_465, %swap3A_466] {strides = array<i32>} : memref<16x128xf32, #tpu.memory_space<vmem>>, vector<1x16xf32>,
    %swap3A_468 = vector.shape_cast %swap3A_467 : vector<1x16xf32> to vector<16xf32>
    %swap3A_469 = vector.shape_cast %broadcast_in_dim3A_2 : vector<16xf32> to vector<1x16xf32>
    tpu.vector_store %arg6[%swap3A_465, %swap3A_466], %swap3A_469 {strides = array<i32>} : memref<16x128xf32, #tpu.memory_space<vmem>>, vector<1x16xf32>,
    %swap3A_470 = arith.constant 9 : i32
    %swap3A_471 = arith.index_cast %swap3A_470 : i32 to index
    %swap3A_472 = arith.constant 96 : index
    %swap3A_473 = tpu.vector_load %arg6[%swap3A_471, %swap3A_472] {strides = array<i32>} : memref<16x128xf32, #tpu.memory_space<vmem>>, vector<1x16xf32>,
    %swap3A_474 = vector.shape_cast %swap3A_473 : vector<1x16xf32> to vector<16xf32>
    %swap3A_475 = vector.shape_cast %broadcast_in_dim3A_2 : vector<16xf32> to vector<1x16xf32>
    tpu.vector_store %arg6[%swap3A_471, %swap3A_472], %swap3A_475 {strides = array<i32>} : memref<16x128xf32, #tpu.memory_space<vmem>>, vector<1x16xf32>,
    %swap3A_476 = arith.constant 9 : i32
    %swap3A_477 = arith.index_cast %swap3A_476 : i32 to index
    %swap3A_478 = arith.constant 112 : index
    %swap3A_479 = tpu.vector_load %arg6[%swap3A_477, %swap3A_478] {strides = array<i32>} : memref<16x128xf32, #tpu.memory_space<vmem>>, vector<1x16xf32>,
    %swap3A_480 = vector.shape_cast %swap3A_479 : vector<1x16xf32> to vector<16xf32>
    %swap3A_481 = vector.shape_cast %broadcast_in_dim3A_2 : vector<16xf32> to vector<1x16xf32>
    tpu.vector_store %arg6[%swap3A_477, %swap3A_478], %swap3A_481 {strides = array<i32>} : memref<16x128xf32, #tpu.memory_space<vmem>>, vector<1x16xf32>,
    %swap3A_482 = arith.constant 10 : i32
    %swap3A_483 = arith.index_cast %swap3A_482 : i32 to index
    %swap3A_484 = arith.constant 0 : index
    %swap3A_485 = tpu.vector_load %arg6[%swap3A_483, %swap3A_484] {strides = array<i32>} : memref<16x128xf32, #tpu.memory_space<vmem>>, vector<1x16xf32>,
    %swap3A_486 = vector.shape_cast %swap3A_485 : vector<1x16xf32> to vector<16xf32>
    %swap3A_487 = vector.shape_cast %broadcast_in_dim3A_2 : vector<16xf32> to vector<1x16xf32>
    tpu.vector_store %arg6[%swap3A_483, %swap3A_484], %swap3A_487 {strides = array<i32>} : memref<16x128xf32, #tpu.memory_space<vmem>>, vector<1x16xf32>,
    %swap3A_488 = arith.constant 10 : i32
    %swap3A_489 = arith.index_cast %swap3A_488 : i32 to index
    %swap3A_490 = arith.constant 16 : index
    %swap3A_491 = tpu.vector_load %arg6[%swap3A_489, %swap3A_490] {strides = array<i32>} : memref<16x128xf32, #tpu.memory_space<vmem>>, vector<1x16xf32>,
    %swap3A_492 = vector.shape_cast %swap3A_491 : vector<1x16xf32> to vector<16xf32>
    %swap3A_493 = vector.shape_cast %broadcast_in_dim3A_2 : vector<16xf32> to vector<1x16xf32>
    tpu.vector_store %arg6[%swap3A_489, %swap3A_490], %swap3A_493 {strides = array<i32>} : memref<16x128xf32, #tpu.memory_space<vmem>>, vector<1x16xf32>,
    %swap3A_494 = arith.constant 10 : i32
    %swap3A_495 = arith.index_cast %swap3A_494 : i32 to index
    %swap3A_496 = arith.constant 32 : index
    %swap3A_497 = tpu.vector_load %arg6[%swap3A_495, %swap3A_496] {strides = array<i32>} : memref<16x128xf32, #tpu.memory_space<vmem>>, vector<1x16xf32>,
    %swap3A_498 = vector.shape_cast %swap3A_497 : vector<1x16xf32> to vector<16xf32>
    %swap3A_499 = vector.shape_cast %broadcast_in_dim3A_2 : vector<16xf32> to vector<1x16xf32>
    tpu.vector_store %arg6[%swap3A_495, %swap3A_496], %swap3A_499 {strides = array<i32>} : memref<16x128xf32, #tpu.memory_space<vmem>>, vector<1x16xf32>,
    %swap3A_500 = arith.constant 10 : i32
    %swap3A_501 = arith.index_cast %swap3A_500 : i32 to index
    %swap3A_502 = arith.constant 48 : index
    %swap3A_503 = tpu.vector_load %arg6[%swap3A_501, %swap3A_502] {strides = array<i32>} : memref<16x128xf32, #tpu.memory_space<vmem>>, vector<1x16xf32>,
    %swap3A_504 = vector.shape_cast %swap3A_503 : vector<1x16xf32> to vector<16xf32>
    %swap3A_505 = vector.shape_cast %broadcast_in_dim3A_2 : vector<16xf32> to vector<1x16xf32>
    tpu.vector_store %arg6[%swap3A_501, %swap3A_502], %swap3A_505 {strides = array<i32>} : memref<16x128xf32, #tpu.memory_space<vmem>>, vector<1x16xf32>,
    %swap3A_506 = arith.constant 10 : i32
    %swap3A_507 = arith.index_cast %swap3A_506 : i32 to index
    %swap3A_508 = arith.constant 64 : index
    %swap3A_509 = tpu.vector_load %arg6[%swap3A_507, %swap3A_508] {strides = array<i32>} : memref<16x128xf32, #tpu.memory_space<vmem>>, vector<1x16xf32>,
    %swap3A_510 = vector.shape_cast %swap3A_509 : vector<1x16xf32> to vector<16xf32>
    %swap3A_511 = vector.shape_cast %broadcast_in_dim3A_2 : vector<16xf32> to vector<1x16xf32>
    tpu.vector_store %arg6[%swap3A_507, %swap3A_508], %swap3A_511 {strides = array<i32>} : memref<16x128xf32, #tpu.memory_space<vmem>>, vector<1x16xf32>,
    %swap3A_512 = arith.constant 10 : i32
    %swap3A_513 = arith.index_cast %swap3A_512 : i32 to index
    %swap3A_514 = arith.constant 80 : index
    %swap3A_515 = tpu.vector_load %arg6[%swap3A_513, %swap3A_514] {strides = array<i32>} : memref<16x128xf32, #tpu.memory_space<vmem>>, vector<1x16xf32>,
    %swap3A_516 = vector.shape_cast %swap3A_515 : vector<1x16xf32> to vector<16xf32>
    %swap3A_517 = vector.shape_cast %broadcast_in_dim3A_2 : vector<16xf32> to vector<1x16xf32>
    tpu.vector_store %arg6[%swap3A_513, %swap3A_514], %swap3A_517 {strides = array<i32>} : memref<16x128xf32, #tpu.memory_space<vmem>>, vector<1x16xf32>,
    %swap3A_518 = arith.constant 10 : i32
    %swap3A_519 = arith.index_cast %swap3A_518 : i32 to index
    %swap3A_520 = arith.constant 96 : index
    %swap3A_521 = tpu.vector_load %arg6[%swap3A_519, %swap3A_520] {strides = array<i32>} : memref<16x128xf32, #tpu.memory_space<vmem>>, vector<1x16xf32>,
    %swap3A_522 = vector.shape_cast %swap3A_521 : vector<1x16xf32> to vector<16xf32>
    %swap3A_523 = vector.shape_cast %broadcast_in_dim3A_2 : vector<16xf32> to vector<1x16xf32>
    tpu.vector_store %arg6[%swap3A_519, %swap3A_520], %swap3A_523 {strides = array<i32>} : memref<16x128xf32, #tpu.memory_space<vmem>>, vector<1x16xf32>,
    %swap3A_524 = arith.constant 10 : i32
    %swap3A_525 = arith.index_cast %swap3A_524 : i32 to index
    %swap3A_526 = arith.constant 112 : index
    %swap3A_527 = tpu.vector_load %arg6[%swap3A_525, %swap3A_526] {strides = array<i32>} : memref<16x128xf32, #tpu.memory_space<vmem>>, vector<1x16xf32>,
    %swap3A_528 = vector.shape_cast %swap3A_527 : vector<1x16xf32> to vector<16xf32>
    %swap3A_529 = vector.shape_cast %broadcast_in_dim3A_2 : vector<16xf32> to vector<1x16xf32>
    tpu.vector_store %arg6[%swap3A_525, %swap3A_526], %swap3A_529 {strides = array<i32>} : memref<16x128xf32, #tpu.memory_space<vmem>>, vector<1x16xf32>,
    %swap3A_530 = arith.constant 11 : i32
    %swap3A_531 = arith.index_cast %swap3A_530 : i32 to index
    %swap3A_532 = arith.constant 0 : index
    %swap3A_533 = tpu.vector_load %arg6[%swap3A_531, %swap3A_532] {strides = array<i32>} : memref<16x128xf32, #tpu.memory_space<vmem>>, vector<1x16xf32>,
    %swap3A_534 = vector.shape_cast %swap3A_533 : vector<1x16xf32> to vector<16xf32>
    %swap3A_535 = vector.shape_cast %broadcast_in_dim3A_2 : vector<16xf32> to vector<1x16xf32>
    tpu.vector_store %arg6[%swap3A_531, %swap3A_532], %swap3A_535 {strides = array<i32>} : memref<16x128xf32, #tpu.memory_space<vmem>>, vector<1x16xf32>,
    %swap3A_536 = arith.constant 11 : i32
    %swap3A_537 = arith.index_cast %swap3A_536 : i32 to index
    %swap3A_538 = arith.constant 16 : index
    %swap3A_539 = tpu.vector_load %arg6[%swap3A_537, %swap3A_538] {strides = array<i32>} : memref<16x128xf32, #tpu.memory_space<vmem>>, vector<1x16xf32>,
    %swap3A_540 = vector.shape_cast %swap3A_539 : vector<1x16xf32> to vector<16xf32>
    %swap3A_541 = vector.shape_cast %broadcast_in_dim3A_2 : vector<16xf32> to vector<1x16xf32>
    tpu.vector_store %arg6[%swap3A_537, %swap3A_538], %swap3A_541 {strides = array<i32>} : memref<16x128xf32, #tpu.memory_space<vmem>>, vector<1x16xf32>,
    %swap3A_542 = arith.constant 11 : i32
    %swap3A_543 = arith.index_cast %swap3A_542 : i32 to index
    %swap3A_544 = arith.constant 32 : index
    %swap3A_545 = tpu.vector_load %arg6[%swap3A_543, %swap3A_544] {strides = array<i32>} : memref<16x128xf32, #tpu.memory_space<vmem>>, vector<1x16xf32>,
    %swap3A_546 = vector.shape_cast %swap3A_545 : vector<1x16xf32> to vector<16xf32>
    %swap3A_547 = vector.shape_cast %broadcast_in_dim3A_2 : vector<16xf32> to vector<1x16xf32>
    tpu.vector_store %arg6[%swap3A_543, %swap3A_544], %swap3A_547 {strides = array<i32>} : memref<16x128xf32, #tpu.memory_space<vmem>>, vector<1x16xf32>,
    %swap3A_548 = arith.constant 11 : i32
    %swap3A_549 = arith.index_cast %swap3A_548 : i32 to index
    %swap3A_550 = arith.constant 48 : index
    %swap3A_551 = tpu.vector_load %arg6[%swap3A_549, %swap3A_550] {strides = array<i32>} : memref<16x128xf32, #tpu.memory_space<vmem>>, vector<1x16xf32>,
    %swap3A_552 = vector.shape_cast %swap3A_551 : vector<1x16xf32> to vector<16xf32>
    %swap3A_553 = vector.shape_cast %broadcast_in_dim3A_2 : vector<16xf32> to vector<1x16xf32>
    tpu.vector_store %arg6[%swap3A_549, %swap3A_550], %swap3A_553 {strides = array<i32>} : memref<16x128xf32, #tpu.memory_space<vmem>>, vector<1x16xf32>,
    %swap3A_554 = arith.constant 11 : i32
    %swap3A_555 = arith.index_cast %swap3A_554 : i32 to index
    %swap3A_556 = arith.constant 64 : index
    %swap3A_557 = tpu.vector_load %arg6[%swap3A_555, %swap3A_556] {strides = array<i32>} : memref<16x128xf32, #tpu.memory_space<vmem>>, vector<1x16xf32>,
    %swap3A_558 = vector.shape_cast %swap3A_557 : vector<1x16xf32> to vector<16xf32>
    %swap3A_559 = vector.shape_cast %broadcast_in_dim3A_2 : vector<16xf32> to vector<1x16xf32>
    tpu.vector_store %arg6[%swap3A_555, %swap3A_556], %swap3A_559 {strides = array<i32>} : memref<16x128xf32, #tpu.memory_space<vmem>>, vector<1x16xf32>,
    %swap3A_560 = arith.constant 11 : i32
    %swap3A_561 = arith.index_cast %swap3A_560 : i32 to index
    %swap3A_562 = arith.constant 80 : index
    %swap3A_563 = tpu.vector_load %arg6[%swap3A_561, %swap3A_562] {strides = array<i32>} : memref<16x128xf32, #tpu.memory_space<vmem>>, vector<1x16xf32>,
    %swap3A_564 = vector.shape_cast %swap3A_563 : vector<1x16xf32> to vector<16xf32>
    %swap3A_565 = vector.shape_cast %broadcast_in_dim3A_2 : vector<16xf32> to vector<1x16xf32>
    tpu.vector_store %arg6[%swap3A_561, %swap3A_562], %swap3A_565 {strides = array<i32>} : memref<16x128xf32, #tpu.memory_space<vmem>>, vector<1x16xf32>,
    %swap3A_566 = arith.constant 11 : i32
    %swap3A_567 = arith.index_cast %swap3A_566 : i32 to index
    %swap3A_568 = arith.constant 96 : index
    %swap3A_569 = tpu.vector_load %arg6[%swap3A_567, %swap3A_568] {strides = array<i32>} : memref<16x128xf32, #tpu.memory_space<vmem>>, vector<1x16xf32>,
    %swap3A_570 = vector.shape_cast %swap3A_569 : vector<1x16xf32> to vector<16xf32>
    %swap3A_571 = vector.shape_cast %broadcast_in_dim3A_2 : vector<16xf32> to vector<1x16xf32>
    tpu.vector_store %arg6[%swap3A_567, %swap3A_568], %swap3A_571 {strides = array<i32>} : memref<16x128xf32, #tpu.memory_space<vmem>>, vector<1x16xf32>,
    %swap3A_572 = arith.constant 11 : i32
    %swap3A_573 = arith.index_cast %swap3A_572 : i32 to index
    %swap3A_574 = arith.constant 112 : index
    %swap3A_575 = tpu.vector_load %arg6[%swap3A_573, %swap3A_574] {strides = array<i32>} : memref<16x128xf32, #tpu.memory_space<vmem>>, vector<1x16xf32>,
    %swap3A_576 = vector.shape_cast %swap3A_575 : vector<1x16xf32> to vector<16xf32>
    %swap3A_577 = vector.shape_cast %broadcast_in_dim3A_2 : vector<16xf32> to vector<1x16xf32>
    tpu.vector_store %arg6[%swap3A_573, %swap3A_574], %swap3A_577 {strides = array<i32>} : memref<16x128xf32, #tpu.memory_space<vmem>>, vector<1x16xf32>,
    %swap3A_578 = arith.constant 12 : i32
    %swap3A_579 = arith.index_cast %swap3A_578 : i32 to index
    %swap3A_580 = arith.constant 0 : index
    %swap3A_581 = tpu.vector_load %arg6[%swap3A_579, %swap3A_580] {strides = array<i32>} : memref<16x128xf32, #tpu.memory_space<vmem>>, vector<1x16xf32>,
    %swap3A_582 = vector.shape_cast %swap3A_581 : vector<1x16xf32> to vector<16xf32>
    %swap3A_583 = vector.shape_cast %broadcast_in_dim3A_2 : vector<16xf32> to vector<1x16xf32>
    tpu.vector_store %arg6[%swap3A_579, %swap3A_580], %swap3A_583 {strides = array<i32>} : memref<16x128xf32, #tpu.memory_space<vmem>>, vector<1x16xf32>,
    %swap3A_584 = arith.constant 12 : i32
    %swap3A_585 = arith.index_cast %swap3A_584 : i32 to index
    %swap3A_586 = arith.constant 16 : index
    %swap3A_587 = tpu.vector_load %arg6[%swap3A_585, %swap3A_586] {strides = array<i32>} : memref<16x128xf32, #tpu.memory_space<vmem>>, vector<1x16xf32>,
    %swap3A_588 = vector.shape_cast %swap3A_587 : vector<1x16xf32> to vector<16xf32>
    %swap3A_589 = vector.shape_cast %broadcast_in_dim3A_2 : vector<16xf32> to vector<1x16xf32>
    tpu.vector_store %arg6[%swap3A_585, %swap3A_586], %swap3A_589 {strides = array<i32>} : memref<16x128xf32, #tpu.memory_space<vmem>>, vector<1x16xf32>,
    %swap3A_590 = arith.constant 12 : i32
    %swap3A_591 = arith.index_cast %swap3A_590 : i32 to index
    %swap3A_592 = arith.constant 32 : index
    %swap3A_593 = tpu.vector_load %arg6[%swap3A_591, %swap3A_592] {strides = array<i32>} : memref<16x128xf32, #tpu.memory_space<vmem>>, vector<1x16xf32>,
    %swap3A_594 = vector.shape_cast %swap3A_593 : vector<1x16xf32> to vector<16xf32>
    %swap3A_595 = vector.shape_cast %broadcast_in_dim3A_2 : vector<16xf32> to vector<1x16xf32>
    tpu.vector_store %arg6[%swap3A_591, %swap3A_592], %swap3A_595 {strides = array<i32>} : memref<16x128xf32, #tpu.memory_space<vmem>>, vector<1x16xf32>,
    %swap3A_596 = arith.constant 12 : i32
    %swap3A_597 = arith.index_cast %swap3A_596 : i32 to index
    %swap3A_598 = arith.constant 48 : index
    %swap3A_599 = tpu.vector_load %arg6[%swap3A_597, %swap3A_598] {strides = array<i32>} : memref<16x128xf32, #tpu.memory_space<vmem>>, vector<1x16xf32>,
    %swap3A_600 = vector.shape_cast %swap3A_599 : vector<1x16xf32> to vector<16xf32>
    %swap3A_601 = vector.shape_cast %broadcast_in_dim3A_2 : vector<16xf32> to vector<1x16xf32>
    tpu.vector_store %arg6[%swap3A_597, %swap3A_598], %swap3A_601 {strides = array<i32>} : memref<16x128xf32, #tpu.memory_space<vmem>>, vector<1x16xf32>,
    %swap3A_602 = arith.constant 12 : i32
    %swap3A_603 = arith.index_cast %swap3A_602 : i32 to index
    %swap3A_604 = arith.constant 64 : index
    %swap3A_605 = tpu.vector_load %arg6[%swap3A_603, %swap3A_604] {strides = array<i32>} : memref<16x128xf32, #tpu.memory_space<vmem>>, vector<1x16xf32>,
    %swap3A_606 = vector.shape_cast %swap3A_605 : vector<1x16xf32> to vector<16xf32>
    %swap3A_607 = vector.shape_cast %broadcast_in_dim3A_2 : vector<16xf32> to vector<1x16xf32>
    tpu.vector_store %arg6[%swap3A_603, %swap3A_604], %swap3A_607 {strides = array<i32>} : memref<16x128xf32, #tpu.memory_space<vmem>>, vector<1x16xf32>,
    %swap3A_608 = arith.constant 12 : i32
    %swap3A_609 = arith.index_cast %swap3A_608 : i32 to index
    %swap3A_610 = arith.constant 80 : index
    %swap3A_611 = tpu.vector_load %arg6[%swap3A_609, %swap3A_610] {strides = array<i32>} : memref<16x128xf32, #tpu.memory_space<vmem>>, vector<1x16xf32>,
    %swap3A_612 = vector.shape_cast %swap3A_611 : vector<1x16xf32> to vector<16xf32>
    %swap3A_613 = vector.shape_cast %broadcast_in_dim3A_2 : vector<16xf32> to vector<1x16xf32>
    tpu.vector_store %arg6[%swap3A_609, %swap3A_610], %swap3A_613 {strides = array<i32>} : memref<16x128xf32, #tpu.memory_space<vmem>>, vector<1x16xf32>,
    %swap3A_614 = arith.constant 12 : i32
    %swap3A_615 = arith.index_cast %swap3A_614 : i32 to index
    %swap3A_616 = arith.constant 96 : index
    %swap3A_617 = tpu.vector_load %arg6[%swap3A_615, %swap3A_616] {strides = array<i32>} : memref<16x128xf32, #tpu.memory_space<vmem>>, vector<1x16xf32>,
    %swap3A_618 = vector.shape_cast %swap3A_617 : vector<1x16xf32> to vector<16xf32>
    %swap3A_619 = vector.shape_cast %broadcast_in_dim3A_2 : vector<16xf32> to vector<1x16xf32>
    tpu.vector_store %arg6[%swap3A_615, %swap3A_616], %swap3A_619 {strides = array<i32>} : memref<16x128xf32, #tpu.memory_space<vmem>>, vector<1x16xf32>,
    %swap3A_620 = arith.constant 12 : i32
    %swap3A_621 = arith.index_cast %swap3A_620 : i32 to index
    %swap3A_622 = arith.constant 112 : index
    %swap3A_623 = tpu.vector_load %arg6[%swap3A_621, %swap3A_622] {strides = array<i32>} : memref<16x128xf32, #tpu.memory_space<vmem>>, vector<1x16xf32>,
    %swap3A_624 = vector.shape_cast %swap3A_623 : vector<1x16xf32> to vector<16xf32>
    %swap3A_625 = vector.shape_cast %broadcast_in_dim3A_2 : vector<16xf32> to vector<1x16xf32>
    tpu.vector_store %arg6[%swap3A_621, %swap3A_622], %swap3A_625 {strides = array<i32>} : memref<16x128xf32, #tpu.memory_space<vmem>>, vector<1x16xf32>,
    %swap3A_626 = arith.constant 13 : i32
    %swap3A_627 = arith.index_cast %swap3A_626 : i32 to index
    %swap3A_628 = arith.constant 0 : index
    %swap3A_629 = tpu.vector_load %arg6[%swap3A_627, %swap3A_628] {strides = array<i32>} : memref<16x128xf32, #tpu.memory_space<vmem>>, vector<1x16xf32>,
    %swap3A_630 = vector.shape_cast %swap3A_629 : vector<1x16xf32> to vector<16xf32>
    %swap3A_631 = vector.shape_cast %broadcast_in_dim3A_2 : vector<16xf32> to vector<1x16xf32>
    tpu.vector_store %arg6[%swap3A_627, %swap3A_628], %swap3A_631 {strides = array<i32>} : memref<16x128xf32, #tpu.memory_space<vmem>>, vector<1x16xf32>,
    %swap3A_632 = arith.constant 13 : i32
    %swap3A_633 = arith.index_cast %swap3A_632 : i32 to index
    %swap3A_634 = arith.constant 16 : index
    %swap3A_635 = tpu.vector_load %arg6[%swap3A_633, %swap3A_634] {strides = array<i32>} : memref<16x128xf32, #tpu.memory_space<vmem>>, vector<1x16xf32>,
    %swap3A_636 = vector.shape_cast %swap3A_635 : vector<1x16xf32> to vector<16xf32>
    %swap3A_637 = vector.shape_cast %broadcast_in_dim3A_2 : vector<16xf32> to vector<1x16xf32>
    tpu.vector_store %arg6[%swap3A_633, %swap3A_634], %swap3A_637 {strides = array<i32>} : memref<16x128xf32, #tpu.memory_space<vmem>>, vector<1x16xf32>,
    %swap3A_638 = arith.constant 13 : i32
    %swap3A_639 = arith.index_cast %swap3A_638 : i32 to index
    %swap3A_640 = arith.constant 32 : index
    %swap3A_641 = tpu.vector_load %arg6[%swap3A_639, %swap3A_640] {strides = array<i32>} : memref<16x128xf32, #tpu.memory_space<vmem>>, vector<1x16xf32>,
    %swap3A_642 = vector.shape_cast %swap3A_641 : vector<1x16xf32> to vector<16xf32>
    %swap3A_643 = vector.shape_cast %broadcast_in_dim3A_2 : vector<16xf32> to vector<1x16xf32>
    tpu.vector_store %arg6[%swap3A_639, %swap3A_640], %swap3A_643 {strides = array<i32>} : memref<16x128xf32, #tpu.memory_space<vmem>>, vector<1x16xf32>,
    %swap3A_644 = arith.constant 13 : i32
    %swap3A_645 = arith.index_cast %swap3A_644 : i32 to index
    %swap3A_646 = arith.constant 48 : index
    %swap3A_647 = tpu.vector_load %arg6[%swap3A_645, %swap3A_646] {strides = array<i32>} : memref<16x128xf32, #tpu.memory_space<vmem>>, vector<1x16xf32>,
    %swap3A_648 = vector.shape_cast %swap3A_647 : vector<1x16xf32> to vector<16xf32>
    %swap3A_649 = vector.shape_cast %broadcast_in_dim3A_2 : vector<16xf32> to vector<1x16xf32>
    tpu.vector_store %arg6[%swap3A_645, %swap3A_646], %swap3A_649 {strides = array<i32>} : memref<16x128xf32, #tpu.memory_space<vmem>>, vector<1x16xf32>,
    %swap3A_650 = arith.constant 13 : i32
    %swap3A_651 = arith.index_cast %swap3A_650 : i32 to index
    %swap3A_652 = arith.constant 64 : index
    %swap3A_653 = tpu.vector_load %arg6[%swap3A_651, %swap3A_652] {strides = array<i32>} : memref<16x128xf32, #tpu.memory_space<vmem>>, vector<1x16xf32>,
    %swap3A_654 = vector.shape_cast %swap3A_653 : vector<1x16xf32> to vector<16xf32>
    %swap3A_655 = vector.shape_cast %broadcast_in_dim3A_2 : vector<16xf32> to vector<1x16xf32>
    tpu.vector_store %arg6[%swap3A_651, %swap3A_652], %swap3A_655 {strides = array<i32>} : memref<16x128xf32, #tpu.memory_space<vmem>>, vector<1x16xf32>,
    %swap3A_656 = arith.constant 13 : i32
    %swap3A_657 = arith.index_cast %swap3A_656 : i32 to index
    %swap3A_658 = arith.constant 80 : index
    %swap3A_659 = tpu.vector_load %arg6[%swap3A_657, %swap3A_658] {strides = array<i32>} : memref<16x128xf32, #tpu.memory_space<vmem>>, vector<1x16xf32>,
    %swap3A_660 = vector.shape_cast %swap3A_659 : vector<1x16xf32> to vector<16xf32>
    %swap3A_661 = vector.shape_cast %broadcast_in_dim3A_2 : vector<16xf32> to vector<1x16xf32>
    tpu.vector_store %arg6[%swap3A_657, %swap3A_658], %swap3A_661 {strides = array<i32>} : memref<16x128xf32, #tpu.memory_space<vmem>>, vector<1x16xf32>,
    %swap3A_662 = arith.constant 13 : i32
    %swap3A_663 = arith.index_cast %swap3A_662 : i32 to index
    %swap3A_664 = arith.constant 96 : index
    %swap3A_665 = tpu.vector_load %arg6[%swap3A_663, %swap3A_664] {strides = array<i32>} : memref<16x128xf32, #tpu.memory_space<vmem>>, vector<1x16xf32>,
    %swap3A_666 = vector.shape_cast %swap3A_665 : vector<1x16xf32> to vector<16xf32>
    %swap3A_667 = vector.shape_cast %broadcast_in_dim3A_2 : vector<16xf32> to vector<1x16xf32>
    tpu.vector_store %arg6[%swap3A_663, %swap3A_664], %swap3A_667 {strides = array<i32>} : memref<16x128xf32, #tpu.memory_space<vmem>>, vector<1x16xf32>,
    %swap3A_668 = arith.constant 13 : i32
    %swap3A_669 = arith.index_cast %swap3A_668 : i32 to index
    %swap3A_670 = arith.constant 112 : index
    %swap3A_671 = tpu.vector_load %arg6[%swap3A_669, %swap3A_670] {strides = array<i32>} : memref<16x128xf32, #tpu.memory_space<vmem>>, vector<1x16xf32>,
    %swap3A_672 = vector.shape_cast %swap3A_671 : vector<1x16xf32> to vector<16xf32>
    %swap3A_673 = vector.shape_cast %broadcast_in_dim3A_2 : vector<16xf32> to vector<1x16xf32>
    tpu.vector_store %arg6[%swap3A_669, %swap3A_670], %swap3A_673 {strides = array<i32>} : memref<16x128xf32, #tpu.memory_space<vmem>>, vector<1x16xf32>,
    %swap3A_674 = arith.constant 14 : i32
    %swap3A_675 = arith.index_cast %swap3A_674 : i32 to index
    %swap3A_676 = arith.constant 0 : index
    %swap3A_677 = tpu.vector_load %arg6[%swap3A_675, %swap3A_676] {strides = array<i32>} : memref<16x128xf32, #tpu.memory_space<vmem>>, vector<1x16xf32>,
    %swap3A_678 = vector.shape_cast %swap3A_677 : vector<1x16xf32> to vector<16xf32>
    %swap3A_679 = vector.shape_cast %broadcast_in_dim3A_2 : vector<16xf32> to vector<1x16xf32>
    tpu.vector_store %arg6[%swap3A_675, %swap3A_676], %swap3A_679 {strides = array<i32>} : memref<16x128xf32, #tpu.memory_space<vmem>>, vector<1x16xf32>,
    %swap3A_680 = arith.constant 14 : i32
    %swap3A_681 = arith.index_cast %swap3A_680 : i32 to index
    %swap3A_682 = arith.constant 16 : index
    %swap3A_683 = tpu.vector_load %arg6[%swap3A_681, %swap3A_682] {strides = array<i32>} : memref<16x128xf32, #tpu.memory_space<vmem>>, vector<1x16xf32>,
    %swap3A_684 = vector.shape_cast %swap3A_683 : vector<1x16xf32> to vector<16xf32>
    %swap3A_685 = vector.shape_cast %broadcast_in_dim3A_2 : vector<16xf32> to vector<1x16xf32>
    tpu.vector_store %arg6[%swap3A_681, %swap3A_682], %swap3A_685 {strides = array<i32>} : memref<16x128xf32, #tpu.memory_space<vmem>>, vector<1x16xf32>,
    %swap3A_686 = arith.constant 14 : i32
    %swap3A_687 = arith.index_cast %swap3A_686 : i32 to index
    %swap3A_688 = arith.constant 32 : index
    %swap3A_689 = tpu.vector_load %arg6[%swap3A_687, %swap3A_688] {strides = array<i32>} : memref<16x128xf32, #tpu.memory_space<vmem>>, vector<1x16xf32>,
    %swap3A_690 = vector.shape_cast %swap3A_689 : vector<1x16xf32> to vector<16xf32>
    %swap3A_691 = vector.shape_cast %broadcast_in_dim3A_2 : vector<16xf32> to vector<1x16xf32>
    tpu.vector_store %arg6[%swap3A_687, %swap3A_688], %swap3A_691 {strides = array<i32>} : memref<16x128xf32, #tpu.memory_space<vmem>>, vector<1x16xf32>,
    %swap3A_692 = arith.constant 14 : i32
    %swap3A_693 = arith.index_cast %swap3A_692 : i32 to index
    %swap3A_694 = arith.constant 48 : index
    %swap3A_695 = tpu.vector_load %arg6[%swap3A_693, %swap3A_694] {strides = array<i32>} : memref<16x128xf32, #tpu.memory_space<vmem>>, vector<1x16xf32>,
    %swap3A_696 = vector.shape_cast %swap3A_695 : vector<1x16xf32> to vector<16xf32>
    %swap3A_697 = vector.shape_cast %broadcast_in_dim3A_2 : vector<16xf32> to vector<1x16xf32>
    tpu.vector_store %arg6[%swap3A_693, %swap3A_694], %swap3A_697 {strides = array<i32>} : memref<16x128xf32, #tpu.memory_space<vmem>>, vector<1x16xf32>,
    %swap3A_698 = arith.constant 14 : i32
    %swap3A_699 = arith.index_cast %swap3A_698 : i32 to index
    %swap3A_700 = arith.constant 64 : index
    %swap3A_701 = tpu.vector_load %arg6[%swap3A_699, %swap3A_700] {strides = array<i32>} : memref<16x128xf32, #tpu.memory_space<vmem>>, vector<1x16xf32>,
    %swap3A_702 = vector.shape_cast %swap3A_701 : vector<1x16xf32> to vector<16xf32>
    %swap3A_703 = vector.shape_cast %broadcast_in_dim3A_2 : vector<16xf32> to vector<1x16xf32>
    tpu.vector_store %arg6[%swap3A_699, %swap3A_700], %swap3A_703 {strides = array<i32>} : memref<16x128xf32, #tpu.memory_space<vmem>>, vector<1x16xf32>,
    %swap3A_704 = arith.constant 14 : i32
    %swap3A_705 = arith.index_cast %swap3A_704 : i32 to index
    %swap3A_706 = arith.constant 80 : index
    %swap3A_707 = tpu.vector_load %arg6[%swap3A_705, %swap3A_706] {strides = array<i32>} : memref<16x128xf32, #tpu.memory_space<vmem>>, vector<1x16xf32>,
    %swap3A_708 = vector.shape_cast %swap3A_707 : vector<1x16xf32> to vector<16xf32>
    %swap3A_709 = vector.shape_cast %broadcast_in_dim3A_2 : vector<16xf32> to vector<1x16xf32>
    tpu.vector_store %arg6[%swap3A_705, %swap3A_706], %swap3A_709 {strides = array<i32>} : memref<16x128xf32, #tpu.memory_space<vmem>>, vector<1x16xf32>,
    %swap3A_710 = arith.constant 14 : i32
    %swap3A_711 = arith.index_cast %swap3A_710 : i32 to index
    %swap3A_712 = arith.constant 96 : index
    %swap3A_713 = tpu.vector_load %arg6[%swap3A_711, %swap3A_712] {strides = array<i32>} : memref<16x128xf32, #tpu.memory_space<vmem>>, vector<1x16xf32>,
    %swap3A_714 = vector.shape_cast %swap3A_713 : vector<1x16xf32> to vector<16xf32>
    %swap3A_715 = vector.shape_cast %broadcast_in_dim3A_2 : vector<16xf32> to vector<1x16xf32>
    tpu.vector_store %arg6[%swap3A_711, %swap3A_712], %swap3A_715 {strides = array<i32>} : memref<16x128xf32, #tpu.memory_space<vmem>>, vector<1x16xf32>,
    %swap3A_716 = arith.constant 14 : i32
    %swap3A_717 = arith.index_cast %swap3A_716 : i32 to index
    %swap3A_718 = arith.constant 112 : index
    %swap3A_719 = tpu.vector_load %arg6[%swap3A_717, %swap3A_718] {strides = array<i32>} : memref<16x128xf32, #tpu.memory_space<vmem>>, vector<1x16xf32>,
    %swap3A_720 = vector.shape_cast %swap3A_719 : vector<1x16xf32> to vector<16xf32>
    %swap3A_721 = vector.shape_cast %broadcast_in_dim3A_2 : vector<16xf32> to vector<1x16xf32>
    tpu.vector_store %arg6[%swap3A_717, %swap3A_718], %swap3A_721 {strides = array<i32>} : memref<16x128xf32, #tpu.memory_space<vmem>>, vector<1x16xf32>,
    %swap3A_722 = arith.constant 15 : i32
    %swap3A_723 = arith.index_cast %swap3A_722 : i32 to index
    %swap3A_724 = arith.constant 0 : index
    %swap3A_725 = tpu.vector_load %arg6[%swap3A_723, %swap3A_724] {strides = array<i32>} : memref<16x128xf32, #tpu.memory_space<vmem>>, vector<1x16xf32>,
    %swap3A_726 = vector.shape_cast %swap3A_725 : vector<1x16xf32> to vector<16xf32>
    %swap3A_727 = vector.shape_cast %broadcast_in_dim3A_2 : vector<16xf32> to vector<1x16xf32>
    tpu.vector_store %arg6[%swap3A_723, %swap3A_724], %swap3A_727 {strides = array<i32>} : memref<16x128xf32, #tpu.memory_space<vmem>>, vector<1x16xf32>,
    %swap3A_728 = arith.constant 15 : i32
    %swap3A_729 = arith.index_cast %swap3A_728 : i32 to index
    %swap3A_730 = arith.constant 16 : index
    %swap3A_731 = tpu.vector_load %arg6[%swap3A_729, %swap3A_730] {strides = array<i32>} : memref<16x128xf32, #tpu.memory_space<vmem>>, vector<1x16xf32>,
    %swap3A_732 = vector.shape_cast %swap3A_731 : vector<1x16xf32> to vector<16xf32>
    %swap3A_733 = vector.shape_cast %broadcast_in_dim3A_2 : vector<16xf32> to vector<1x16xf32>
    tpu.vector_store %arg6[%swap3A_729, %swap3A_730], %swap3A_733 {strides = array<i32>} : memref<16x128xf32, #tpu.memory_space<vmem>>, vector<1x16xf32>,
    %swap3A_734 = arith.constant 15 : i32
    %swap3A_735 = arith.index_cast %swap3A_734 : i32 to index
    %swap3A_736 = arith.constant 32 : index
    %swap3A_737 = tpu.vector_load %arg6[%swap3A_735, %swap3A_736] {strides = array<i32>} : memref<16x128xf32, #tpu.memory_space<vmem>>, vector<1x16xf32>,
    %swap3A_738 = vector.shape_cast %swap3A_737 : vector<1x16xf32> to vector<16xf32>
    %swap3A_739 = vector.shape_cast %broadcast_in_dim3A_2 : vector<16xf32> to vector<1x16xf32>
    tpu.vector_store %arg6[%swap3A_735, %swap3A_736], %swap3A_739 {strides = array<i32>} : memref<16x128xf32, #tpu.memory_space<vmem>>, vector<1x16xf32>,
    %swap3A_740 = arith.constant 15 : i32
    %swap3A_741 = arith.index_cast %swap3A_740 : i32 to index
    %swap3A_742 = arith.constant 48 : index
    %swap3A_743 = tpu.vector_load %arg6[%swap3A_741, %swap3A_742] {strides = array<i32>} : memref<16x128xf32, #tpu.memory_space<vmem>>, vector<1x16xf32>,
    %swap3A_744 = vector.shape_cast %swap3A_743 : vector<1x16xf32> to vector<16xf32>
    %swap3A_745 = vector.shape_cast %broadcast_in_dim3A_2 : vector<16xf32> to vector<1x16xf32>
    tpu.vector_store %arg6[%swap3A_741, %swap3A_742], %swap3A_745 {strides = array<i32>} : memref<16x128xf32, #tpu.memory_space<vmem>>, vector<1x16xf32>,
    %swap3A_746 = arith.constant 15 : i32
    %swap3A_747 = arith.index_cast %swap3A_746 : i32 to index
    %swap3A_748 = arith.constant 64 : index
    %swap3A_749 = tpu.vector_load %arg6[%swap3A_747, %swap3A_748] {strides = array<i32>} : memref<16x128xf32, #tpu.memory_space<vmem>>, vector<1x16xf32>,
    %swap3A_750 = vector.shape_cast %swap3A_749 : vector<1x16xf32> to vector<16xf32>
    %swap3A_751 = vector.shape_cast %broadcast_in_dim3A_2 : vector<16xf32> to vector<1x16xf32>
    tpu.vector_store %arg6[%swap3A_747, %swap3A_748], %swap3A_751 {strides = array<i32>} : memref<16x128xf32, #tpu.memory_space<vmem>>, vector<1x16xf32>,
    %swap3A_752 = arith.constant 15 : i32
    %swap3A_753 = arith.index_cast %swap3A_752 : i32 to index
    %swap3A_754 = arith.constant 80 : index
    %swap3A_755 = tpu.vector_load %arg6[%swap3A_753, %swap3A_754] {strides = array<i32>} : memref<16x128xf32, #tpu.memory_space<vmem>>, vector<1x16xf32>,
    %swap3A_756 = vector.shape_cast %swap3A_755 : vector<1x16xf32> to vector<16xf32>
    %swap3A_757 = vector.shape_cast %broadcast_in_dim3A_2 : vector<16xf32> to vector<1x16xf32>
    tpu.vector_store %arg6[%swap3A_753, %swap3A_754], %swap3A_757 {strides = array<i32>} : memref<16x128xf32, #tpu.memory_space<vmem>>, vector<1x16xf32>,
    %swap3A_758 = arith.constant 15 : i32
    %swap3A_759 = arith.index_cast %swap3A_758 : i32 to index
    %swap3A_760 = arith.constant 96 : index
    %swap3A_761 = tpu.vector_load %arg6[%swap3A_759, %swap3A_760] {strides = array<i32>} : memref<16x128xf32, #tpu.memory_space<vmem>>, vector<1x16xf32>,
    %swap3A_762 = vector.shape_cast %swap3A_761 : vector<1x16xf32> to vector<16xf32>
    %swap3A_763 = vector.shape_cast %broadcast_in_dim3A_2 : vector<16xf32> to vector<1x16xf32>
    tpu.vector_store %arg6[%swap3A_759, %swap3A_760], %swap3A_763 {strides = array<i32>} : memref<16x128xf32, #tpu.memory_space<vmem>>, vector<1x16xf32>,
    %swap3A_764 = arith.constant 15 : i32
    %swap3A_765 = arith.index_cast %swap3A_764 : i32 to index
    %swap3A_766 = arith.constant 112 : index
    %swap3A_767 = tpu.vector_load %arg6[%swap3A_765, %swap3A_766] {strides = array<i32>} : memref<16x128xf32, #tpu.memory_space<vmem>>, vector<1x16xf32>,
    %swap3A_768 = vector.shape_cast %swap3A_767 : vector<1x16xf32> to vector<16xf32>
    %swap3A_769 = vector.shape_cast %broadcast_in_dim3A_2 : vector<16xf32> to vector<1x16xf32>
    tpu.vector_store %arg6[%swap3A_765, %swap3A_766], %swap3A_769 {strides = array<i32>} : memref<16x128xf32, #tpu.memory_space<vmem>>, vector<1x16xf32>,
    %scan3A = arith.constant 0 : i32
    %scan3A_770 = arith.constant 0 : i32
    %scan3A_771 = arith.constant 128 : i32
    %scan3A_772 = arith.addi %scan3A_770, %scan3A_771 : i32
    %scan3A_773 = arith.constant 1 : i32
    scf.for %scan3A_791 = %scan3A_770 to %scan3A_772 step %scan3A_773  : i32 {
      %swap3A_792 = arith.index_cast %scan3A_791 : i32 to index
      %swap3A_793 = arith.constant 0 : index
      %swap3A_794 = tpu.vector_load %arg5[%swap3A_792, %swap3A_793] {strides = array<i32>} : memref<128x128xf32, #tpu.memory_space<vmem>>, vector<1x16xf32>,
      %swap3A_795 = vector.shape_cast %swap3A_794 : vector<1x16xf32> to vector<16xf32>
      %swap3A_796 = vector.shape_cast %broadcast_in_dim3A_0 : vector<16xf32> to vector<1x16xf32>
      tpu.vector_store %arg5[%swap3A_792, %swap3A_793], %swap3A_796 {strides = array<i32>} : memref<128x128xf32, #tpu.memory_space<vmem>>, vector<1x16xf32>,
      %swap3A_797 = arith.index_cast %scan3A_791 : i32 to index
      %swap3A_798 = arith.constant 16 : index
      %swap3A_799 = tpu.vector_load %arg5[%swap3A_797, %swap3A_798] {strides = array<i32>} : memref<128x128xf32, #tpu.memory_space<vmem>>, vector<1x16xf32>,
      %swap3A_800 = vector.shape_cast %swap3A_799 : vector<1x16xf32> to vector<16xf32>
      %swap3A_801 = vector.shape_cast %broadcast_in_dim3A_0 : vector<16xf32> to vector<1x16xf32>
      tpu.vector_store %arg5[%swap3A_797, %swap3A_798], %swap3A_801 {strides = array<i32>} : memref<128x128xf32, #tpu.memory_space<vmem>>, vector<1x16xf32>,
      %swap3A_802 = arith.index_cast %scan3A_791 : i32 to index
      %swap3A_803 = arith.constant 32 : index
      %swap3A_804 = tpu.vector_load %arg5[%swap3A_802, %swap3A_803] {strides = array<i32>} : memref<128x128xf32, #tpu.memory_space<vmem>>, vector<1x16xf32>,
      %swap3A_805 = vector.shape_cast %swap3A_804 : vector<1x16xf32> to vector<16xf32>
      %swap3A_806 = vector.shape_cast %broadcast_in_dim3A_0 : vector<16xf32> to vector<1x16xf32>
      tpu.vector_store %arg5[%swap3A_802, %swap3A_803], %swap3A_806 {strides = array<i32>} : memref<128x128xf32, #tpu.memory_space<vmem>>, vector<1x16xf32>,
      %swap3A_807 = arith.index_cast %scan3A_791 : i32 to index
      %swap3A_808 = arith.constant 48 : index
      %swap3A_809 = tpu.vector_load %arg5[%swap3A_807, %swap3A_808] {strides = array<i32>} : memref<128x128xf32, #tpu.memory_space<vmem>>, vector<1x16xf32>,
      %swap3A_810 = vector.shape_cast %swap3A_809 : vector<1x16xf32> to vector<16xf32>
      %swap3A_811 = vector.shape_cast %broadcast_in_dim3A_0 : vector<16xf32> to vector<1x16xf32>
      tpu.vector_store %arg5[%swap3A_807, %swap3A_808], %swap3A_811 {strides = array<i32>} : memref<128x128xf32, #tpu.memory_space<vmem>>, vector<1x16xf32>,
      %swap3A_812 = arith.index_cast %scan3A_791 : i32 to index
      %swap3A_813 = arith.constant 64 : index
      %swap3A_814 = tpu.vector_load %arg5[%swap3A_812, %swap3A_813] {strides = array<i32>} : memref<128x128xf32, #tpu.memory_space<vmem>>, vector<1x16xf32>,
      %swap3A_815 = vector.shape_cast %swap3A_814 : vector<1x16xf32> to vector<16xf32>
      %swap3A_816 = vector.shape_cast %broadcast_in_dim3A_0 : vector<16xf32> to vector<1x16xf32>
      tpu.vector_store %arg5[%swap3A_812, %swap3A_813], %swap3A_816 {strides = array<i32>} : memref<128x128xf32, #tpu.memory_space<vmem>>, vector<1x16xf32>,
      %swap3A_817 = arith.index_cast %scan3A_791 : i32 to index
      %swap3A_818 = arith.constant 80 : index
      %swap3A_819 = tpu.vector_load %arg5[%swap3A_817, %swap3A_818] {strides = array<i32>} : memref<128x128xf32, #tpu.memory_space<vmem>>, vector<1x16xf32>,
      %swap3A_820 = vector.shape_cast %swap3A_819 : vector<1x16xf32> to vector<16xf32>
      %swap3A_821 = vector.shape_cast %broadcast_in_dim3A_0 : vector<16xf32> to vector<1x16xf32>
      tpu.vector_store %arg5[%swap3A_817, %swap3A_818], %swap3A_821 {strides = array<i32>} : memref<128x128xf32, #tpu.memory_space<vmem>>, vector<1x16xf32>,
      %swap3A_822 = arith.index_cast %scan3A_791 : i32 to index
      %swap3A_823 = arith.constant 96 : index
      %swap3A_824 = tpu.vector_load %arg5[%swap3A_822, %swap3A_823] {strides = array<i32>} : memref<128x128xf32, #tpu.memory_space<vmem>>, vector<1x16xf32>,
      %swap3A_825 = vector.shape_cast %swap3A_824 : vector<1x16xf32> to vector<16xf32>
      %swap3A_826 = vector.shape_cast %broadcast_in_dim3A_0 : vector<16xf32> to vector<1x16xf32>
      tpu.vector_store %arg5[%swap3A_822, %swap3A_823], %swap3A_826 {strides = array<i32>} : memref<128x128xf32, #tpu.memory_space<vmem>>, vector<1x16xf32>,
      %swap3A_827 = arith.index_cast %scan3A_791 : i32 to index
      %swap3A_828 = arith.constant 112 : index
      %swap3A_829 = tpu.vector_load %arg5[%swap3A_827, %swap3A_828] {strides = array<i32>} : memref<128x128xf32, #tpu.memory_space<vmem>>, vector<1x16xf32>,
      %swap3A_830 = vector.shape_cast %swap3A_829 : vector<1x16xf32> to vector<16xf32>
      %swap3A_831 = vector.shape_cast %broadcast_in_dim3A_0 : vector<16xf32> to vector<1x16xf32>
      tpu.vector_store %arg5[%swap3A_827, %swap3A_828], %swap3A_831 {strides = array<i32>} : memref<128x128xf32, #tpu.memory_space<vmem>>, vector<1x16xf32>,
    }
    %scan3A_774 = arith.constant 128 : i32
    %scan3A_775 = arith.constant 0 : i32
    %scan3A_776 = arith.constant 0 : i32
    %scan3A_777 = arith.constant 40 : i32
    %scan3A_778 = arith.addi %scan3A_776, %scan3A_777 : i32
    %scan3A_779 = arith.constant 1 : i32
    scf.for %scan3A_791 = %scan3A_776 to %scan3A_778 step %scan3A_779  : i32 {
      %mul3A_792 = arith.constant 640 : i32
      %mul3A_793 = arith.muli %arg1, %mul3A_792 : i32
      %mul3A_794 = arith.constant 16 : i32
      %mul3A_795 = arith.muli %scan3A_791, %mul3A_794 : i32
      %add3A = arith.addi %mul3A_793, %mul3A_795 : i32
      "tpu.region"() ({
        %run_scoped3A = tpu.sem_alloc : memref<!tpu.dma_semaphore, #tpu.memory_space<semaphore_mem>>
        %dma_start3A = arith.constant 0 : i32
        %dma_start3A_796 = tpu.memref_slice %arg7[%add3A, %dma_start3A] : memref<10240x128xf32, #tpu.memory_space<vmem_shared>> -> memref<16x128xf32, #tpu.memory_space<vmem_shared>>
        %dma_start3A_797 = arith.constant 0 : i32
        %dma_start3A_798 = tpu.memref_slice %arg7[%add3A, %dma_start3A_797] : memref<10240x128xf32, #tpu.memory_space<vmem_shared>> -> memref<16x128xf32, #tpu.memory_space<vmem_shared>>
        tpu.enqueue_dma source(%arg6 : memref<16x128xf32, #tpu.memory_space<vmem>>) target(%dma_start3A_798 : memref<16x128xf32, #tpu.memory_space<vmem_shared>>) target_semaphore(%run_scoped3A : memref<!tpu.dma_semaphore, #tpu.memory_space<semaphore_mem>>)
        %dma_wait3A = arith.constant 0 : i32
        %dma_wait3A_799 = tpu.memref_slice %arg7[%add3A, %dma_wait3A] : memref<10240x128xf32, #tpu.memory_space<vmem_shared>> -> memref<16x128xf32, #tpu.memory_space<vmem_shared>>
        %dma_wait3A_800 = arith.constant 0 : i32
        %dma_wait3A_801 = tpu.memref_slice %arg7[%add3A, %dma_wait3A_800] : memref<10240x128xf32, #tpu.memory_space<vmem_shared>> -> memref<16x128xf32, #tpu.memory_space<vmem_shared>>
        tpu.wait_dma2 semaphore(%run_scoped3A : memref<!tpu.dma_semaphore, #tpu.memory_space<semaphore_mem>>) src(%arg6 : memref<16x128xf32, #tpu.memory_space<vmem>>) dst(%dma_wait3A_801 : memref<16x128xf32, #tpu.memory_space<vmem_shared>>)
        tpu.yield
      }) : () -> ()
    }
    %scan3A_780 = arith.constant 40 : i32
    %barrier3A = arith.constant 0 : index
    tpu.barrier barrier_id(%barrier3A)
    %scan3A_781 = arith.constant 0 : i32
    %scan3A_782 = arith.constant 0 : i32
    %scan3A_783 = arith.constant 40 : i32
    %scan3A_784 = arith.addi %scan3A_782, %scan3A_783 : i32
    %scan3A_785 = arith.constant 1 : i32
    scf.for %scan3A_791 = %scan3A_782 to %scan3A_784 step %scan3A_785  : i32 {
      "tpu.region"() ({
        %run_scoped3A = tpu.sem_alloc : memref<!tpu.dma_semaphore, #tpu.memory_space<semaphore_mem>>
        %dma_start3A = arith.constant 0 : i32
        %dma_start3A_792 = tpu.memref_slice %arg4[%scan3A_791, %dma_start3A] : memref<40x128xi32, #tpu.memory_space<vmem>> -> memref<1x128xi32, #tpu.memory_space<vmem>>
        %dma_start3A_793 = tpu.memref_squeeze %dma_start3A_792 : memref<1x128xi32, #tpu.memory_space<vmem>> -> memref<128xi32, #tpu.memory_space<vmem>>
        %dma_start3A_794 = arith.constant 0 : i32
        %dma_start3A_795 = arith.constant 0 : i32
        %dma_start3A_796 = tpu.memref_slice %arg7[%dma_start3A_794, %dma_start3A_795] : memref<10240x128xf32, #tpu.memory_space<vmem_shared>> -> memref<10240x128xf32, #tpu.memory_space<vmem_shared>>
        tpu.enqueue_indirect_dma source(%arg5 : memref<128x128xf32, #tpu.memory_space<vmem>>) target(%dma_start3A_796 : memref<10240x128xf32, #tpu.memory_space<vmem_shared>>) offsets(%dma_start3A_793 : memref<128xi32, #tpu.memory_space<vmem>>) semaphore(%run_scoped3A : memref<!tpu.dma_semaphore, #tpu.memory_space<semaphore_mem>>) {add = true}
        %dma_wait3A = arith.constant 0 : i32
        %dma_wait3A_797 = tpu.memref_slice %arg4[%scan3A_791, %dma_wait3A] : memref<40x128xi32, #tpu.memory_space<vmem>> -> memref<1x128xi32, #tpu.memory_space<vmem>>
        %dma_wait3A_798 = tpu.memref_squeeze %dma_wait3A_797 : memref<1x128xi32, #tpu.memory_space<vmem>> -> memref<128xi32, #tpu.memory_space<vmem>>
        %dma_wait3A_799 = arith.constant 0 : i32
        %dma_wait3A_800 = arith.constant 0 : i32
        %dma_wait3A_801 = tpu.memref_slice %arg7[%dma_wait3A_799, %dma_wait3A_800] : memref<10240x128xf32, #tpu.memory_space<vmem_shared>> -> memref<10240x128xf32, #tpu.memory_space<vmem_shared>>
        tpu.wait_indirect_dma semaphore(%run_scoped3A : memref<!tpu.dma_semaphore, #tpu.memory_space<semaphore_mem>>) src(%arg5 : memref<128x128xf32, #tpu.memory_space<vmem>>) dst(%dma_wait3A_801 : memref<10240x128xf32, #tpu.memory_space<vmem_shared>>)
        tpu.yield
      }) : () -> ()
    }
    %scan3A_786 = arith.constant 40 : i32
    %barrier3A_787 = arith.constant 0 : index
    tpu.barrier barrier_id(%barrier3A_787)
    %mul3A = arith.constant 640 : i32
    %mul3A_788 = arith.muli %arg1, %mul3A : i32
    %mul3A_789 = arith.constant 640 : i32
    %mul3A_790 = arith.muli %arg1, %mul3A_789 : i32
    "tpu.region"() ({
      %run_scoped3A = tpu.sem_alloc : memref<!tpu.dma_semaphore, #tpu.memory_space<semaphore_mem>>
      %dma_start3A = arith.constant 0 : i32
      %dma_start3A_791 = tpu.memref_slice %arg3[%arg0, %mul3A_790, %dma_start3A] : memref<2x10240x128xf32, #tpu.memory_space<hbm>> -> memref<1x640x128xf32, #tpu.memory_space<hbm>>
      %dma_start3A_792 = tpu.memref_squeeze %dma_start3A_791 : memref<1x640x128xf32, #tpu.memory_space<hbm>> -> memref<640x128xf32, #tpu.memory_space<hbm>>
      %dma_start3A_793 = arith.constant 0 : i32
      %dma_start3A_794 = tpu.memref_slice %arg7[%mul3A_788, %dma_start3A_793] : memref<10240x128xf32, #tpu.memory_space<vmem_shared>> -> memref<640x128xf32, #tpu.memory_space<vmem_shared>>
      tpu.enqueue_dma source(%dma_start3A_794 : memref<640x128xf32, #tpu.memory_space<vmem_shared>>) target(%dma_start3A_792 : memref<640x128xf32, #tpu.memory_space<hbm>>) target_semaphore(%run_scoped3A : memref<!tpu.dma_semaphore, #tpu.memory_space<semaphore_mem>>)
      %dma_wait3A = arith.constant 0 : i32
      %dma_wait3A_795 = tpu.memref_slice %arg3[%arg0, %mul3A_790, %dma_wait3A] : memref<2x10240x128xf32, #tpu.memory_space<hbm>> -> memref<1x640x128xf32, #tpu.memory_space<hbm>>
      %dma_wait3A_796 = tpu.memref_squeeze %dma_wait3A_795 : memref<1x640x128xf32, #tpu.memory_space<hbm>> -> memref<640x128xf32, #tpu.memory_space<hbm>>
      %dma_wait3A_797 = arith.constant 0 : i32
      %dma_wait3A_798 = tpu.memref_slice %arg7[%mul3A_788, %dma_wait3A_797] : memref<10240x128xf32, #tpu.memory_space<vmem_shared>> -> memref<640x128xf32, #tpu.memory_space<vmem_shared>>
      tpu.wait_dma2 semaphore(%run_scoped3A : memref<!tpu.dma_semaphore, #tpu.memory_space<semaphore_mem>>) src(%dma_wait3A_798 : memref<640x128xf32, #tpu.memory_space<vmem_shared>>) dst(%dma_wait3A_796 : memref<640x128xf32, #tpu.memory_space<hbm>>)
      tpu.yield
    }) : () -> ()
    return
  }
}

#map = affine_map<(d0, d1) -> (0, 0, 0, 0)>
#map1 = affine_map<(d0, d1) -> (0, 0, 0)>
#map2 = affine_map<(d0, d1) -> (0, 0)>
module attributes {stable_mosaic.version = 14 : i64} {
  func.func @_spmm(%arg0: i32, %arg1: i32, %arg2: memref<2x16x80x128xi32, #tpu.memory_space<hbm>>, %arg3: memref<16x80x128xi32, #tpu.memory_space<hbm>>, %arg4: memref<20000x128xf32, #tpu.memory_space<hbm>>, %arg5: memref<2x10000x128xf32, #tpu.memory_space<hbm>>, %arg6: memref<80x128xi32, #tpu.memory_space<vmem>>, %arg7: memref<80x128xi32, #tpu.memory_space<vmem>>, %arg8: memref<128x128xf32, #tpu.memory_space<vmem>>, %arg9: memref<16x128xf32, #tpu.memory_space<vmem>>, %arg10: memref<10240x128xf32, #tpu.memory_space<vmem_shared>>, %arg11: memref<!tpu.dma_semaphore, #tpu.memory_space<semaphore_mem>>) attributes {dimension_semantics = [#tpu.dimension_semantics<core_parallel>, #tpu.dimension_semantics<subcore_parallel>], iteration_bounds = array<i64: 2, 16>, scalar_prefetch = 0 : i64, scratch_operands = 6 : i64, tpu.core_type = #tpu.core_type<sc_vector_subcore>, window_params = [{transform_indices = #map}, {transform_indices = #map1}, {transform_indices = #map2}, {transform_indices = #map1}]} {
    "tpu.region"() ({
      %run_scoped3A = tpu.sem_alloc : memref<!tpu.dma_semaphore, #tpu.memory_space<semaphore_mem>>
      %dma_start3A = arith.constant 0 : i32
      %dma_start3A_25 = arith.constant 0 : i32
      %dma_start3A_26 = tpu.memref_slice %arg2[%arg0, %arg1, %dma_start3A, %dma_start3A_25] : memref<2x16x80x128xi32, #tpu.memory_space<hbm>> -> memref<1x1x80x128xi32, #tpu.memory_space<hbm>>
      %dma_start3A_27 = tpu.memref_squeeze %dma_start3A_26 : memref<1x1x80x128xi32, #tpu.memory_space<hbm>> -> memref<80x128xi32, #tpu.memory_space<hbm>>
      %dma_start3A_28 = arith.constant 0 : i32
      %dma_start3A_29 = arith.constant 0 : i32
      %dma_start3A_30 = tpu.memref_slice %arg2[%arg0, %arg1, %dma_start3A_28, %dma_start3A_29] : memref<2x16x80x128xi32, #tpu.memory_space<hbm>> -> memref<1x1x80x128xi32, #tpu.memory_space<hbm>>
      %dma_start3A_31 = tpu.memref_squeeze %dma_start3A_30 : memref<1x1x80x128xi32, #tpu.memory_space<hbm>> -> memref<80x128xi32, #tpu.memory_space<hbm>>
      tpu.enqueue_dma source(%dma_start3A_31 : memref<80x128xi32, #tpu.memory_space<hbm>>) target(%arg6 : memref<80x128xi32, #tpu.memory_space<vmem>>) target_semaphore(%run_scoped3A : memref<!tpu.dma_semaphore, #tpu.memory_space<semaphore_mem>>)
      %dma_wait3A = arith.constant 0 : i32
      %dma_wait3A_32 = arith.constant 0 : i32
      %dma_wait3A_33 = tpu.memref_slice %arg2[%arg0, %arg1, %dma_wait3A, %dma_wait3A_32] : memref<2x16x80x128xi32, #tpu.memory_space<hbm>> -> memref<1x1x80x128xi32, #tpu.memory_space<hbm>>
      %dma_wait3A_34 = tpu.memref_squeeze %dma_wait3A_33 : memref<1x1x80x128xi32, #tpu.memory_space<hbm>> -> memref<80x128xi32, #tpu.memory_space<hbm>>
      %dma_wait3A_35 = arith.constant 0 : i32
      %dma_wait3A_36 = arith.constant 0 : i32
      %dma_wait3A_37 = tpu.memref_slice %arg2[%arg0, %arg1, %dma_wait3A_35, %dma_wait3A_36] : memref<2x16x80x128xi32, #tpu.memory_space<hbm>> -> memref<1x1x80x128xi32, #tpu.memory_space<hbm>>
      %dma_wait3A_38 = tpu.memref_squeeze %dma_wait3A_37 : memref<1x1x80x128xi32, #tpu.memory_space<hbm>> -> memref<80x128xi32, #tpu.memory_space<hbm>>
      tpu.wait_dma2 semaphore(%run_scoped3A : memref<!tpu.dma_semaphore, #tpu.memory_space<semaphore_mem>>) src(%dma_wait3A_38 : memref<80x128xi32, #tpu.memory_space<hbm>>) dst(%arg6 : memref<80x128xi32, #tpu.memory_space<vmem>>)
      tpu.yield
    }) : () -> ()
    "tpu.region"() ({
      %run_scoped3A = tpu.sem_alloc : memref<!tpu.dma_semaphore, #tpu.memory_space<semaphore_mem>>
      %dma_start3A = arith.constant 0 : i32
      %dma_start3A_25 = arith.constant 0 : i32
      %dma_start3A_26 = tpu.memref_slice %arg3[%arg1, %dma_start3A, %dma_start3A_25] : memref<16x80x128xi32, #tpu.memory_space<hbm>> -> memref<1x80x128xi32, #tpu.memory_space<hbm>>
      %dma_start3A_27 = tpu.memref_squeeze %dma_start3A_26 : memref<1x80x128xi32, #tpu.memory_space<hbm>> -> memref<80x128xi32, #tpu.memory_space<hbm>>
      %dma_start3A_28 = arith.constant 0 : i32
      %dma_start3A_29 = arith.constant 0 : i32
      %dma_start3A_30 = tpu.memref_slice %arg3[%arg1, %dma_start3A_28, %dma_start3A_29] : memref<16x80x128xi32, #tpu.memory_space<hbm>> -> memref<1x80x128xi32, #tpu.memory_space<hbm>>
      %dma_start3A_31 = tpu.memref_squeeze %dma_start3A_30 : memref<1x80x128xi32, #tpu.memory_space<hbm>> -> memref<80x128xi32, #tpu.memory_space<hbm>>
      tpu.enqueue_dma source(%dma_start3A_31 : memref<80x128xi32, #tpu.memory_space<hbm>>) target(%arg7 : memref<80x128xi32, #tpu.memory_space<vmem>>) target_semaphore(%run_scoped3A : memref<!tpu.dma_semaphore, #tpu.memory_space<semaphore_mem>>)
      %dma_wait3A = arith.constant 0 : i32
      %dma_wait3A_32 = arith.constant 0 : i32
      %dma_wait3A_33 = tpu.memref_slice %arg3[%arg1, %dma_wait3A, %dma_wait3A_32] : memref<16x80x128xi32, #tpu.memory_space<hbm>> -> memref<1x80x128xi32, #tpu.memory_space<hbm>>
      %dma_wait3A_34 = tpu.memref_squeeze %dma_wait3A_33 : memref<1x80x128xi32, #tpu.memory_space<hbm>> -> memref<80x128xi32, #tpu.memory_space<hbm>>
      %dma_wait3A_35 = arith.constant 0 : i32
      %dma_wait3A_36 = arith.constant 0 : i32
      %dma_wait3A_37 = tpu.memref_slice %arg3[%arg1, %dma_wait3A_35, %dma_wait3A_36] : memref<16x80x128xi32, #tpu.memory_space<hbm>> -> memref<1x80x128xi32, #tpu.memory_space<hbm>>
      %dma_wait3A_38 = tpu.memref_squeeze %dma_wait3A_37 : memref<1x80x128xi32, #tpu.memory_space<hbm>> -> memref<80x128xi32, #tpu.memory_space<hbm>>
      tpu.wait_dma2 semaphore(%run_scoped3A : memref<!tpu.dma_semaphore, #tpu.memory_space<semaphore_mem>>) src(%dma_wait3A_38 : memref<80x128xi32, #tpu.memory_space<hbm>>) dst(%arg7 : memref<80x128xi32, #tpu.memory_space<vmem>>)
      tpu.yield
    }) : () -> ()
    %broadcast_in_dim3A = arith.constant 0.000000e+00 : f32
    %broadcast_in_dim3A_0 = vector.broadcast %broadcast_in_dim3A : f32 to vector<16xf32>
    %scan3A = arith.constant 0 : i32
    %scan3A_1 = arith.constant 0 : i32
    %scan3A_2 = arith.constant 16 : i32
    %scan3A_3 = arith.addi %scan3A_1, %scan3A_2 : i32
    %scan3A_4 = arith.constant 1 : i32
    scf.for %scan3A_25 = %scan3A_1 to %scan3A_3 step %scan3A_4  : i32 {
      %swap3A = arith.index_cast %scan3A_25 : i32 to index
      %swap3A_26 = arith.constant 0 : index
      %swap3A_27 = tpu.vector_load %arg9[%swap3A, %swap3A_26] {strides = array<i32>} : memref<16x128xf32, #tpu.memory_space<vmem>>, vector<1x16xf32>,
      %swap3A_28 = vector.shape_cast %swap3A_27 : vector<1x16xf32> to vector<16xf32>
      %swap3A_29 = vector.shape_cast %broadcast_in_dim3A_0 : vector<16xf32> to vector<1x16xf32>
      tpu.vector_store %arg9[%swap3A, %swap3A_26], %swap3A_29 {strides = array<i32>} : memref<16x128xf32, #tpu.memory_space<vmem>>, vector<1x16xf32>,
      %swap3A_30 = arith.index_cast %scan3A_25 : i32 to index
      %swap3A_31 = arith.constant 16 : index
      %swap3A_32 = tpu.vector_load %arg9[%swap3A_30, %swap3A_31] {strides = array<i32>} : memref<16x128xf32, #tpu.memory_space<vmem>>, vector<1x16xf32>,
      %swap3A_33 = vector.shape_cast %swap3A_32 : vector<1x16xf32> to vector<16xf32>
      %swap3A_34 = vector.shape_cast %broadcast_in_dim3A_0 : vector<16xf32> to vector<1x16xf32>
      tpu.vector_store %arg9[%swap3A_30, %swap3A_31], %swap3A_34 {strides = array<i32>} : memref<16x128xf32, #tpu.memory_space<vmem>>, vector<1x16xf32>,
      %swap3A_35 = arith.index_cast %scan3A_25 : i32 to index
      %swap3A_36 = arith.constant 32 : index
      %swap3A_37 = tpu.vector_load %arg9[%swap3A_35, %swap3A_36] {strides = array<i32>} : memref<16x128xf32, #tpu.memory_space<vmem>>, vector<1x16xf32>,
      %swap3A_38 = vector.shape_cast %swap3A_37 : vector<1x16xf32> to vector<16xf32>
      %swap3A_39 = vector.shape_cast %broadcast_in_dim3A_0 : vector<16xf32> to vector<1x16xf32>
      tpu.vector_store %arg9[%swap3A_35, %swap3A_36], %swap3A_39 {strides = array<i32>} : memref<16x128xf32, #tpu.memory_space<vmem>>, vector<1x16xf32>,
      %swap3A_40 = arith.index_cast %scan3A_25 : i32 to index
      %swap3A_41 = arith.constant 48 : index
      %swap3A_42 = tpu.vector_load %arg9[%swap3A_40, %swap3A_41] {strides = array<i32>} : memref<16x128xf32, #tpu.memory_space<vmem>>, vector<1x16xf32>,
      %swap3A_43 = vector.shape_cast %swap3A_42 : vector<1x16xf32> to vector<16xf32>
      %swap3A_44 = vector.shape_cast %broadcast_in_dim3A_0 : vector<16xf32> to vector<1x16xf32>
      tpu.vector_store %arg9[%swap3A_40, %swap3A_41], %swap3A_44 {strides = array<i32>} : memref<16x128xf32, #tpu.memory_space<vmem>>, vector<1x16xf32>,
      %swap3A_45 = arith.index_cast %scan3A_25 : i32 to index
      %swap3A_46 = arith.constant 64 : index
      %swap3A_47 = tpu.vector_load %arg9[%swap3A_45, %swap3A_46] {strides = array<i32>} : memref<16x128xf32, #tpu.memory_space<vmem>>, vector<1x16xf32>,
      %swap3A_48 = vector.shape_cast %swap3A_47 : vector<1x16xf32> to vector<16xf32>
      %swap3A_49 = vector.shape_cast %broadcast_in_dim3A_0 : vector<16xf32> to vector<1x16xf32>
      tpu.vector_store %arg9[%swap3A_45, %swap3A_46], %swap3A_49 {strides = array<i32>} : memref<16x128xf32, #tpu.memory_space<vmem>>, vector<1x16xf32>,
      %swap3A_50 = arith.index_cast %scan3A_25 : i32 to index
      %swap3A_51 = arith.constant 80 : index
      %swap3A_52 = tpu.vector_load %arg9[%swap3A_50, %swap3A_51] {strides = array<i32>} : memref<16x128xf32, #tpu.memory_space<vmem>>, vector<1x16xf32>,
      %swap3A_53 = vector.shape_cast %swap3A_52 : vector<1x16xf32> to vector<16xf32>
      %swap3A_54 = vector.shape_cast %broadcast_in_dim3A_0 : vector<16xf32> to vector<1x16xf32>
      tpu.vector_store %arg9[%swap3A_50, %swap3A_51], %swap3A_54 {strides = array<i32>} : memref<16x128xf32, #tpu.memory_space<vmem>>, vector<1x16xf32>,
      %swap3A_55 = arith.index_cast %scan3A_25 : i32 to index
      %swap3A_56 = arith.constant 96 : index
      %swap3A_57 = tpu.vector_load %arg9[%swap3A_55, %swap3A_56] {strides = array<i32>} : memref<16x128xf32, #tpu.memory_space<vmem>>, vector<1x16xf32>,
      %swap3A_58 = vector.shape_cast %swap3A_57 : vector<1x16xf32> to vector<16xf32>
      %swap3A_59 = vector.shape_cast %broadcast_in_dim3A_0 : vector<16xf32> to vector<1x16xf32>
      tpu.vector_store %arg9[%swap3A_55, %swap3A_56], %swap3A_59 {strides = array<i32>} : memref<16x128xf32, #tpu.memory_space<vmem>>, vector<1x16xf32>,
      %swap3A_60 = arith.index_cast %scan3A_25 : i32 to index
      %swap3A_61 = arith.constant 112 : index
      %swap3A_62 = tpu.vector_load %arg9[%swap3A_60, %swap3A_61] {strides = array<i32>} : memref<16x128xf32, #tpu.memory_space<vmem>>, vector<1x16xf32>,
      %swap3A_63 = vector.shape_cast %swap3A_62 : vector<1x16xf32> to vector<16xf32>
      %swap3A_64 = vector.shape_cast %broadcast_in_dim3A_0 : vector<16xf32> to vector<1x16xf32>
      tpu.vector_store %arg9[%swap3A_60, %swap3A_61], %swap3A_64 {strides = array<i32>} : memref<16x128xf32, #tpu.memory_space<vmem>>, vector<1x16xf32>,
    }
    %scan3A_5 = arith.constant 16 : i32
    %scan3A_6 = arith.constant 0 : i32
    %scan3A_7 = arith.constant 0 : i32
    %scan3A_8 = arith.constant 40 : i32
    %scan3A_9 = arith.addi %scan3A_7, %scan3A_8 : i32
    %scan3A_10 = arith.constant 1 : i32
    scf.for %scan3A_25 = %scan3A_7 to %scan3A_9 step %scan3A_10  : i32 {
      %mul3A = arith.constant 640 : i32
      %mul3A_26 = arith.muli %arg1, %mul3A : i32
      %mul3A_27 = arith.constant 16 : i32
      %mul3A_28 = arith.muli %scan3A_25, %mul3A_27 : i32
      %add3A = arith.addi %mul3A_26, %mul3A_28 : i32
      "tpu.region"() ({
        %run_scoped3A = tpu.sem_alloc : memref<!tpu.dma_semaphore, #tpu.memory_space<semaphore_mem>>
        %dma_start3A = arith.constant 0 : i32
        %dma_start3A_29 = tpu.memref_slice %arg10[%add3A, %dma_start3A] : memref<10240x128xf32, #tpu.memory_space<vmem_shared>> -> memref<16x128xf32, #tpu.memory_space<vmem_shared>>
        %dma_start3A_30 = arith.constant 0 : i32
        %dma_start3A_31 = tpu.memref_slice %arg10[%add3A, %dma_start3A_30] : memref<10240x128xf32, #tpu.memory_space<vmem_shared>> -> memref<16x128xf32, #tpu.memory_space<vmem_shared>>
        tpu.enqueue_dma source(%arg9 : memref<16x128xf32, #tpu.memory_space<vmem>>) target(%dma_start3A_31 : memref<16x128xf32, #tpu.memory_space<vmem_shared>>) target_semaphore(%run_scoped3A : memref<!tpu.dma_semaphore, #tpu.memory_space<semaphore_mem>>)
        %dma_wait3A = arith.constant 0 : i32
        %dma_wait3A_32 = tpu.memref_slice %arg10[%add3A, %dma_wait3A] : memref<10240x128xf32, #tpu.memory_space<vmem_shared>> -> memref<16x128xf32, #tpu.memory_space<vmem_shared>>
        %dma_wait3A_33 = arith.constant 0 : i32
        %dma_wait3A_34 = tpu.memref_slice %arg10[%add3A, %dma_wait3A_33] : memref<10240x128xf32, #tpu.memory_space<vmem_shared>> -> memref<16x128xf32, #tpu.memory_space<vmem_shared>>
        tpu.wait_dma2 semaphore(%run_scoped3A : memref<!tpu.dma_semaphore, #tpu.memory_space<semaphore_mem>>) src(%arg9 : memref<16x128xf32, #tpu.memory_space<vmem>>) dst(%dma_wait3A_34 : memref<16x128xf32, #tpu.memory_space<vmem_shared>>)
        tpu.yield
      }) : () -> ()
    }
    %scan3A_11 = arith.constant 40 : i32
    %barrier3A = arith.constant 0 : index
    tpu.barrier barrier_id(%barrier3A)
    %scan3A_12 = arith.constant 0 : i32
    %scan3A_13 = arith.constant 0 : i32
    %scan3A_14 = arith.constant 80 : i32
    %scan3A_15 = arith.addi %scan3A_13, %scan3A_14 : i32
    %scan3A_16 = arith.constant 1 : i32
    scf.for %scan3A_25 = %scan3A_13 to %scan3A_15 step %scan3A_16  : i32 {
      %dma_start3A = arith.constant 0 : i32
      %dma_start3A_26 = tpu.memref_slice %arg6[%scan3A_25, %dma_start3A] : memref<80x128xi32, #tpu.memory_space<vmem>> -> memref<1x128xi32, #tpu.memory_space<vmem>>
      %dma_start3A_27 = tpu.memref_squeeze %dma_start3A_26 : memref<1x128xi32, #tpu.memory_space<vmem>> -> memref<128xi32, #tpu.memory_space<vmem>>
      %dma_start3A_28 = arith.constant 0 : i32
      %dma_start3A_29 = arith.constant 0 : i32
      %dma_start3A_30 = tpu.memref_slice %arg4[%dma_start3A_28, %dma_start3A_29] : memref<20000x128xf32, #tpu.memory_space<hbm>> -> memref<20000x128xf32, #tpu.memory_space<hbm>>
      tpu.enqueue_indirect_dma source(%dma_start3A_30 : memref<20000x128xf32, #tpu.memory_space<hbm>>) target(%arg8 : memref<128x128xf32, #tpu.memory_space<vmem>>) offsets(%dma_start3A_27 : memref<128xi32, #tpu.memory_space<vmem>>) semaphore(%arg11 : memref<!tpu.dma_semaphore, #tpu.memory_space<semaphore_mem>>)
      %dma_wait3A = arith.constant 0 : i32
      %dma_wait3A_31 = tpu.memref_slice %arg6[%scan3A_25, %dma_wait3A] : memref<80x128xi32, #tpu.memory_space<vmem>> -> memref<1x128xi32, #tpu.memory_space<vmem>>
      %dma_wait3A_32 = tpu.memref_squeeze %dma_wait3A_31 : memref<1x128xi32, #tpu.memory_space<vmem>> -> memref<128xi32, #tpu.memory_space<vmem>>
      %dma_wait3A_33 = arith.constant 0 : i32
      %dma_wait3A_34 = arith.constant 0 : i32
      %dma_wait3A_35 = tpu.memref_slice %arg4[%dma_wait3A_33, %dma_wait3A_34] : memref<20000x128xf32, #tpu.memory_space<hbm>> -> memref<20000x128xf32, #tpu.memory_space<hbm>>
      tpu.wait_indirect_dma semaphore(%arg11 : memref<!tpu.dma_semaphore, #tpu.memory_space<semaphore_mem>>) src(%dma_wait3A_35 : memref<20000x128xf32, #tpu.memory_space<hbm>>) dst(%arg8 : memref<128x128xf32, #tpu.memory_space<vmem>>)
      "tpu.region"() ({
        %run_scoped3A = tpu.sem_alloc : memref<!tpu.dma_semaphore, #tpu.memory_space<semaphore_mem>>
        %dma_start3A_36 = arith.constant 0 : i32
        %dma_start3A_37 = tpu.memref_slice %arg7[%scan3A_25, %dma_start3A_36] : memref<80x128xi32, #tpu.memory_space<vmem>> -> memref<1x128xi32, #tpu.memory_space<vmem>>
        %dma_start3A_38 = tpu.memref_squeeze %dma_start3A_37 : memref<1x128xi32, #tpu.memory_space<vmem>> -> memref<128xi32, #tpu.memory_space<vmem>>
        %dma_start3A_39 = arith.constant 0 : i32
        %dma_start3A_40 = arith.constant 0 : i32
        %dma_start3A_41 = tpu.memref_slice %arg10[%dma_start3A_39, %dma_start3A_40] : memref<10240x128xf32, #tpu.memory_space<vmem_shared>> -> memref<10240x128xf32, #tpu.memory_space<vmem_shared>>
        tpu.enqueue_indirect_dma source(%arg8 : memref<128x128xf32, #tpu.memory_space<vmem>>) target(%dma_start3A_41 : memref<10240x128xf32, #tpu.memory_space<vmem_shared>>) offsets(%dma_start3A_38 : memref<128xi32, #tpu.memory_space<vmem>>) semaphore(%run_scoped3A : memref<!tpu.dma_semaphore, #tpu.memory_space<semaphore_mem>>) {add = true}
        %dma_wait3A_42 = arith.constant 0 : i32
        %dma_wait3A_43 = tpu.memref_slice %arg7[%scan3A_25, %dma_wait3A_42] : memref<80x128xi32, #tpu.memory_space<vmem>> -> memref<1x128xi32, #tpu.memory_space<vmem>>
        %dma_wait3A_44 = tpu.memref_squeeze %dma_wait3A_43 : memref<1x128xi32, #tpu.memory_space<vmem>> -> memref<128xi32, #tpu.memory_space<vmem>>
        %dma_wait3A_45 = arith.constant 0 : i32
        %dma_wait3A_46 = arith.constant 0 : i32
        %dma_wait3A_47 = tpu.memref_slice %arg10[%dma_wait3A_45, %dma_wait3A_46] : memref<10240x128xf32, #tpu.memory_space<vmem_shared>> -> memref<10240x128xf32, #tpu.memory_space<vmem_shared>>
        tpu.wait_indirect_dma semaphore(%run_scoped3A : memref<!tpu.dma_semaphore, #tpu.memory_space<semaphore_mem>>) src(%arg8 : memref<128x128xf32, #tpu.memory_space<vmem>>) dst(%dma_wait3A_47 : memref<10240x128xf32, #tpu.memory_space<vmem_shared>>)
        tpu.yield
      }) : () -> ()
    }
    %scan3A_17 = arith.constant 80 : i32
    %barrier3A_18 = arith.constant 0 : index
    tpu.barrier barrier_id(%barrier3A_18)
    %lt3A = arith.constant 15 : i32
    %lt3A_19 = arith.cmpi slt, %arg1, %lt3A : i32
    %convert_element_type3A = arith.extui %lt3A_19 : i1 to i32
    %cond3A = arith.constant 0 : i32
    %cond3A_20 = arith.cmpi ne, %convert_element_type3A, %cond3A : i32
    scf.if %cond3A_20 {
      %mul3A = arith.constant 640 : i32
      %mul3A_25 = arith.muli %arg1, %mul3A : i32
      %mul3A_26 = arith.constant 640 : i32
      %mul3A_27 = arith.muli %arg1, %mul3A_26 : i32
      "tpu.region"() ({
        %run_scoped3A = tpu.sem_alloc : memref<!tpu.dma_semaphore, #tpu.memory_space<semaphore_mem>>
        %dma_start3A = arith.constant 0 : i32
        %dma_start3A_28 = tpu.memref_slice %arg5[%arg0, %mul3A_27, %dma_start3A] : memref<2x10000x128xf32, #tpu.memory_space<hbm>> -> memref<1x640x128xf32, #tpu.memory_space<hbm>>
        %dma_start3A_29 = tpu.memref_squeeze %dma_start3A_28 : memref<1x640x128xf32, #tpu.memory_space<hbm>> -> memref<640x128xf32, #tpu.memory_space<hbm>>
        %dma_start3A_30 = arith.constant 0 : i32
        %dma_start3A_31 = tpu.memref_slice %arg10[%mul3A_25, %dma_start3A_30] : memref<10240x128xf32, #tpu.memory_space<vmem_shared>> -> memref<640x128xf32, #tpu.memory_space<vmem_shared>>
        tpu.enqueue_dma source(%dma_start3A_31 : memref<640x128xf32, #tpu.memory_space<vmem_shared>>) target(%dma_start3A_29 : memref<640x128xf32, #tpu.memory_space<hbm>>) target_semaphore(%run_scoped3A : memref<!tpu.dma_semaphore, #tpu.memory_space<semaphore_mem>>)
        %dma_wait3A = arith.constant 0 : i32
        %dma_wait3A_32 = tpu.memref_slice %arg5[%arg0, %mul3A_27, %dma_wait3A] : memref<2x10000x128xf32, #tpu.memory_space<hbm>> -> memref<1x640x128xf32, #tpu.memory_space<hbm>>
        %dma_wait3A_33 = tpu.memref_squeeze %dma_wait3A_32 : memref<1x640x128xf32, #tpu.memory_space<hbm>> -> memref<640x128xf32, #tpu.memory_space<hbm>>
        %dma_wait3A_34 = arith.constant 0 : i32
        %dma_wait3A_35 = tpu.memref_slice %arg10[%mul3A_25, %dma_wait3A_34] : memref<10240x128xf32, #tpu.memory_space<vmem_shared>> -> memref<640x128xf32, #tpu.memory_space<vmem_shared>>
        tpu.wait_dma2 semaphore(%run_scoped3A : memref<!tpu.dma_semaphore, #tpu.memory_space<semaphore_mem>>) src(%dma_wait3A_35 : memref<640x128xf32, #tpu.memory_space<vmem_shared>>) dst(%dma_wait3A_33 : memref<640x128xf32, #tpu.memory_space<hbm>>)
        tpu.yield
      }) : () -> ()
    } else {
    }
    %eq3A = arith.constant 15 : i32
    %eq3A_21 = arith.cmpi eq, %arg1, %eq3A : i32
    %convert_element_type3A_22 = arith.extui %eq3A_21 : i1 to i32
    %cond3A_23 = arith.constant 0 : i32
    %cond3A_24 = arith.cmpi ne, %convert_element_type3A_22, %cond3A_23 : i32
    scf.if %cond3A_24 {
      "tpu.region"() ({
        %run_scoped3A = tpu.sem_alloc : memref<!tpu.dma_semaphore, #tpu.memory_space<semaphore_mem>>
        %dma_start3A = arith.constant 9600 : i32
        %dma_start3A_25 = arith.constant 0 : i32
        %dma_start3A_26 = tpu.memref_slice %arg5[%arg0, %dma_start3A, %dma_start3A_25] : memref<2x10000x128xf32, #tpu.memory_space<hbm>> -> memref<1x400x128xf32, #tpu.memory_space<hbm>>
        %dma_start3A_27 = tpu.memref_squeeze %dma_start3A_26 : memref<1x400x128xf32, #tpu.memory_space<hbm>> -> memref<400x128xf32, #tpu.memory_space<hbm>>
        %dma_start3A_28 = arith.constant 9600 : i32
        %dma_start3A_29 = arith.constant 0 : i32
        %dma_start3A_30 = tpu.memref_slice %arg10[%dma_start3A_28, %dma_start3A_29] : memref<10240x128xf32, #tpu.memory_space<vmem_shared>> -> memref<400x128xf32, #tpu.memory_space<vmem_shared>>
        tpu.enqueue_dma source(%dma_start3A_30 : memref<400x128xf32, #tpu.memory_space<vmem_shared>>) target(%dma_start3A_27 : memref<400x128xf32, #tpu.memory_space<hbm>>) target_semaphore(%run_scoped3A : memref<!tpu.dma_semaphore, #tpu.memory_space<semaphore_mem>>)
        %dma_wait3A = arith.constant 9600 : i32
        %dma_wait3A_31 = arith.constant 0 : i32
        %dma_wait3A_32 = tpu.memref_slice %arg5[%arg0, %dma_wait3A, %dma_wait3A_31] : memref<2x10000x128xf32, #tpu.memory_space<hbm>> -> memref<1x400x128xf32, #tpu.memory_space<hbm>>
        %dma_wait3A_33 = tpu.memref_squeeze %dma_wait3A_32 : memref<1x400x128xf32, #tpu.memory_space<hbm>> -> memref<400x128xf32, #tpu.memory_space<hbm>>
        %dma_wait3A_34 = arith.constant 9600 : i32
        %dma_wait3A_35 = arith.constant 0 : i32
        %dma_wait3A_36 = tpu.memref_slice %arg10[%dma_wait3A_34, %dma_wait3A_35] : memref<10240x128xf32, #tpu.memory_space<vmem_shared>> -> memref<400x128xf32, #tpu.memory_space<vmem_shared>>
        tpu.wait_dma2 semaphore(%run_scoped3A : memref<!tpu.dma_semaphore, #tpu.memory_space<semaphore_mem>>) src(%dma_wait3A_36 : memref<400x128xf32, #tpu.memory_space<vmem_shared>>) dst(%dma_wait3A_33 : memref<400x128xf32, #tpu.memory_space<hbm>>)
        tpu.yield
      }) : () -> ()
    } else {
    }
    return
  }
}

module attributes {stable_mosaic.version = 14 : i64} {
  func.func @_mm1_body(%arg0: i32, %arg1: memref<1000x256xf32, #tpu.memory_space<vmem>>, %arg2: memref<256x256xf32, #tpu.memory_space<vmem>>, %arg3: memref<1000x2xf32, #tpu.memory_space<vmem>>, %arg4: memref<2x1000x128xf32, #tpu.memory_space<vmem>>) attributes {dimension_semantics = [#tpu.dimension_semantics<arbitrary>], iteration_bounds = array<i64: 10>, scalar_prefetch = 0 : i64, scratch_operands = 0 : i64, tpu.core_type = #tpu.core_type<tc>, window_params = [{transform_indices = @transform_0, window_bounds = array<i64: 1000, 256>}, {pipeline_mode = #tpu.pipeline_mode<synchronous>, transform_indices = @transform_1, window_bounds = array<i64: 256, 256>}, {transform_indices = @transform_2, window_bounds = array<i64: 1000, 2>}, {transform_indices = @transform_3, window_bounds = array<i64: 2, 1000, 128>}]} {
    %get3A = arith.constant 0 : index
    %get3A_0 = arith.constant 0 : index
    %get3A_1 = vector.load %arg3[%get3A, %get3A_0] : memref<1000x2xf32, #tpu.memory_space<vmem>>, vector<1000x1xf32>
    %add3A = arith.constant 1.000000e+00 : f32
    %add3A_2 = vector.broadcast %add3A : f32 to vector<1000x1xf32>
    %add3A_3 = arith.addf %add3A_2, %get3A_1 : vector<1000x1xf32>
    %get3A_4 = arith.constant 0 : index
    %get3A_5 = arith.constant 1 : index
    %get3A_6 = vector.load %arg3[%get3A_4, %get3A_5] : memref<1000x2xf32, #tpu.memory_space<vmem>>, vector<1000x1xf32>
    %add3A_7 = arith.addf %add3A_3, %get3A_6 : vector<1000x1xf32>
    %rsqrt3A = math.rsqrt %add3A_7 : vector<1000x1xf32>
    %get3A_8 = arith.constant 0 : index
    %get3A_9 = arith.constant 0 : index
    %get3A_10 = vector.load %arg1[%get3A_8, %get3A_9] : memref<1000x256xf32, #tpu.memory_space<vmem>>, vector<1000x256xf32>
    %get3A_11 = arith.constant 0 : index
    %get3A_12 = arith.constant 0 : index
    %get3A_13 = vector.load %arg2[%get3A_11, %get3A_12] : memref<256x256xf32, #tpu.memory_space<vmem>>, vector<256x256xf32>
    %dot_general3A = arith.constant dense<0.000000e+00> : vector<1000x256xf32>
    %dot_general3A_14 = tpu.matmul %get3A_10, %get3A_13, %dot_general3A {dimension_numbers = #tpu.dot_dimension_numbers<[1], [0], [0], [1], [0, 0, 1, 1], [], []>, transpose_lhs_hint = false} : vector<1000x256xf32>, vector<256x256xf32>, vector<1000x256xf32> -> vector<1000x256xf32>
    %mul3A = vector.broadcast %rsqrt3A : vector<1000x1xf32> to vector<1000x256xf32>
    %mul3A_15 = arith.mulf %dot_general3A_14, %mul3A : vector<1000x256xf32>
    %slice3A = vector.extract_strided_slice %mul3A_15 {offsets = [0, 0], sizes = [1000, 128], strides = [1, 1]} : vector<1000x256xf32> to vector<1000x128xf32>
    %swap3A = arith.constant 0 : index
    %swap3A_16 = arith.constant 0 : index
    %swap3A_17 = arith.constant 0 : index
    %swap3A_18 = vector.load %arg4[%swap3A, %swap3A_16, %swap3A_17] : memref<2x1000x128xf32, #tpu.memory_space<vmem>>, vector<1x1000x128xf32>
    %swap3A_19 = vector.shape_cast %swap3A_18 : vector<1x1000x128xf32> to vector<1000x128xf32>
    %swap3A_20 = vector.shape_cast %slice3A : vector<1000x128xf32> to vector<1x1000x128xf32>
    tpu.vector_store %arg4[%swap3A, %swap3A_16, %swap3A_17], %swap3A_20 {strides = array<i32>} : memref<2x1000x128xf32, #tpu.memory_space<vmem>>, vector<1x1000x128xf32>,
    %slice3A_21 = vector.extract_strided_slice %mul3A_15 {offsets = [0, 128], sizes = [1000, 128], strides = [1, 1]} : vector<1000x256xf32> to vector<1000x128xf32>
    %swap3A_22 = arith.constant 1 : index
    %swap3A_23 = arith.constant 0 : index
    %swap3A_24 = arith.constant 0 : index
    %swap3A_25 = vector.load %arg4[%swap3A_22, %swap3A_23, %swap3A_24] : memref<2x1000x128xf32, #tpu.memory_space<vmem>>, vector<1x1000x128xf32>
    %swap3A_26 = vector.shape_cast %swap3A_25 : vector<1x1000x128xf32> to vector<1000x128xf32>
    %swap3A_27 = vector.shape_cast %slice3A_21 : vector<1000x128xf32> to vector<1x1000x128xf32>
    tpu.vector_store %arg4[%swap3A_22, %swap3A_23, %swap3A_24], %swap3A_27 {strides = array<i32>} : memref<2x1000x128xf32, #tpu.memory_space<vmem>>, vector<1x1000x128xf32>,
    return
  }
  func.func @transform_0(%arg0: i32) -> (i32, i32) {
    %c0_i32 = arith.constant 0 : i32
    %c0_i32_0 = arith.constant 0 : i32
    return %arg0, %c0_i32 : i32, i32
  }
  func.func @transform_1(%arg0: i32) -> (i32, i32) {
    %c0_i32 = arith.constant 0 : i32
    %c0_i32_0 = arith.constant 0 : i32
    %c0_i32_1 = arith.constant 0 : i32
    return %c0_i32, %c0_i32_0 : i32, i32
  }
  func.func @transform_2(%arg0: i32) -> (i32, i32) {
    %c0_i32 = arith.constant 0 : i32
    %c0_i32_0 = arith.constant 0 : i32
    return %arg0, %c0_i32 : i32, i32
  }
  func.func @transform_3(%arg0: i32) -> (i32, i32, i32) {
    %c0_i32 = arith.constant 0 : i32
    %c0_i32_0 = arith.constant 0 : i32
    %c0_i32_1 = arith.constant 0 : i32
    return %c0_i32, %arg0, %c0_i32_0 : i32, i32, i32
  }
}

module attributes {stable_mosaic.version = 14 : i64} {
  func.func @_mid_body(%arg0: i32, %arg1: memref<2x1000x128xf32, #tpu.memory_space<vmem>>, %arg2: memref<2x1000x128xf32, #tpu.memory_space<vmem>>, %arg3: memref<1000x2xf32, #tpu.memory_space<vmem>>, %arg4: memref<1x256xf32, #tpu.memory_space<vmem>>, %arg5: memref<256x256xf32, #tpu.memory_space<vmem>>, %arg6: memref<2x1000x128xf32, #tpu.memory_space<vmem>>) attributes {dimension_semantics = [#tpu.dimension_semantics<arbitrary>], iteration_bounds = array<i64: 10>, scalar_prefetch = 0 : i64, scratch_operands = 0 : i64, tpu.core_type = #tpu.core_type<tc>, window_params = [{transform_indices = @transform_0, window_bounds = array<i64: 2, 1000, 128>}, {transform_indices = @transform_1, window_bounds = array<i64: 2, 1000, 128>}, {transform_indices = @transform_2, window_bounds = array<i64: 1000, 2>}, {pipeline_mode = #tpu.pipeline_mode<synchronous>, transform_indices = @transform_3, window_bounds = array<i64: 1, 256>}, {pipeline_mode = #tpu.pipeline_mode<synchronous>, transform_indices = @transform_4, window_bounds = array<i64: 256, 256>}, {transform_indices = @transform_5, window_bounds = array<i64: 2, 1000, 128>}]} {
    %get3A = arith.constant 0 : index
    %get3A_0 = arith.constant 0 : index
    %get3A_1 = vector.load %arg3[%get3A, %get3A_0] : memref<1000x2xf32, #tpu.memory_space<vmem>>, vector<1000x1xf32>
    %add3A = arith.constant 1.000000e+00 : f32
    %add3A_2 = vector.broadcast %add3A : f32 to vector<1000x1xf32>
    %add3A_3 = arith.addf %add3A_2, %get3A_1 : vector<1000x1xf32>
    %get3A_4 = arith.constant 0 : index
    %get3A_5 = arith.constant 1 : index
    %get3A_6 = vector.load %arg3[%get3A_4, %get3A_5] : memref<1000x2xf32, #tpu.memory_space<vmem>>, vector<1000x1xf32>
    %add3A_7 = arith.addf %add3A_3, %get3A_6 : vector<1000x1xf32>
    %rsqrt3A = math.rsqrt %add3A_7 : vector<1000x1xf32>
    %get3A_8 = arith.constant 0 : index
    %get3A_9 = arith.constant 0 : index
    %get3A_10 = arith.constant 0 : index
    %get3A_11 = vector.load %arg1[%get3A_8, %get3A_9, %get3A_10] : memref<2x1000x128xf32, #tpu.memory_space<vmem>>, vector<1x1000x128xf32>
    %get3A_12 = vector.shape_cast %get3A_11 : vector<1x1000x128xf32> to vector<1000x128xf32>
    %get3A_13 = arith.constant 0 : index
    %get3A_14 = arith.constant 0 : index
    %get3A_15 = arith.constant 0 : index
    %get3A_16 = vector.load %arg2[%get3A_13, %get3A_14, %get3A_15] : memref<2x1000x128xf32, #tpu.memory_space<vmem>>, vector<1x1000x128xf32>
    %get3A_17 = vector.shape_cast %get3A_16 : vector<1x1000x128xf32> to vector<1000x128xf32>
    %add3A_18 = arith.addf %get3A_12, %get3A_17 : vector<1000x128xf32>
    %get3A_19 = arith.constant 1 : index
    %get3A_20 = arith.constant 0 : index
    %get3A_21 = arith.constant 0 : index
    %get3A_22 = vector.load %arg1[%get3A_19, %get3A_20, %get3A_21] : memref<2x1000x128xf32, #tpu.memory_space<vmem>>, vector<1x1000x128xf32>
    %get3A_23 = vector.shape_cast %get3A_22 : vector<1x1000x128xf32> to vector<1000x128xf32>
    %get3A_24 = arith.constant 1 : index
    %get3A_25 = arith.constant 0 : index
    %get3A_26 = arith.constant 0 : index
    %get3A_27 = vector.load %arg2[%get3A_24, %get3A_25, %get3A_26] : memref<2x1000x128xf32, #tpu.memory_space<vmem>>, vector<1x1000x128xf32>
    %get3A_28 = vector.shape_cast %get3A_27 : vector<1x1000x128xf32> to vector<1000x128xf32>
    %add3A_29 = arith.addf %get3A_23, %get3A_28 : vector<1000x128xf32>
    %concatenate3A = tpu.concatenate %add3A_18, %add3A_29 in 1 : vector<1000x128xf32>, vector<1000x128xf32> -> vector<1000x256xf32>
    %mul3A = vector.broadcast %rsqrt3A : vector<1000x1xf32> to vector<1000x256xf32>
    %mul3A_30 = arith.mulf %concatenate3A, %mul3A : vector<1000x256xf32>
    %get3A_31 = arith.constant 0 : index
    %get3A_32 = arith.constant 0 : index
    %get3A_33 = vector.load %arg4[%get3A_31, %get3A_32] : memref<1x256xf32, #tpu.memory_space<vmem>>, vector<1x256xf32>
    %add3A_34 = vector.broadcast %get3A_33 : vector<1x256xf32> to vector<1000x256xf32>
    %add3A_35 = arith.addf %mul3A_30, %add3A_34 : vector<1000x256xf32>
    %max3A = arith.constant 0.000000e+00 : f32
    %max3A_36 = vector.broadcast %max3A : f32 to vector<1000x256xf32>
    %max3A_37 = arith.maximumf %add3A_35, %max3A_36 : vector<1000x256xf32>
    %get3A_38 = arith.constant 0 : index
    %get3A_39 = arith.constant 0 : index
    %get3A_40 = vector.load %arg5[%get3A_38, %get3A_39] : memref<256x256xf32, #tpu.memory_space<vmem>>, vector<256x256xf32>
    %dot_general3A = arith.constant dense<0.000000e+00> : vector<1000x256xf32>
    %dot_general3A_41 = tpu.matmul %max3A_37, %get3A_40, %dot_general3A {dimension_numbers = #tpu.dot_dimension_numbers<[1], [0], [0], [1], [0, 0, 1, 1], [], []>, transpose_lhs_hint = false} : vector<1000x256xf32>, vector<256x256xf32>, vector<1000x256xf32> -> vector<1000x256xf32>
    %mul3A_42 = vector.broadcast %rsqrt3A : vector<1000x1xf32> to vector<1000x256xf32>
    %mul3A_43 = arith.mulf %dot_general3A_41, %mul3A_42 : vector<1000x256xf32>
    %slice3A = vector.extract_strided_slice %mul3A_43 {offsets = [0, 0], sizes = [1000, 128], strides = [1, 1]} : vector<1000x256xf32> to vector<1000x128xf32>
    %swap3A = arith.constant 0 : index
    %swap3A_44 = arith.constant 0 : index
    %swap3A_45 = arith.constant 0 : index
    %swap3A_46 = vector.load %arg6[%swap3A, %swap3A_44, %swap3A_45] : memref<2x1000x128xf32, #tpu.memory_space<vmem>>, vector<1x1000x128xf32>
    %swap3A_47 = vector.shape_cast %swap3A_46 : vector<1x1000x128xf32> to vector<1000x128xf32>
    %swap3A_48 = vector.shape_cast %slice3A : vector<1000x128xf32> to vector<1x1000x128xf32>
    tpu.vector_store %arg6[%swap3A, %swap3A_44, %swap3A_45], %swap3A_48 {strides = array<i32>} : memref<2x1000x128xf32, #tpu.memory_space<vmem>>, vector<1x1000x128xf32>,
    %slice3A_49 = vector.extract_strided_slice %mul3A_43 {offsets = [0, 128], sizes = [1000, 128], strides = [1, 1]} : vector<1000x256xf32> to vector<1000x128xf32>
    %swap3A_50 = arith.constant 1 : index
    %swap3A_51 = arith.constant 0 : index
    %swap3A_52 = arith.constant 0 : index
    %swap3A_53 = vector.load %arg6[%swap3A_50, %swap3A_51, %swap3A_52] : memref<2x1000x128xf32, #tpu.memory_space<vmem>>, vector<1x1000x128xf32>
    %swap3A_54 = vector.shape_cast %swap3A_53 : vector<1x1000x128xf32> to vector<1000x128xf32>
    %swap3A_55 = vector.shape_cast %slice3A_49 : vector<1000x128xf32> to vector<1x1000x128xf32>
    tpu.vector_store %arg6[%swap3A_50, %swap3A_51, %swap3A_52], %swap3A_55 {strides = array<i32>} : memref<2x1000x128xf32, #tpu.memory_space<vmem>>, vector<1x1000x128xf32>,
    return
  }
  func.func @transform_0(%arg0: i32) -> (i32, i32, i32) {
    %c0_i32 = arith.constant 0 : i32
    %c0_i32_0 = arith.constant 0 : i32
    %c0_i32_1 = arith.constant 0 : i32
    return %c0_i32, %arg0, %c0_i32_0 : i32, i32, i32
  }
  func.func @transform_1(%arg0: i32) -> (i32, i32, i32) {
    %c0_i32 = arith.constant 0 : i32
    %c0_i32_0 = arith.constant 0 : i32
    %c0_i32_1 = arith.constant 0 : i32
    return %c0_i32, %arg0, %c0_i32_0 : i32, i32, i32
  }
  func.func @transform_2(%arg0: i32) -> (i32, i32) {
    %c0_i32 = arith.constant 0 : i32
    %c0_i32_0 = arith.constant 0 : i32
    return %arg0, %c0_i32 : i32, i32
  }
  func.func @transform_3(%arg0: i32) -> (i32, i32) {
    %c0_i32 = arith.constant 0 : i32
    %c0_i32_0 = arith.constant 0 : i32
    %c0_i32_1 = arith.constant 0 : i32
    return %c0_i32, %c0_i32_0 : i32, i32
  }
  func.func @transform_4(%arg0: i32) -> (i32, i32) {
    %c0_i32 = arith.constant 0 : i32
    %c0_i32_0 = arith.constant 0 : i32
    %c0_i32_1 = arith.constant 0 : i32
    return %c0_i32, %c0_i32_0 : i32, i32
  }
  func.func @transform_5(%arg0: i32) -> (i32, i32, i32) {
    %c0_i32 = arith.constant 0 : i32
    %c0_i32_0 = arith.constant 0 : i32
    %c0_i32_1 = arith.constant 0 : i32
    return %c0_i32, %arg0, %c0_i32_0 : i32, i32, i32
  }
}

module attributes {stable_mosaic.version = 14 : i64} {
  func.func @_fin_body(%arg0: i32, %arg1: memref<2x1000x128xf32, #tpu.memory_space<vmem>>, %arg2: memref<2x1000x128xf32, #tpu.memory_space<vmem>>, %arg3: memref<1000x2xf32, #tpu.memory_space<vmem>>, %arg4: memref<1x256xf32, #tpu.memory_space<vmem>>, %arg5: memref<256x256xf32, #tpu.memory_space<vmem>>, %arg6: memref<1x256xf32, #tpu.memory_space<vmem>>, %arg7: memref<256x4xf32, #tpu.memory_space<vmem>>, %arg8: memref<1x4xf32, #tpu.memory_space<vmem>>, %arg9: memref<1000x4xf32, #tpu.memory_space<vmem>>) attributes {dimension_semantics = [#tpu.dimension_semantics<arbitrary>], iteration_bounds = array<i64: 10>, scalar_prefetch = 0 : i64, scratch_operands = 0 : i64, tpu.core_type = #tpu.core_type<tc>, window_params = [{transform_indices = @transform_0, window_bounds = array<i64: 2, 1000, 128>}, {transform_indices = @transform_1, window_bounds = array<i64: 2, 1000, 128>}, {transform_indices = @transform_2, window_bounds = array<i64: 1000, 2>}, {pipeline_mode = #tpu.pipeline_mode<synchronous>, transform_indices = @transform_3, window_bounds = array<i64: 1, 256>}, {pipeline_mode = #tpu.pipeline_mode<synchronous>, transform_indices = @transform_4, window_bounds = array<i64: 256, 256>}, {pipeline_mode = #tpu.pipeline_mode<synchronous>, transform_indices = @transform_5, window_bounds = array<i64: 1, 256>}, {pipeline_mode = #tpu.pipeline_mode<synchronous>, transform_indices = @transform_6, window_bounds = array<i64: 256, 4>}, {pipeline_mode = #tpu.pipeline_mode<synchronous>, transform_indices = @transform_7, window_bounds = array<i64: 1, 4>}, {transform_indices = @transform_8, window_bounds = array<i64: 1000, 4>}]} {
    %get3A = arith.constant 0 : index
    %get3A_0 = arith.constant 0 : index
    %get3A_1 = vector.load %arg3[%get3A, %get3A_0] : memref<1000x2xf32, #tpu.memory_space<vmem>>, vector<1000x1xf32>
    %add3A = arith.constant 1.000000e+00 : f32
    %add3A_2 = vector.broadcast %add3A : f32 to vector<1000x1xf32>
    %add3A_3 = arith.addf %add3A_2, %get3A_1 : vector<1000x1xf32>
    %get3A_4 = arith.constant 0 : index
    %get3A_5 = arith.constant 1 : index
    %get3A_6 = vector.load %arg3[%get3A_4, %get3A_5] : memref<1000x2xf32, #tpu.memory_space<vmem>>, vector<1000x1xf32>
    %add3A_7 = arith.addf %add3A_3, %get3A_6 : vector<1000x1xf32>
    %rsqrt3A = math.rsqrt %add3A_7 : vector<1000x1xf32>
    %get3A_8 = arith.constant 0 : index
    %get3A_9 = arith.constant 0 : index
    %get3A_10 = arith.constant 0 : index
    %get3A_11 = vector.load %arg1[%get3A_8, %get3A_9, %get3A_10] : memref<2x1000x128xf32, #tpu.memory_space<vmem>>, vector<1x1000x128xf32>
    %get3A_12 = vector.shape_cast %get3A_11 : vector<1x1000x128xf32> to vector<1000x128xf32>
    %get3A_13 = arith.constant 0 : index
    %get3A_14 = arith.constant 0 : index
    %get3A_15 = arith.constant 0 : index
    %get3A_16 = vector.load %arg2[%get3A_13, %get3A_14, %get3A_15] : memref<2x1000x128xf32, #tpu.memory_space<vmem>>, vector<1x1000x128xf32>
    %get3A_17 = vector.shape_cast %get3A_16 : vector<1x1000x128xf32> to vector<1000x128xf32>
    %add3A_18 = arith.addf %get3A_12, %get3A_17 : vector<1000x128xf32>
    %get3A_19 = arith.constant 1 : index
    %get3A_20 = arith.constant 0 : index
    %get3A_21 = arith.constant 0 : index
    %get3A_22 = vector.load %arg1[%get3A_19, %get3A_20, %get3A_21] : memref<2x1000x128xf32, #tpu.memory_space<vmem>>, vector<1x1000x128xf32>
    %get3A_23 = vector.shape_cast %get3A_22 : vector<1x1000x128xf32> to vector<1000x128xf32>
    %get3A_24 = arith.constant 1 : index
    %get3A_25 = arith.constant 0 : index
    %get3A_26 = arith.constant 0 : index
    %get3A_27 = vector.load %arg2[%get3A_24, %get3A_25, %get3A_26] : memref<2x1000x128xf32, #tpu.memory_space<vmem>>, vector<1x1000x128xf32>
    %get3A_28 = vector.shape_cast %get3A_27 : vector<1x1000x128xf32> to vector<1000x128xf32>
    %add3A_29 = arith.addf %get3A_23, %get3A_28 : vector<1000x128xf32>
    %concatenate3A = tpu.concatenate %add3A_18, %add3A_29 in 1 : vector<1000x128xf32>, vector<1000x128xf32> -> vector<1000x256xf32>
    %mul3A = vector.broadcast %rsqrt3A : vector<1000x1xf32> to vector<1000x256xf32>
    %mul3A_30 = arith.mulf %concatenate3A, %mul3A : vector<1000x256xf32>
    %get3A_31 = arith.constant 0 : index
    %get3A_32 = arith.constant 0 : index
    %get3A_33 = vector.load %arg4[%get3A_31, %get3A_32] : memref<1x256xf32, #tpu.memory_space<vmem>>, vector<1x256xf32>
    %add3A_34 = vector.broadcast %get3A_33 : vector<1x256xf32> to vector<1000x256xf32>
    %add3A_35 = arith.addf %mul3A_30, %add3A_34 : vector<1000x256xf32>
    %max3A = arith.constant 0.000000e+00 : f32
    %max3A_36 = vector.broadcast %max3A : f32 to vector<1000x256xf32>
    %max3A_37 = arith.maximumf %add3A_35, %max3A_36 : vector<1000x256xf32>
    %get3A_38 = arith.constant 0 : index
    %get3A_39 = arith.constant 0 : index
    %get3A_40 = vector.load %arg5[%get3A_38, %get3A_39] : memref<256x256xf32, #tpu.memory_space<vmem>>, vector<256x256xf32>
    %dot_general3A = arith.constant dense<0.000000e+00> : vector<1000x256xf32>
    %dot_general3A_41 = tpu.matmul %max3A_37, %get3A_40, %dot_general3A {dimension_numbers = #tpu.dot_dimension_numbers<[1], [0], [0], [1], [0, 0, 1, 1], [], []>, transpose_lhs_hint = false} : vector<1000x256xf32>, vector<256x256xf32>, vector<1000x256xf32> -> vector<1000x256xf32>
    %get3A_42 = arith.constant 0 : index
    %get3A_43 = arith.constant 0 : index
    %get3A_44 = vector.load %arg6[%get3A_42, %get3A_43] : memref<1x256xf32, #tpu.memory_space<vmem>>, vector<1x256xf32>
    %add3A_45 = vector.broadcast %get3A_44 : vector<1x256xf32> to vector<1000x256xf32>
    %add3A_46 = arith.addf %dot_general3A_41, %add3A_45 : vector<1000x256xf32>
    %max3A_47 = arith.constant 0.000000e+00 : f32
    %max3A_48 = vector.broadcast %max3A_47 : f32 to vector<1000x256xf32>
    %max3A_49 = arith.maximumf %add3A_46, %max3A_48 : vector<1000x256xf32>
    %get3A_50 = arith.constant 0 : index
    %get3A_51 = arith.constant 0 : index
    %get3A_52 = vector.load %arg7[%get3A_50, %get3A_51] : memref<256x4xf32, #tpu.memory_space<vmem>>, vector<256x4xf32>
    %dot_general3A_53 = arith.constant dense<0.000000e+00> : vector<1000x4xf32>
    %dot_general3A_54 = tpu.matmul %max3A_49, %get3A_52, %dot_general3A_53 {dimension_numbers = #tpu.dot_dimension_numbers<[1], [0], [0], [1], [0, 0, 1, 1], [], []>, transpose_lhs_hint = false} : vector<1000x256xf32>, vector<256x4xf32>, vector<1000x4xf32> -> vector<1000x4xf32>
    %get3A_55 = arith.constant 0 : index
    %get3A_56 = arith.constant 0 : index
    %get3A_57 = vector.load %arg8[%get3A_55, %get3A_56] : memref<1x4xf32, #tpu.memory_space<vmem>>, vector<1x4xf32>
    %add3A_58 = vector.broadcast %get3A_57 : vector<1x4xf32> to vector<1000x4xf32>
    %add3A_59 = arith.addf %dot_general3A_54, %add3A_58 : vector<1000x4xf32>
    %swap3A = arith.constant 0 : index
    %swap3A_60 = arith.constant 0 : index
    %swap3A_61 = vector.load %arg9[%swap3A, %swap3A_60] : memref<1000x4xf32, #tpu.memory_space<vmem>>, vector<1000x4xf32>
    tpu.vector_store %arg9[%swap3A, %swap3A_60], %add3A_59 {strides = array<i32>} : memref<1000x4xf32, #tpu.memory_space<vmem>>, vector<1000x4xf32>,
    return
  }
  func.func @transform_0(%arg0: i32) -> (i32, i32, i32) {
    %c0_i32 = arith.constant 0 : i32
    %c0_i32_0 = arith.constant 0 : i32
    %c0_i32_1 = arith.constant 0 : i32
    return %c0_i32, %arg0, %c0_i32_0 : i32, i32, i32
  }
  func.func @transform_1(%arg0: i32) -> (i32, i32, i32) {
    %c0_i32 = arith.constant 0 : i32
    %c0_i32_0 = arith.constant 0 : i32
    %c0_i32_1 = arith.constant 0 : i32
    return %c0_i32, %arg0, %c0_i32_0 : i32, i32, i32
  }
  func.func @transform_2(%arg0: i32) -> (i32, i32) {
    %c0_i32 = arith.constant 0 : i32
    %c0_i32_0 = arith.constant 0 : i32
    return %arg0, %c0_i32 : i32, i32
  }
  func.func @transform_3(%arg0: i32) -> (i32, i32) {
    %c0_i32 = arith.constant 0 : i32
    %c0_i32_0 = arith.constant 0 : i32
    %c0_i32_1 = arith.constant 0 : i32
    return %c0_i32, %c0_i32_0 : i32, i32
  }
  func.func @transform_4(%arg0: i32) -> (i32, i32) {
    %c0_i32 = arith.constant 0 : i32
    %c0_i32_0 = arith.constant 0 : i32
    %c0_i32_1 = arith.constant 0 : i32
    return %c0_i32, %c0_i32_0 : i32, i32
  }
  func.func @transform_5(%arg0: i32) -> (i32, i32) {
    %c0_i32 = arith.constant 0 : i32
    %c0_i32_0 = arith.constant 0 : i32
    %c0_i32_1 = arith.constant 0 : i32
    return %c0_i32, %c0_i32_0 : i32, i32
  }
  func.func @transform_6(%arg0: i32) -> (i32, i32) {
    %c0_i32 = arith.constant 0 : i32
    %c0_i32_0 = arith.constant 0 : i32
    %c0_i32_1 = arith.constant 0 : i32
    return %c0_i32, %c0_i32_0 : i32, i32
  }
  func.func @transform_7(%arg0: i32) -> (i32, i32) {
    %c0_i32 = arith.constant 0 : i32
    %c0_i32_0 = arith.constant 0 : i32
    %c0_i32_1 = arith.constant 0 : i32
    return %c0_i32, %c0_i32_0 : i32, i32
  }
  func.func @transform_8(%arg0: i32) -> (i32, i32) {
    %c0_i32 = arith.constant 0 : i32
    %c0_i32_0 = arith.constant 0 : i32
    return %arg0, %c0_i32 : i32, i32
  }
}

</mosaic_0001>

<sc_bundles>
// kernel: kernel.10.cloned.1.call-start
scs
__scs_entry_jumppad:
0x0: {  	(pc) =	sbr.rel $0x88, $3  }
0x1: {  	(tag) =	ssettag $0x0;
	lr =	simm.s32 $0x1  }
0x2: {  	[smem:$0x3F95] =	sst lr;
	_ =	strace $0xD0000000  }
0x3: {  	_ = 	snop  }
0x4: {  	_ = 	snop  }
0x5: {  	_ = 	snop  }
0x6: {  	_ = 	snop  }
0x7: {  	_ = 	snop  }
__scs_overlays_trampoline_lowered:
0x8: {  	[smem:$0x3FA4] =	sst s0  }
0x9: {  	[smem:$0x3FA5] =	sst s1  }
0xa: {  	[smem:$0x3FA6] =	sst s2  }
0xb: {  	[smem:$0x3FA7] =	sst s3  }
0xc: {  	[smem:$0x3FA8] =	sst s4  }
0xd: {  	[smem:$0x3FA9] =	sst s5  }
0xe: {  	[smem:$0x3FAA] =	sst s6  }
0xf: {  	[smem:$0x3FAB] =	sst s7  }
0x10: {  	[smem:$0x3FAC] =	sst s8  }
0x11: {  	[smem:$0x3FAD] =	sst s9;
	s0 =	simm.s32 @!p0 $0x0  }
0x12: {  	s1 =	sld [smem:$0x3F93];
	s0 =	simm.s32 @p0 $0x1  }
0x13: {  	[smem:$0x3FAE] =	sst s0;
	s0 =	simm.s32 @!p1 $0x0  }
0x14: {  	s2 =	sld [smem:$0x3F92];
	s0 =	simm.s32 @p1 $0x1  }
0x15: {  	[smem:$0x3FAF] =	sst s0;
	s0 =	simm.s32 @!p2 $0x0  }
0x16: {  	s3 =	sld [smem:$0x3FDB];
	s0 =	simm.s32 @p2 $0x1  }
0x17: {  	s4 =	simm.s32 $0x1BF5;
	[smem:$0x3FB1] =	sst s0  }
0x18: {  	s0 =	sld [smem:$0x3F94];
	_ =	swait.ge [sflag:s4], $0x0  }
0x19: {  	s7 =	sld [smem:$0x3F95]  }
0x1a: {  	s8 =	sadd.s32 $0xFFFFE003, lr  }
0x1b: {  	s9 =	sadd.s32 $0xFFFFFEF7, lr;
	s5 =	simm.s32 $0xFFFFFFFF;
	p2 =	slt.u32 s8, $0xFFFFF086  }
0x1c: {  	p1 =	slt.u32 s9, $0xF7A;
	s5 =	simm.s32 @!p2 $0x0  }
0x1d: {  	s5 =	simm.s32 @p1 $0x1;
	p0 =	seq.s32 s7, s2  }
0x1e: {  	s7 =	smul.u32 @!p0 $0xF7A, s2;
	p2 =	seq.s32 @!p0 s5, $0x0  }
0x1f: {  	s9 =	smul.u32 $0xF7A, s1;
	s8 =	simm.s32 @!p0 $0x1BF5;
	p2 =	por !p2, p0  }
0x20: {  	[sflag:s8] =	ssyncset.s32 @!p0 $0xFFFFF086;
	s6 =	sadd.s32 @!p0 s3, s7;
	s7 =	simm.s32 @!p0 $0x108  }
0x21: {  	s3 =	sadd.s32 s3, s9;
	s6 =	sadd.s32 @!p0 $0x88, s6;
	s7 =	simm.s32 @p2 $0x1082  }
0x22: {  	[simem:s7], [sflag:s8] =	dma.local @!p0 [hbm:s6], $0xF7A  }
0x23: {  	s9 =	sor.u32 $0xD0000000, s2;
	s6 =	simm.s32 $0x108;
	_ =	swait.ge @!p0 [sflag:s8], $0x0  }
0x24: {  	s3 =	sadd.s32 $0x88, s3;
	s6 =	simm.s32 @!p1 $0x1082;
	[sflag:s4] =	ssyncset.s32 $0xFFFFF086  }
0x25: {  	[simem:s6], [sflag:s4] =	dma.local [hbm:s3], $0xF7A  }
0x26: {  	[smem:$0x3F95] =	sst s1;
	(tag) =	ssettag s2;
	_ =	strace s9  }
0x27: {  	s1 =	sld [smem:$0x3FA5]  }
0x28: {  	s2 =	sld [smem:$0x3FA6]  }
0x29: {  	s4 =	sld [smem:$0x3FA8]  }
0x2a: {  	p0 =	seq.s32 s5, $0x0;
	s5 =	sld [smem:$0x3FA9]  }
0x2b: {  	s6 =	sld [smem:$0x3FAA]  }
0x2c: {  	s7 =	sld [smem:$0x3FAB]  }
0x2d: {  	s3 =	simm.s32 $0x108;
	s8 =	sld [smem:$0x3FAC]  }
0x2e: {  	s3 =	simm.s32 @!p0 $0x1082;
	s9 =	sld [smem:$0x3FAD]  }
0x2f: {  	lr =	sadd.s32 s0, s3;
	s0 =	sld [smem:$0x3FA4]  }
0x30: {  	s3 =	sld [smem:$0x3FA7]  }
0x31: {  	[smem:$0x3FB0] =	sst s10  }
0x32: {  	s10 =	sld [smem:$0x3FAE];
	_ =	sdelay $0x3  }
0x33: {  	p0 =	seq.s32 s10, $0x1;
	s10 =	sld [smem:$0x3FB0];
	_ =	sdelay $0x3  }
0x34: {  	[smem:$0x3FB0] =	sst s10  }
0x35: {  	s10 =	sld [smem:$0x3FAF];
	_ =	sdelay $0x3  }
0x36: {  	p1 =	seq.s32 s10, $0x1;
	s10 =	sld [smem:$0x3FB0];
	_ =	sdelay $0x3  }
0x37: {  	[smem:$0x3FB0] =	sst s10  }
0x38: {  	s10 =	sld [smem:$0x3FB1]  }
0x39: {  	_ = 	snop;
	(pc) =	sbr.ind lr, $3  }
0x3a: {  	_ = 	snop  }
0x3b: {  	_ = 	snop  }
0x3c: {  	p2 =	seq.s32 s10, $0x1;
	s10 =	sld [smem:$0x3FB0]  }
0x3d: {  	_ =	shalt  }
0x3e: {  	_ =	shalt  }
0x3f: {  	_ =	shalt  }
0x40: {  	_ =	shalt  }
0x41: {  	_ =	shalt  }
0x42: {  	_ =	shalt  }
0x43: {  	_ =	shalt  }
0x44: {  	_ =	shalt  }
0x45: {  	_ =	shalt  }
0x46: {  	_ =	shalt  }
0x47: {  	_ =	shalt  }
0x48: {  	_ =	shalt  }
0x49: {  	_ =	shalt  }
0x4a: {  	_ =	shalt  }
0x4b: {  	_ =	shalt  }
0x4c: {  	_ =	shalt  }
0x4d: {  	_ =	shalt  }
0x4e: {  	_ =	shalt  }
0x4f: {  	_ =	shalt  }
0x50: {  	_ =	shalt  }
0x51: {  	_ =	shalt  }
0x52: {  	_ =	shalt  }
0x53: {  	_ =	shalt  }
0x54: {  	_ =	shalt  }
0x55: {  	_ =	shalt  }
0x56: {  	_ =	shalt  }
0x57: {  	_ =	shalt  }
0x58: {  	_ =	shalt  }
0x59: {  	_ =	shalt  }
0x5a: {  	_ =	shalt  }
0x5b: {  	_ =	shalt  }
0x5c: {  	_ =	shalt  }
0x5d: {  	_ =	shalt  }
0x5e: {  	_ =	shalt  }
0x5f: {  	_ =	shalt  }
0x60: {  	_ =	shalt  }
0x61: {  	_ =	shalt  }
0x62: {  	_ =	shalt  }
0x63: {  	_ =	shalt  }
0x64: {  	_ =	shalt  }
0x65: {  	_ =	shalt  }
0x66: {  	_ =	shalt  }
0x67: {  	_ =	shalt  }
0x68: {  	_ =	shalt  }
0x69: {  	_ =	shalt  }
0x6a: {  	_ =	shalt  }
0x6b: {  	_ =	shalt  }
0x6c: {  	_ =	shalt  }
0x6d: {  	_ =	shalt  }
0x6e: {  	_ =	shalt  }
0x6f: {  	_ =	shalt  }
0x70: {  	_ =	shalt  }
0x71: {  	_ =	shalt  }
0x72: {  	_ =	shalt  }
0x73: {  	_ =	shalt  }
0x74: {  	_ =	shalt  }
0x75: {  	_ =	shalt  }
0x76: {  	_ =	shalt  }
0x77: {  	_ =	shalt  }
0x78: {  	_ =	shalt  }
0x79: {  	_ =	shalt  }
0x7a: {  	_ =	shalt  }
0x7b: {  	_ =	shalt  }
0x7c: {  	_ =	shalt  }
0x7d: {  	_ =	shalt  }
0x7e: {  	_ =	shalt  }
0x7f: {  	_ =	shalt  }
0x80: {  	_ =	shalt  }
0x81: {  	_ =	shalt  }
0x82: {  	_ =	shalt  }
0x83: {  	_ =	shalt  }
0x84: {  	_ =	shalt  }
0x85: {  	_ =	shalt  }
0x86: {  	_ =	shalt  }
0x87: {  	_ =	shalt  }
.Lfunc_end0:
.L_simem_size_0:
called_computation_lowered:
.L_overlay_start_0:
0x88: {  	s2 =	sld [smem:$0x3FD9]  }
0x89: {  	s3 =	sld [smem:$0x3FFE];
	_ =	sdelay $0x1  }
0x8a: {  	s1 =	srdreg.scid  }
0x8b: {  	s0 =	sand.u32 $0x1, s1  }
0x8c: {  	s16 =	sshll.u32 s0, $0xA;
	s2 =	sadd.s32 s3, s2  }
0x8d: {  	s2 =	sadd.s32 s2, s16  }
0x8e: {  	[smem:$0x3FBC] =	sst s2  }
0x8f: {  	_ = 	snop  }
0x90: {  	(tm) =	ssettm $0x1  }
0x91: {  	s17 =	sld [smem:$0x3FFB];
	_ =	sdelay $0x3  }
0x92: {  	_ =	strace s17  }
0x93: {  	s2 =	sld [smem:$0x3FFC];
	_ =	sdelay $0x3  }
0x94: {  	_ =	strace s2  }
0x95: {  	s2 =	sld [smem:$0x3FFD];
	_ =	sdelay $0x3  }
0x96: {  	_ =	strace s2  }
0x97: {  	_ =	strace $0x8FFFFFFF  }
0x98: {  	s18 =	sld [smem:$0x3FDB];
	_ =	sdelay $0x1  }
0x99: {  	s19 =	simm.s32 $_scs_section_size  }
0x9a: {  	s4 =	simm.s32 $_size__tile_overlayer_lowered;
	s5 =	simm.s32 $_tile_overlayer_lowered  }
0x9b: {  	s22 =	simm.s32 $0x1BFF;
	s21 =	sshll.u32 s5, $0x1;
	s2 =	sadd.s32 s19, s18  }
0x9c: {  	s6 =	simm.s32 $0x0;
	s20 =	sshll.u32 s4, $0x1;
	s4 =	sadd.s32 s21, s2  }
0x9d: {  	[timem:s6], [sflag:s22] =	dma.local [hbm:s4], s20  }
0x9e: {  	_ =	swait.ge [sflag:s22], s20  }
0x9f: {  	s3 =	ssub.s32 $0x0, s20;
	[sflag:s22] =	ssyncset.done $0x0  }
0xa0: {  	[sflag:s22] =	ssyncadd.s32 s3;
	_ =	sdelay $0x1  }
0xa1: {  	s23 =	simm.s32 $0x1B8B  }
0xa2: {  	_ =	swait.ge [sflag:s23], $0x1  }
0xa3: {  	[sflag:s23] =	ssyncset.done $0x0  }
0xa4: {  	s25 =	simm.s32 $0x1B8E;
	s24 =	sld [smem:$0x3FFE];
	[sflag:s23] =	ssyncadd.s32 $0xFFFFFFFF  }
0xa5: {  	s26 =	simm.s32 $execute0_lowered;
	[smem:$0x3FD2] =	sst s25  }
0xa6: {  	s4 =	sshll.u32 s26, $0x1;
	_ =	strace $0x80000046;
	[dreg:$0x1] =	wrdreg $0xFFFFFFFF  }
0xa7: {  	s28 =	simm.s32 $_size_execute0_lowered;
	s2 =	sadd.s32 s2, s4;
	[dreg:$0x0] =	wrdreg $0x0  }
0xa8: {  	s4 =	sshll.u32 s28, $0x1;
	[dreg:$0x2] =	wrdreg s2  }
0xa9: {  	[dreg:$0x3] =	wrdreg s4  }
0xaa: {  	[dreg:$0x4] =	wrdreg $0xC0  }
0xab: {  	_ =	task [dreg:s6], $0x5FFFF  }
0xac: {  	[dreg:$0x1] =	wrdreg $0xFFFFFFFF  }
0xad: {  	[dreg:$0x0] =	wrdreg $0x60  }
0xae: {  	[dreg:$0x2] =	wrdreg s24  }
0xaf: {  	[dreg:$0x3] =	wrdreg $0x5C000  }
0xb0: {  	[dreg:$0x4] =	wrdreg $0x9  }
0xb1: {  	_ =	task.clear_ibuf [dreg:s6], $0x5FFFF;
	_ =	strace $0x90000046  }
0xb2: {  	s29 =	simm.s32 $0x9;
	_ =	strace $0x80000048  }
0xb3: {  	_ =	swait.ge [sflag:s29], $0x1  }
0xb4: {  	[sflag:s29] =	ssyncadd.s32 $0xFFFFFFFF  }
0xb5: {  	_ =	strace $0x90000048  }
0xb6: {  	_ =	sfence  }
0xb7: {  	s30 =	sld [smem:$0x0];
	_ =	sdelay $0x2  }
0xb8: {  	s31 =	sshll.u32 s1, $0xD;
	s1 =	sshrl.u32 s1, $0x2  }
0xb9: {  	s3 =	sand.u32 $0x4000, s31;
	s1 =	sadd.s32 s1, s30  }
0xba: {  	s0 =	sor.u32 s3, s0;
	s1 =	sshll.u32 s1, $0x11  }
0xbb: {  	s0 =	sor.u32 s1, s0  }
0xbc: {  	s0 =	sadd.s32 $0x8F2B, s0  }
0xbd: {  	[sflag:s0] =	ssyncadd.remote.s32 $0x1  }
0xbe: {  	_ =	sfence.sel $0xFFFF  }
0xbf: {  	[dreg:$0x0] =	wrdreg $0xFFFFFFFF;
	(pc) =	sbr.abs _section_cstart, $3  }
0xc0: {  	[dreg:$0x1] =	wrdreg $0xFFFFFFFF  }
0xc1: {  	_ =	task.clear_ibuf [dreg:s6], $0x2FFFF;
	_ =	strace $0x9FFFFFFF  }
0xc2: {  	(tm) =	ssettm $0x7FFFFFFF  }
0xc3: {  	_ =	shalt  }
tec
execute0_lowered:
.L_overlay_start_1:
0x0: {  	(tag) =	ssettag $0x1  }
0x1: {  	s0 =	srdreg.scid;
	s4 =	rddreg [dreg:$0x0]  }
0x2: {  	s2 =	rddreg [dreg:$0x1];
	s5 =	sand.u32 $0x1, s0  }
0x3: {  	s0 =	stileid.u32;
	s6 =	smul.u32 $0x14000, s5  }
0x4: {  	s1 =	rddreg [dreg:$0x2];
	s3 =	simm.s32 $0x0;
	s7 =	smul.u32 $0x1400, s0  }
0x5: {  	s10 =	simm.s32 $0x80;
	s11 =	simm.s32 $0x1400;
	s8 =	smul.u32 $0x140000, s5  }
0x6: {  	s14 =	simm.s32 $0x0;
	[smem:$0x7FF] =	sst s3;
	s29 =	smul.u32 $0x14000, s0  }
0x7: {  	_ =	strace $0x80000047;
	s5 =	ssub.s32 $0x2, s5;
	s12 =	sshll.u32 s0, $0x6  }
0x8: {  	s30 =	smul.u32 $0x50000, s0;
	s9 =	sshrl.u32 s5, $0x1;
	s12 =	sor.u32 $0x1C01, s12  }
0x9: {  	s6 =	sadd.s32 s7, s6;
	s7 =	sadd.s32 s29, s8;
	s9 =	ssub.s32 s5, s9  }
0xa: {  	s31 =	sshrl.u32 s30, $0x2;
	s8 =	simm.s32 $0x1;
	s6 =	sshrl.u32 s6, $0x3  }
0xb: {  	s7 =	sshrl.u32 s7, $0x3;
	s5 =	sadd.s32 s31, s2;
	s6 =	sadd.s32 s6, s4  }
0xc: {  	s7 =	sadd.s32 s7, s4;
	s13 =	sshrl.u32 s5, $0x3;
	s4 =	sadd.s32 $0x2600, s6  }
0xd: {  	v0 =	vimm.f32 $0.0e+00;
	v1 =	vimm.f32 $1.000000000e+00;
	s6 =	sadd.s32 $0x7600, s7;
	s7 =	smax.u32 s9, $0x1;
	s9 =	simm.s32 $0x5400  }
.LBB2_1:
0xe: {  	[tilespmem:s3], [sflag:$0x1] =	stream.linear.gather [hbm4b:s4+s3], $0x1400, $0x38;
	[tilespmem:$0x19C00] =	vst v63  }
0xf: {  	_ =	swait.ge [sflag:s8], $0x1400  }
0x10: {  	[sflag:s8] =	ssyncset.done $0x0  }
0x11: {  	[sflag:s8] =	ssyncadd.s32 $0xFFFFEC00  }
0x12: {  	[tilespmem:$0x5400] =	vst v0  }
0x13: {  	[tilespmem:$0x5410] =	vst v0  }
0x14: {  	[tilespmem:$0x5420] =	vst v0  }
0x15: {  	[tilespmem:$0x5430] =	vst v0  }
0x16: {  	[tilespmem:$0x5440] =	vst v0  }
0x17: {  	[tilespmem:$0x5450] =	vst v0  }
0x18: {  	[tilespmem:$0x5460] =	vst v0  }
0x19: {  	[tilespmem:$0x5470] =	vst v0  }
0x1a: {  	[tilespmem:$0x5480] =	vst v0  }
0x1b: {  	[tilespmem:$0x5490] =	vst v0  }
0x1c: {  	[tilespmem:$0x54A0] =	vst v0  }
0x1d: {  	[tilespmem:$0x54B0] =	vst v0  }
0x1e: {  	[tilespmem:$0x54C0] =	vst v0  }
0x1f: {  	[tilespmem:$0x54D0] =	vst v0  }
0x20: {  	[tilespmem:$0x54E0] =	vst v0  }
0x21: {  	[tilespmem:$0x54F0] =	vst v0  }
0x22: {  	[tilespmem:$0x5500] =	vst v0  }
0x23: {  	[tilespmem:$0x5510] =	vst v0  }
0x24: {  	[tilespmem:$0x5520] =	vst v0  }
0x25: {  	[tilespmem:$0x5530] =	vst v0  }
0x26: {  	[tilespmem:$0x5540] =	vst v0  }
0x27: {  	[tilespmem:$0x5550] =	vst v0  }
0x28: {  	[tilespmem:$0x5560] =	vst v0  }
0x29: {  	[tilespmem:$0x5570] =	vst v0  }
0x2a: {  	[tilespmem:$0x5580] =	vst v0  }
0x2b: {  	[tilespmem:$0x5590] =	vst v0  }
0x2c: {  	[tilespmem:$0x55A0] =	vst v0  }
0x2d: {  	[tilespmem:$0x55B0] =	vst v0  }
0x2e: {  	[tilespmem:$0x55C0] =	vst v0  }
0x2f: {  	[tilespmem:$0x55D0] =	vst v0  }
0x30: {  	[tilespmem:$0x55E0] =	vst v0  }
0x31: {  	[tilespmem:$0x55F0] =	vst v0  }
0x32: {  	[tilespmem:$0x5600] =	vst v0  }
0x33: {  	[tilespmem:$0x5610] =	vst v0  }
0x34: {  	[tilespmem:$0x5620] =	vst v0  }
0x35: {  	[tilespmem:$0x5630] =	vst v0  }
0x36: {  	[tilespmem:$0x5640] =	vst v0  }
0x37: {  	[tilespmem:$0x5650] =	vst v0  }
0x38: {  	[tilespmem:$0x5660] =	vst v0  }
0x39: {  	[tilespmem:$0x5670] =	vst v0  }
0x3a: {  	[tilespmem:$0x5680] =	vst v0  }
0x3b: {  	[tilespmem:$0x5690] =	vst v0  }
0x3c: {  	[tilespmem:$0x56A0] =	vst v0  }
0x3d: {  	[tilespmem:$0x56B0] =	vst v0  }
0x3e: {  	[tilespmem:$0x56C0] =	vst v0  }
0x3f: {  	[tilespmem:$0x56D0] =	vst v0  }
0x40: {  	[tilespmem:$0x56E0] =	vst v0  }
0x41: {  	[tilespmem:$0x56F0] =	vst v0  }
0x42: {  	[tilespmem:$0x5700] =	vst v0  }
0x43: {  	[tilespmem:$0x5710] =	vst v0  }
0x44: {  	[tilespmem:$0x5720] =	vst v0  }
0x45: {  	[tilespmem:$0x5730] =	vst v0  }
0x46: {  	[tilespmem:$0x5740] =	vst v0  }
0x47: {  	[tilespmem:$0x5750] =	vst v0  }
0x48: {  	[tilespmem:$0x5760] =	vst v0  }
0x49: {  	[tilespmem:$0x5770] =	vst v0  }
0x4a: {  	[tilespmem:$0x5780] =	vst v0  }
0x4b: {  	[tilespmem:$0x5790] =	vst v0  }
0x4c: {  	[tilespmem:$0x57A0] =	vst v0  }
0x4d: {  	[tilespmem:$0x57B0] =	vst v0  }
0x4e: {  	[tilespmem:$0x57C0] =	vst v0  }
0x4f: {  	[tilespmem:$0x57D0] =	vst v0  }
0x50: {  	[tilespmem:$0x57E0] =	vst v0  }
0x51: {  	[tilespmem:$0x57F0] =	vst v0  }
0x52: {  	[tilespmem:$0x5800] =	vst v0  }
0x53: {  	[tilespmem:$0x5810] =	vst v0  }
0x54: {  	[tilespmem:$0x5820] =	vst v0  }
0x55: {  	[tilespmem:$0x5830] =	vst v0  }
0x56: {  	[tilespmem:$0x5840] =	vst v0  }
0x57: {  	[tilespmem:$0x5850] =	vst v0  }
0x58: {  	[tilespmem:$0x5860] =	vst v0  }
0x59: {  	[tilespmem:$0x5870] =	vst v0  }
0x5a: {  	[tilespmem:$0x5880] =	vst v0  }
0x5b: {  	[tilespmem:$0x5890] =	vst v0  }
0x5c: {  	[tilespmem:$0x58A0] =	vst v0  }
0x5d: {  	[tilespmem:$0x58B0] =	vst v0  }
0x5e: {  	[tilespmem:$0x58C0] =	vst v0  }
0x5f: {  	[tilespmem:$0x58D0] =	vst v0  }
0x60: {  	[tilespmem:$0x58E0] =	vst v0  }
0x61: {  	[tilespmem:$0x58F0] =	vst v0  }
0x62: {  	[tilespmem:$0x5900] =	vst v0  }
0x63: {  	[tilespmem:$0x5910] =	vst v0  }
0x64: {  	[tilespmem:$0x5920] =	vst v0  }
0x65: {  	[tilespmem:$0x5930] =	vst v0  }
0x66: {  	[tilespmem:$0x5940] =	vst v0  }
0x67: {  	[tilespmem:$0x5950] =	vst v0  }
0x68: {  	[tilespmem:$0x5960] =	vst v0  }
0x69: {  	[tilespmem:$0x5970] =	vst v0  }
0x6a: {  	[tilespmem:$0x5980] =	vst v0  }
0x6b: {  	[tilespmem:$0x5990] =	vst v0  }
0x6c: {  	[tilespmem:$0x59A0] =	vst v0  }
0x6d: {  	[tilespmem:$0x59B0] =	vst v0  }
0x6e: {  	[tilespmem:$0x59C0] =	vst v0  }
0x6f: {  	[tilespmem:$0x59D0] =	vst v0  }
0x70: {  	[tilespmem:$0x59E0] =	vst v0  }
0x71: {  	[tilespmem:$0x59F0] =	vst v0  }
0x72: {  	[tilespmem:$0x5A00] =	vst v0  }
0x73: {  	[tilespmem:$0x5A10] =	vst v0  }
0x74: {  	[tilespmem:$0x5A20] =	vst v0  }
0x75: {  	[tilespmem:$0x5A30] =	vst v0  }
0x76: {  	[tilespmem:$0x5A40] =	vst v0  }
0x77: {  	[tilespmem:$0x5A50] =	vst v0  }
0x78: {  	[tilespmem:$0x5A60] =	vst v0  }
0x79: {  	[tilespmem:$0x5A70] =	vst v0  }
0x7a: {  	[tilespmem:$0x5A80] =	vst v0  }
0x7b: {  	[tilespmem:$0x5A90] =	vst v0  }
0x7c: {  	[tilespmem:$0x5AA0] =	vst v0  }
0x7d: {  	[tilespmem:$0x5AB0] =	vst v0  }
0x7e: {  	[tilespmem:$0x5AC0] =	vst v0  }
0x7f: {  	[tilespmem:$0x5AD0] =	vst v0  }
0x80: {  	[tilespmem:$0x5AE0] =	vst v0  }
0x81: {  	[tilespmem:$0x5AF0] =	vst v0  }
0x82: {  	[tilespmem:$0x5B00] =	vst v0  }
0x83: {  	[tilespmem:$0x5B10] =	vst v0  }
0x84: {  	[tilespmem:$0x5B20] =	vst v0  }
0x85: {  	[tilespmem:$0x5B30] =	vst v0  }
0x86: {  	[tilespmem:$0x5B40] =	vst v0  }
0x87: {  	[tilespmem:$0x5B50] =	vst v0  }
0x88: {  	[tilespmem:$0x5B60] =	vst v0  }
0x89: {  	[tilespmem:$0x5B70] =	vst v0  }
0x8a: {  	[tilespmem:$0x5B80] =	vst v0  }
0x8b: {  	[tilespmem:$0x5B90] =	vst v0  }
0x8c: {  	[tilespmem:$0x5BA0] =	vst v0  }
0x8d: {  	[tilespmem:$0x5BB0] =	vst v0  }
0x8e: {  	[tilespmem:$0x5BC0] =	vst v0  }
0x8f: {  	[tilespmem:$0x5BD0] =	vst v0  }
0x90: {  	[tilespmem:$0x5BE0] =	vst v0  }
0x91: {  	s15 =	simm.s32 $0x0;
	s16 =	simm.s32 $0x200;
	[tilespmem:$0x5BF0] =	vst v0  }
.LBB2_2:
0x92: {  	p0 =	sne.s32 s16, $0xFE00;
	[tilespmem:s15+$0x1470] =	vst v1  }
0x93: {  	[tilespmem:s15+$0x1400] =	vst v1  }
0x94: {  	[tilespmem:s15+$0x1410] =	vst v1  }
.Ltmp0:
0x95: {  	[tilespmem:s15+$0x1420] =	vst v1;
	(pc) =	sbr.rel @p0 .LBB2_2-.Ltmp0, $4  }
0x96: {  	[tilespmem:s15+$0x1430] =	vst v1  }
0x97: {  	[tilespmem:s15+$0x1440] =	vst v1  }
0x98: {  	[tilespmem:s15+$0x1450] =	vst v1  }
0x99: {  	[tilespmem:s15+$0x1460] =	vst v1;
	s15 =	sshra.s32 s16, $0x2;
	s16 =	sadd.s32 $0x200, s16  }
0x9a: {  	[tilespmem:s15+$0x1470] =	vst v1  }
0x9b: {  	[tilespmem:s15+$0x1400] =	vst v1  }
0x9c: {  	[tilespmem:s15+$0x1410] =	vst v1  }
0x9d: {  	[tilespmem:s15+$0x1420] =	vst v1  }
0x9e: {  	[tilespmem:s15+$0x1430] =	vst v1  }
0x9f: {  	[tilespmem:s15+$0x1440] =	vst v1  }
0xa0: {  	[tilespmem:s15+$0x1450] =	vst v1  }
0xa1: {  	[tilespmem:s15+$0x1460] =	vst v1;
	s31 =	sadd.s32 $0x0, s5  }
0xa2: {  	[spmem:s31] =	stream.linear.scatter [tilespmem:s9], [sflag:$0x1], $0x800, $0x38;
	[tilespmem:$0x19C00] =	vst v63  }
0xa3: {  	s15 =	simm.s32 $0x2000;
	_ =	swait.ge [sflag:s8], $0x800  }
.LBB2_4:
0xa4: {  	s16 =	sshra.s32 s15, $0x2;
	[sflag:s8] =	ssyncset.done $0x0;
	p0 =	sne.s32 s15, $0x4E000  }
.Ltmp1:
0xa5: {  	s16 =	sadd.s32 s16, s5;
	[sflag:s8] =	ssyncadd.s32 $0xFFFFF800;
	(pc) =	sbr.rel @p0 .LBB2_4-.Ltmp1, $3  }
0xa6: {  	[spmem:s16] =	stream.linear.scatter [tilespmem:s9], [sflag:$0x1], $0x800, $0x38;
	[tilespmem:$0x19C00] =	vst v63  }
0xa7: {  	s15 =	sadd.s32 $0x2000, s15;
	_ =	sdelay $0x1  }
0xa8: {  	_ =	swait.ge [sflag:s8], $0x800  }
0xa9: {  	[sflag:s8] =	ssyncset.done $0x0  }
0xaa: {  	[sflag:s8] =	ssyncadd.s32 $0xFFFFF800  }
0xab: {  	s15 =	simm.s32 $0x0;
	[bflag:$0x0] =	sbarrier.arrive $0xFFFF  }
0xac: {  	[spmem:s2] =	stream.indirect.scatter.add.f32 [tilespmem:s11], [sflag:$0x1], $0x80, s15, s10, $0xb8;
	[tilespmem:$0x19C00] =	vst v63  }
0xad: {  	_ =	swait.ge [sflag:s8], $0x4000  }
0xae: {  	s15 =	simm.s32 $0x200;
	[sflag:s8] =	ssyncset.done $0x0  }
.LBB2_6:
0xaf: {  	s16 =	sshra.s32 s15, $0x2;
	[sflag:s8] =	ssyncadd.s32 $0xFFFFC000;
	p0 =	sne.s32 s15, $0x4E00  }
0xb0: {  	[spmem:s2] =	stream.indirect.scatter.add.f32 [tilespmem:s11], [sflag:$0x1], $0x80, s16, s10, $0xb8;
	[tilespmem:$0x19C00] =	vst v63  }
.Ltmp2:
0xb1: {  	_ = 	snop;
	(pc) =	sbr.rel @p0 .LBB2_6-.Ltmp2, $4  }
0xb2: {  	_ = 	snop  }
0xb3: {  	s15 =	sadd.s32 $0x200, s15  }
0xb4: {  	_ =	swait.ge [sflag:s8], $0x4000  }
0xb5: {  	[sflag:s8] =	ssyncset.done $0x0  }
0xb6: {  	s14 =	sadd.s32 $0x1, s14  }
0xb7: {  	[sflag:s8] =	ssyncadd.s32 $0xFFFFC000;
	p0 =	sne.s32 s14, s7  }
.Ltmp3:
0xb8: {  	[bflag:$0x0] =	sbarrier.arrive $0xFFFF;
	(pc) =	sbr.rel @p0 .LBB2_1-.Ltmp3, $4  }
0xb9: {  	[hbm:s6], [sflag:s12] =	dma.local [spmem:s13], $0x2800  }
0xba: {  	_ =	swait.ge [sflag:s8], $0x2800  }
0xbb: {  	[sflag:s8] =	ssyncset.done $0x0  }
0xbc: {  	[sflag:s8] =	ssyncadd.s32 $0xFFFFD800  }
0xbd: {  	_ =	sfence.sel $0x180000  }
0xbe: {  	[bflag:$0x0] =	sbarrier.arrive $0xFFFF  }
0xbf: {  	p0 =	sne.s32 s0, $0x0;
	_ =	strace $0x90000047  }
0xc0: {  	s0 =	sadd.s32 @!p0 $0x100000, s1;
	[bflag:$0x2] =	sbarrier.arrive $0xFFFF  }
0xc1: {  	[sflag:s0] =	ssyncadd.tile.s32 @!p0 $0x1;
	_ =	shalt  }
.Lfunc_end2:
_tile_overlayer_lowered:
.L_overlay_start_2:
0xc2: {  	(tag) =	ssettag $0x2  }
0xc3: {  	s0 =	rddreg [dreg:$0x0];
	s2 =	stileid.u32  }
0xc4: {  	s1 =	rddreg [dreg:$0x1];
	p0 =	sne.s32 s2, $0x0  }
0xc5: {  	s3 =	rddreg [dreg:$0x2];
	[bflag:$0x3] =	sbarrier.arrive $0xFFFF;
	s2 =	simm.s32 @!p0 $0x1C01  }
0xc6: {  	[timem:s3], [sflag:s2] =	dma.local @!p0 [hbm:s0], s1  }
0xc7: {  	s0 =	simm.s32 @!p0 $0x1  }
0xc8: {  	_ =	swait.ge @!p0 [sflag:s0], s1  }
0xc9: {  	s1 =	ssub.s32 @!p0 $0x0, s1;
	[sflag:s0] =	ssyncset.done @!p0 $0x0  }
0xca: {  	[sflag:s0] =	ssyncadd.s32 @!p0 s1  }
0xcb: {  	[bflag:$0x3] =	sbarrier.arrive $0xFFFF  }
0xcc: {  	_ =	shalt  }

// kernel: kernel.13.cloned.1.call-start
scs
__scs_entry_jumppad:
0x0: {  	(pc) =	sbr.rel $0x88, $3  }
0x1: {  	(tag) =	ssettag $0x0;
	lr =	simm.s32 $0x1  }
0x2: {  	[smem:$0x3F95] =	sst lr;
	_ =	strace $0xD0000000  }
0x3: {  	_ = 	snop  }
0x4: {  	_ = 	snop  }
0x5: {  	_ = 	snop  }
0x6: {  	_ = 	snop  }
0x7: {  	_ = 	snop  }
__scs_overlays_trampoline_lowered:
0x8: {  	[smem:$0x3FA4] =	sst s0  }
0x9: {  	[smem:$0x3FA5] =	sst s1  }
0xa: {  	[smem:$0x3FA6] =	sst s2  }
0xb: {  	[smem:$0x3FA7] =	sst s3  }
0xc: {  	[smem:$0x3FA8] =	sst s4  }
0xd: {  	[smem:$0x3FA9] =	sst s5  }
0xe: {  	[smem:$0x3FAA] =	sst s6  }
0xf: {  	[smem:$0x3FAB] =	sst s7  }
0x10: {  	[smem:$0x3FAC] =	sst s8  }
0x11: {  	[smem:$0x3FAD] =	sst s9;
	s0 =	simm.s32 @!p0 $0x0  }
0x12: {  	s1 =	sld [smem:$0x3F93];
	s0 =	simm.s32 @p0 $0x1  }
0x13: {  	[smem:$0x3FAE] =	sst s0;
	s0 =	simm.s32 @!p1 $0x0  }
0x14: {  	s2 =	sld [smem:$0x3F92];
	s0 =	simm.s32 @p1 $0x1  }
0x15: {  	[smem:$0x3FAF] =	sst s0;
	s0 =	simm.s32 @!p2 $0x0  }
0x16: {  	s3 =	sld [smem:$0x3FDB];
	s0 =	simm.s32 @p2 $0x1  }
0x17: {  	s4 =	simm.s32 $0x1BF5;
	[smem:$0x3FB1] =	sst s0  }
0x18: {  	s0 =	sld [smem:$0x3F94];
	_ =	swait.ge [sflag:s4], $0x0  }
0x19: {  	s7 =	sld [smem:$0x3F95]  }
0x1a: {  	s8 =	sadd.s32 $0xFFFFE003, lr  }
0x1b: {  	s9 =	sadd.s32 $0xFFFFFEF7, lr;
	s5 =	simm.s32 $0xFFFFFFFF;
	p2 =	slt.u32 s8, $0xFFFFF086  }
0x1c: {  	p1 =	slt.u32 s9, $0xF7A;
	s5 =	simm.s32 @!p2 $0x0  }
0x1d: {  	s5 =	simm.s32 @p1 $0x1;
	p0 =	seq.s32 s7, s2  }
0x1e: {  	s7 =	smul.u32 @!p0 $0xF7A, s2;
	p2 =	seq.s32 @!p0 s5, $0x0  }
0x1f: {  	s9 =	smul.u32 $0xF7A, s1;
	s8 =	simm.s32 @!p0 $0x1BF5;
	p2 =	por !p2, p0  }
0x20: {  	[sflag:s8] =	ssyncset.s32 @!p0 $0xFFFFF086;
	s6 =	sadd.s32 @!p0 s3, s7;
	s7 =	simm.s32 @!p0 $0x108  }
0x21: {  	s3 =	sadd.s32 s3, s9;
	s6 =	sadd.s32 @!p0 $0x88, s6;
	s7 =	simm.s32 @p2 $0x1082  }
0x22: {  	[simem:s7], [sflag:s8] =	dma.local @!p0 [hbm:s6], $0xF7A  }
0x23: {  	s9 =	sor.u32 $0xD0000000, s2;
	s6 =	simm.s32 $0x108;
	_ =	swait.ge @!p0 [sflag:s8], $0x0  }
0x24: {  	s3 =	sadd.s32 $0x88, s3;
	s6 =	simm.s32 @!p1 $0x1082;
	[sflag:s4] =	ssyncset.s32 $0xFFFFF086  }
0x25: {  	[simem:s6], [sflag:s4] =	dma.local [hbm:s3], $0xF7A  }
0x26: {  	[smem:$0x3F95] =	sst s1;
	(tag) =	ssettag s2;
	_ =	strace s9  }
0x27: {  	s1 =	sld [smem:$0x3FA5]  }
0x28: {  	s2 =	sld [smem:$0x3FA6]  }
0x29: {  	s4 =	sld [smem:$0x3FA8]  }
0x2a: {  	p0 =	seq.s32 s5, $0x0;
	s5 =	sld [smem:$0x3FA9]  }
0x2b: {  	s6 =	sld [smem:$0x3FAA]  }
0x2c: {  	s7 =	sld [smem:$0x3FAB]  }
0x2d: {  	s3 =	simm.s32 $0x108;
	s8 =	sld [smem:$0x3FAC]  }
0x2e: {  	s3 =	simm.s32 @!p0 $0x1082;
	s9 =	sld [smem:$0x3FAD]  }
0x2f: {  	lr =	sadd.s32 s0, s3;
	s0 =	sld [smem:$0x3FA4]  }
0x30: {  	s3 =	sld [smem:$0x3FA7]  }
0x31: {  	[smem:$0x3FB0] =	sst s10  }
0x32: {  	s10 =	sld [smem:$0x3FAE];
	_ =	sdelay $0x3  }
0x33: {  	p0 =	seq.s32 s10, $0x1;
	s10 =	sld [smem:$0x3FB0];
	_ =	sdelay $0x3  }
0x34: {  	[smem:$0x3FB0] =	sst s10  }
0x35: {  	s10 =	sld [smem:$0x3FAF];
	_ =	sdelay $0x3  }
0x36: {  	p1 =	seq.s32 s10, $0x1;
	s10 =	sld [smem:$0x3FB0];
	_ =	sdelay $0x3  }
0x37: {  	[smem:$0x3FB0] =	sst s10  }
0x38: {  	s10 =	sld [smem:$0x3FB1]  }
0x39: {  	_ = 	snop;
	(pc) =	sbr.ind lr, $3  }
0x3a: {  	_ = 	snop  }
0x3b: {  	_ = 	snop  }
0x3c: {  	p2 =	seq.s32 s10, $0x1;
	s10 =	sld [smem:$0x3FB0]  }
0x3d: {  	_ =	shalt  }
0x3e: {  	_ =	shalt  }
0x3f: {  	_ =	shalt  }
0x40: {  	_ =	shalt  }
0x41: {  	_ =	shalt  }
0x42: {  	_ =	shalt  }
0x43: {  	_ =	shalt  }
0x44: {  	_ =	shalt  }
0x45: {  	_ =	shalt  }
0x46: {  	_ =	shalt  }
0x47: {  	_ =	shalt  }
0x48: {  	_ =	shalt  }
0x49: {  	_ =	shalt  }
0x4a: {  	_ =	shalt  }
0x4b: {  	_ =	shalt  }
0x4c: {  	_ =	shalt  }
0x4d: {  	_ =	shalt  }
0x4e: {  	_ =	shalt  }
0x4f: {  	_ =	shalt  }
0x50: {  	_ =	shalt  }
0x51: {  	_ =	shalt  }
0x52: {  	_ =	shalt  }
0x53: {  	_ =	shalt  }
0x54: {  	_ =	shalt  }
0x55: {  	_ =	shalt  }
0x56: {  	_ =	shalt  }
0x57: {  	_ =	shalt  }
0x58: {  	_ =	shalt  }
0x59: {  	_ =	shalt  }
0x5a: {  	_ =	shalt  }
0x5b: {  	_ =	shalt  }
0x5c: {  	_ =	shalt  }
0x5d: {  	_ =	shalt  }
0x5e: {  	_ =	shalt  }
0x5f: {  	_ =	shalt  }
0x60: {  	_ =	shalt  }
0x61: {  	_ =	shalt  }
0x62: {  	_ =	shalt  }
0x63: {  	_ =	shalt  }
0x64: {  	_ =	shalt  }
0x65: {  	_ =	shalt  }
0x66: {  	_ =	shalt  }
0x67: {  	_ =	shalt  }
0x68: {  	_ =	shalt  }
0x69: {  	_ =	shalt  }
0x6a: {  	_ =	shalt  }
0x6b: {  	_ =	shalt  }
0x6c: {  	_ =	shalt  }
0x6d: {  	_ =	shalt  }
0x6e: {  	_ =	shalt  }
0x6f: {  	_ =	shalt  }
0x70: {  	_ =	shalt  }
0x71: {  	_ =	shalt  }
0x72: {  	_ =	shalt  }
0x73: {  	_ =	shalt  }
0x74: {  	_ =	shalt  }
0x75: {  	_ =	shalt  }
0x76: {  	_ =	shalt  }
0x77: {  	_ =	shalt  }
0x78: {  	_ =	shalt  }
0x79: {  	_ =	shalt  }
0x7a: {  	_ =	shalt  }
0x7b: {  	_ =	shalt  }
0x7c: {  	_ =	shalt  }
0x7d: {  	_ =	shalt  }
0x7e: {  	_ =	shalt  }
0x7f: {  	_ =	shalt  }
0x80: {  	_ =	shalt  }
0x81: {  	_ =	shalt  }
0x82: {  	_ =	shalt  }
0x83: {  	_ =	shalt  }
0x84: {  	_ =	shalt  }
0x85: {  	_ =	shalt  }
0x86: {  	_ =	shalt  }
0x87: {  	_ =	shalt  }
.Lfunc_end0:
.L_simem_size_0:
called_computation.1_lowered:
.L_overlay_start_0:
0x88: {  	s2 =	sld [smem:$0x3FD9]  }
0x89: {  	s3 =	sld [smem:$0x3FFE];
	_ =	sdelay $0x1  }
0x8a: {  	s1 =	srdreg.scid  }
0x8b: {  	s0 =	sand.u32 $0x1, s1  }
0x8c: {  	s16 =	sshll.u32 s0, $0xA;
	s2 =	sadd.s32 s3, s2  }
0x8d: {  	s2 =	sadd.s32 s2, s16  }
0x8e: {  	[smem:$0x3FBC] =	sst s2  }
0x8f: {  	_ = 	snop  }
0x90: {  	(tm) =	ssettm $0x1  }
0x91: {  	s17 =	sld [smem:$0x3FFB];
	_ =	sdelay $0x3  }
0x92: {  	_ =	strace s17  }
0x93: {  	s2 =	sld [smem:$0x3FFC];
	_ =	sdelay $0x3  }
0x94: {  	_ =	strace s2  }
0x95: {  	s2 =	sld [smem:$0x3FFD];
	_ =	sdelay $0x3  }
0x96: {  	_ =	strace s2  }
0x97: {  	_ =	strace $0x8FFFFFFF  }
0x98: {  	s18 =	sld [smem:$0x3FDB];
	_ =	sdelay $0x1  }
0x99: {  	s19 =	simm.s32 $_scs_section_size  }
0x9a: {  	s4 =	simm.s32 $_size__tile_overlayer_lowered;
	s5 =	simm.s32 $_tile_overlayer_lowered  }
0x9b: {  	s22 =	simm.s32 $0x1BFF;
	s21 =	sshll.u32 s5, $0x1;
	s2 =	sadd.s32 s19, s18  }
0x9c: {  	s6 =	simm.s32 $0x0;
	s20 =	sshll.u32 s4, $0x1;
	s4 =	sadd.s32 s21, s2  }
0x9d: {  	[timem:s6], [sflag:s22] =	dma.local [hbm:s4], s20  }
0x9e: {  	_ =	swait.ge [sflag:s22], s20  }
0x9f: {  	s3 =	ssub.s32 $0x0, s20;
	[sflag:s22] =	ssyncset.done $0x0  }
0xa0: {  	[sflag:s22] =	ssyncadd.s32 s3;
	_ =	sdelay $0x1  }
0xa1: {  	s23 =	simm.s32 $0x1B8B  }
0xa2: {  	_ =	swait.ge [sflag:s23], $0x1  }
0xa3: {  	[sflag:s23] =	ssyncset.done $0x0  }
0xa4: {  	s25 =	simm.s32 $0x1B8E;
	s24 =	sld [smem:$0x3FFE];
	[sflag:s23] =	ssyncadd.s32 $0xFFFFFFFF  }
0xa5: {  	s26 =	simm.s32 $execute0_lowered;
	[smem:$0x3FD2] =	sst s25  }
0xa6: {  	s4 =	sshll.u32 s26, $0x1;
	_ =	strace $0x80000049;
	[dreg:$0x1] =	wrdreg $0xFFFFFFFF  }
0xa7: {  	s28 =	simm.s32 $_size_execute0_lowered;
	s2 =	sadd.s32 s2, s4;
	[dreg:$0x0] =	wrdreg $0x0  }
0xa8: {  	s4 =	sshll.u32 s28, $0x1;
	[dreg:$0x2] =	wrdreg s2  }
0xa9: {  	[dreg:$0x3] =	wrdreg s4  }
0xaa: {  	[dreg:$0x4] =	wrdreg $0xC0  }
0xab: {  	_ =	task [dreg:s6], $0x5FFFF  }
0xac: {  	[dreg:$0x1] =	wrdreg $0xFFFFFFFF  }
0xad: {  	[dreg:$0x0] =	wrdreg $0x60  }
0xae: {  	[dreg:$0x2] =	wrdreg s24  }
0xaf: {  	[dreg:$0x3] =	wrdreg $0x98000  }
0xb0: {  	[dreg:$0x4] =	wrdreg $0x9  }
0xb1: {  	_ =	task.clear_ibuf [dreg:s6], $0x5FFFF;
	_ =	strace $0x90000049  }
0xb2: {  	s29 =	simm.s32 $0x9;
	_ =	strace $0x8000004B  }
0xb3: {  	_ =	swait.ge [sflag:s29], $0x1  }
0xb4: {  	[sflag:s29] =	ssyncadd.s32 $0xFFFFFFFF  }
0xb5: {  	_ =	strace $0x9000004B  }
0xb6: {  	_ =	sfence  }
0xb7: {  	s30 =	sld [smem:$0x0];
	_ =	sdelay $0x2  }
0xb8: {  	s31 =	sshll.u32 s1, $0xD;
	s1 =	sshrl.u32 s1, $0x2  }
0xb9: {  	s3 =	sand.u32 $0x4000, s31;
	s1 =	sadd.s32 s1, s30  }
0xba: {  	s0 =	sor.u32 s3, s0;
	s1 =	sshll.u32 s1, $0x11  }
0xbb: {  	s0 =	sor.u32 s1, s0  }
0xbc: {  	s0 =	sadd.s32 $0x8F2B, s0  }
0xbd: {  	[sflag:s0] =	ssyncadd.remote.s32 $0x1  }
0xbe: {  	_ =	sfence.sel $0xFFFF  }
0xbf: {  	[dreg:$0x0] =	wrdreg $0xFFFFFFFF;
	(pc) =	sbr.abs _section_cstart, $3  }
0xc0: {  	[dreg:$0x1] =	wrdreg $0xFFFFFFFF  }
0xc1: {  	_ =	task.clear_ibuf [dreg:s6], $0x2FFFF;
	_ =	strace $0x9FFFFFFF  }
0xc2: {  	(tm) =	ssettm $0x7FFFFFFF  }
0xc3: {  	_ =	shalt  }
tec
execute0_lowered:
.L_overlay_start_1:
0x0: {  	(tag) =	ssettag $0x1  }
0x1: {  	s1 =	srdreg.scid  }
0x2: {  	s0 =	stileid.u32;
	s6 =	rddreg [dreg:$0x0]  }
0x3: {  	s2 =	rddreg [dreg:$0x1];
	s3 =	simm.s32 $0x0;
	s14 =	simm.s32 $0x80  }
0x4: {  	s15 =	simm.s32 $0x5000;
	s16 =	simm.s32 $0x1;
	s18 =	simm.s32 $0x0  }
0x5: {  	s4 =	sand.u32 $0x1, s1;
	s5 =	smul.u32 $0x2800, s0;
	s1 =	rddreg [dreg:$0x2]  }
0x6: {  	[smem:$0x7FF] =	sst s3;
	s11 =	smul.u32 $0x14000, s0;
	s12 =	sadd.s32 $0x61600, s6  }
0x7: {  	s13 =	smul.u32 $0x50000, s0;
	s17 =	sadd.s32 $0x12C000, s2;
	p0 =	seq.s32 s0, $0xF  }
0x8: {  	s7 =	smul.u32 $0x28000, s4;
	_ =	strace $0x8000004A;
	s29 =	ssub.s32 $0x2, s4  }
0x9: {  	s9 =	smul.u32 $0x138800, s4;
	s4 =	sadd.s32 $0x7600, s6;
	s17 =	sshrl.u32 @p0 s17, $0x3  }
0xa: {  	s10 =	sshrl.u32 s29, $0x1;
	s31 =	sshrl.u32 s13, $0x2;
	s13 =	simm.s32 $0x9000  }
0xb: {  	s7 =	sadd.s32 s5, s7;
	s5 =	sshrl.u32 s5, $0x3;
	s10 =	ssub.s32 s29, s10  }
0xc: {  	s30 =	sadd.s32 s11, s9;
	s9 =	sshrl.u32 s9, $0x3;
	s7 =	sshrl.u32 s7, $0x3  }
0xd: {  	s8 =	sadd.s32 s5, s6;
	s11 =	sshrl.u32 s30, $0x3;
	s9 =	sadd.s32 s12, s9  }
0xe: {  	s10 =	smax.u32 s10, $0x1;
	s7 =	sadd.s32 s7, s6;
	s6 =	sadd.s32 $0x2600, s8  }
0xf: {  	s8 =	sadd.s32 s12, s11;
	s9 =	sadd.s32 $0x25800, s9;
	s11 =	simm.s32 $0x2  }
0x10: {  	v0 =	vimm.f32 $0.0e+00;
	s12 =	simm.s32 $0x2800;
	s5 =	sadd.s32 $0x57600, s7;
	s7 =	sadd.s32 s31, s2  }
.LBB2_1:
0x11: {  	[tilespmem:s3], [sflag:$0x2] =	stream.linear.gather [hbm4b:s5+s3], $0x2800, $0x38;
	[tilespmem:$0x1D800] =	vst v63  }
0x12: {  	_ =	swait.ge [sflag:s11], $0x2800  }
0x13: {  	[sflag:s11] =	ssyncset.done $0x0  }
0x14: {  	[sflag:s11] =	ssyncadd.s32 $0xFFFFD800  }
0x15: {  	[tilespmem:s12], [sflag:$0x2] =	stream.linear.gather [hbm4b:s6+s3], $0x2800, $0x38;
	[tilespmem:$0x1D800] =	vst v63  }
0x16: {  	_ =	swait.ge [sflag:s11], $0x2800  }
0x17: {  	[sflag:s11] =	ssyncset.done $0x0  }
0x18: {  	s19 =	simm.s32 $0x0;
	s20 =	simm.s32 $0x200;
	[sflag:s11] =	ssyncadd.s32 $0xFFFFD800  }
.LBB2_2:
0x19: {  	p1 =	sne.s32 s20, $0x1E00;
	[tilespmem:s19+$0x9070] =	vst v0  }
0x1a: {  	[tilespmem:s19+$0x9000] =	vst v0  }
0x1b: {  	[tilespmem:s19+$0x9010] =	vst v0  }
.Ltmp0:
0x1c: {  	[tilespmem:s19+$0x9020] =	vst v0;
	(pc) =	sbr.rel @p1 .LBB2_2-.Ltmp0, $4  }
0x1d: {  	[tilespmem:s19+$0x9030] =	vst v0  }
0x1e: {  	[tilespmem:s19+$0x9040] =	vst v0  }
0x1f: {  	[tilespmem:s19+$0x9050] =	vst v0  }
0x20: {  	[tilespmem:s19+$0x9060] =	vst v0;
	s19 =	sshra.s32 s20, $0x2;
	s20 =	sadd.s32 $0x200, s20  }
0x21: {  	[tilespmem:s19+$0x9070] =	vst v0  }
0x22: {  	[tilespmem:s19+$0x9000] =	vst v0  }
0x23: {  	[tilespmem:s19+$0x9010] =	vst v0  }
0x24: {  	[tilespmem:s19+$0x9020] =	vst v0  }
0x25: {  	[tilespmem:s19+$0x9030] =	vst v0  }
0x26: {  	[tilespmem:s19+$0x9040] =	vst v0  }
0x27: {  	[tilespmem:s19+$0x9050] =	vst v0  }
0x28: {  	[tilespmem:s19+$0x9060] =	vst v0;
	s31 =	sadd.s32 $0x0, s7  }
0x29: {  	[spmem:s31] =	stream.linear.scatter [tilespmem:s13], [sflag:$0x2], $0x800, $0x38;
	[tilespmem:$0x1D800] =	vst v63  }
0x2a: {  	s19 =	simm.s32 $0x2000;
	_ =	swait.ge [sflag:s11], $0x800  }
.LBB2_4:
0x2b: {  	s20 =	sshra.s32 s19, $0x2;
	[sflag:s11] =	ssyncset.done $0x0;
	p1 =	sne.s32 s19, $0x4E000  }
.Ltmp1:
0x2c: {  	s20 =	sadd.s32 s20, s7;
	[sflag:s11] =	ssyncadd.s32 $0xFFFFF800;
	(pc) =	sbr.rel @p1 .LBB2_4-.Ltmp1, $3  }
0x2d: {  	[spmem:s20] =	stream.linear.scatter [tilespmem:s13], [sflag:$0x2], $0x800, $0x38;
	[tilespmem:$0x1D800] =	vst v63  }
0x2e: {  	s19 =	sadd.s32 $0x2000, s19;
	_ =	sdelay $0x1  }
0x2f: {  	_ =	swait.ge [sflag:s11], $0x800  }
0x30: {  	[sflag:s11] =	ssyncset.done $0x0  }
0x31: {  	[sflag:s11] =	ssyncadd.s32 $0xFFFFF800  }
0x32: {  	s19 =	simm.s32 $0x0;
	[bflag:$0x0] =	sbarrier.arrive $0xFFFF  }
0x33: {  	[tilespmem:s15], [sflag:$0x1] =	stream.indirect.gather [hbm4b:s4+s14], $0x80, s19, s14, $0xb8;
	[tilespmem:$0x1D800] =	vst v63  }
0x34: {  	_ =	swait.ge [sflag:s16], $0x4000  }
0x35: {  	[sflag:s16] =	ssyncset.done $0x0  }
0x36: {  	s31 =	simm.s32 $0x2800;
	[sflag:s16] =	ssyncadd.s32 $0xFFFFC000  }
0x37: {  	[spmem:s2] =	stream.indirect.scatter.add.f32 [tilespmem:s15], [sflag:$0x2], $0x80, s31, s14, $0xb8;
	[tilespmem:$0x1D800] =	vst v63  }
0x38: {  	_ =	swait.ge [sflag:s11], $0x4000  }
0x39: {  	s20 =	simm.s32 $0x400;
	s19 =	simm.s32 $0x200;
	[sflag:s11] =	ssyncset.done $0x0  }
.LBB2_6:
0x3a: {  	s21 =	sshra.s32 s19, $0x2  }
0x3b: {  	[sflag:s11] =	ssyncadd.s32 $0xFFFFC000;
	s19 =	smov.u32 s20;
	s22 =	sadd.s32 $0x200, s20  }
0x3c: {  	[tilespmem:s15], [sflag:$0x1] =	stream.indirect.gather [hbm4b:s4+s14], $0x80, s21, s14, $0xb8;
	[tilespmem:$0x1D800] =	vst v63  }
0x3d: {  	p1 =	sne.s32 s20, $0x9E00;
	_ =	swait.ge [sflag:s16], $0x4000  }
.Ltmp2:
0x3e: {  	[sflag:s16] =	ssyncset.done $0x0;
	(pc) =	sbr.rel @p1 .LBB2_6-.Ltmp2, $4  }
0x3f: {  	s20 =	sadd.s32 $0x2800, s21;
	[sflag:s16] =	ssyncadd.s32 $0xFFFFC000  }
0x40: {  	[spmem:s2] =	stream.indirect.scatter.add.f32 [tilespmem:s15], [sflag:$0x2], $0x80, s20, s14, $0xb8;
	[tilespmem:$0x1D800] =	vst v63  }
0x41: {  	_ =	swait.ge [sflag:s11], $0x4000  }
0x42: {  	s20 =	smov.u32 s22;
	[sflag:s11] =	ssyncset.done $0x0  }
0x43: {  	s19 =	sshra.s32 s19, $0x2;
	[sflag:s11] =	ssyncadd.s32 $0xFFFFC000  }
0x44: {  	[tilespmem:s15], [sflag:$0x1] =	stream.indirect.gather [hbm4b:s4+s14], $0x80, s19, s14, $0xb8;
	[tilespmem:$0x1D800] =	vst v63  }
0x45: {  	_ =	swait.ge [sflag:s16], $0x4000  }
0x46: {  	[sflag:s16] =	ssyncset.done $0x0  }
0x47: {  	s19 =	sadd.s32 $0x2800, s19;
	[sflag:s16] =	ssyncadd.s32 $0xFFFFC000  }
0x48: {  	[spmem:s2] =	stream.indirect.scatter.add.f32 [tilespmem:s15], [sflag:$0x2], $0x80, s19, s14, $0xb8;
	[tilespmem:$0x1D800] =	vst v63  }
0x49: {  	_ =	swait.ge [sflag:s11], $0x4000  }
0x4a: {  	[sflag:s11] =	ssyncset.done $0x0  }
0x4b: {  	[sflag:s11] =	ssyncadd.s32 $0xFFFFC000  }
0x4c: {  	s19 =	simm.s32 @p0 $0x1FC2;
	[bflag:$0x0] =	sbarrier.arrive $0xFFFF  }
0x4d: {  	[hbm:s9], [sflag:s19] =	dma.local @p0 [spmem:s17], $0x1900  }
0x4e: {  	s19 =	simm.s32 @p0 $0x2  }
0x4f: {  	s18 =	sadd.s32 $0x1, s18;
	_ =	swait.ge @p0 [sflag:s19], $0x1900  }
0x50: {  	s20 =	sshll.u32 @!p0 s0, $0x6;
	p1 =	sne.s32 s18, s10;
	[sflag:s19] =	ssyncset.done @p0 $0x0  }
0x51: {  	[sflag:s19] =	ssyncadd.s32 @p0 $0xFFFFE700;
	s19 =	sor.u32 @!p0 $0x1C02, s20;
	s20 =	sshrl.u32 @!p0 s7, $0x3  }
0x52: {  	[hbm:s8], [sflag:s19] =	dma.local @!p0 [spmem:s20], $0x2800  }
.Ltmp3:
0x53: {  	_ = 	snop;
	(pc) =	sbr.rel @p1 .LBB2_1-.Ltmp3, $4  }
0x54: {  	s19 =	simm.s32 @!p0 $0x2  }
0x55: {  	_ =	swait.ge @!p0 [sflag:s19], $0x2800  }
0x56: {  	[sflag:s19] =	ssyncset.done @!p0 $0x0  }
0x57: {  	[sflag:s19] =	ssyncadd.s32 @!p0 $0xFFFFD800  }
0x58: {  	_ =	sfence.sel $0x180000  }
0x59: {  	[bflag:$0x0] =	sbarrier.arrive $0xFFFF  }
0x5a: {  	p0 =	sne.s32 s0, $0x0;
	_ =	strace $0x9000004A  }
0x5b: {  	s0 =	sadd.s32 @!p0 $0x100000, s1;
	[bflag:$0x2] =	sbarrier.arrive $0xFFFF  }
0x5c: {  	[sflag:s0] =	ssyncadd.tile.s32 @!p0 $0x1;
	_ =	shalt  }
.Lfunc_end2:
_tile_overlayer_lowered:
.L_overlay_start_2:
0x5d: {  	(tag) =	ssettag $0x2  }
0x5e: {  	s0 =	rddreg [dreg:$0x0];
	s2 =	stileid.u32  }
0x5f: {  	s1 =	rddreg [dreg:$0x1];
	p0 =	sne.s32 s2, $0x0  }
0x60: {  	s3 =	rddreg [dreg:$0x2];
	[bflag:$0x3] =	sbarrier.arrive $0xFFFF;
	s2 =	simm.s32 @!p0 $0x1C02  }
0x61: {  	[timem:s3], [sflag:s2] =	dma.local @!p0 [hbm:s0], s1  }
0x62: {  	s0 =	simm.s32 @!p0 $0x2  }
0x63: {  	_ =	swait.ge @!p0 [sflag:s0], s1  }
0x64: {  	s1 =	ssub.s32 @!p0 $0x0, s1;
	[sflag:s0] =	ssyncset.done @!p0 $0x0  }
0x65: {  	[sflag:s0] =	ssyncadd.s32 @!p0 s1  }
0x66: {  	[bflag:$0x3] =	sbarrier.arrive $0xFFFF  }
0x67: {  	_ =	shalt  }

// kernel: kernel.16.cloned.1.call-start
scs
__scs_entry_jumppad:
0x0: {  	(pc) =	sbr.rel $0x88, $3  }
0x1: {  	(tag) =	ssettag $0x0;
	lr =	simm.s32 $0x1  }
0x2: {  	[smem:$0x3F95] =	sst lr;
	_ =	strace $0xD0000000  }
0x3: {  	_ = 	snop  }
0x4: {  	_ = 	snop  }
0x5: {  	_ = 	snop  }
0x6: {  	_ = 	snop  }
0x7: {  	_ = 	snop  }
__scs_overlays_trampoline_lowered:
0x8: {  	[smem:$0x3FA4] =	sst s0  }
0x9: {  	[smem:$0x3FA5] =	sst s1  }
0xa: {  	[smem:$0x3FA6] =	sst s2  }
0xb: {  	[smem:$0x3FA7] =	sst s3  }
0xc: {  	[smem:$0x3FA8] =	sst s4  }
0xd: {  	[smem:$0x3FA9] =	sst s5  }
0xe: {  	[smem:$0x3FAA] =	sst s6  }
0xf: {  	[smem:$0x3FAB] =	sst s7  }
0x10: {  	[smem:$0x3FAC] =	sst s8  }
0x11: {  	[smem:$0x3FAD] =	sst s9;
	s0 =	simm.s32 @!p0 $0x0  }
0x12: {  	s1 =	sld [smem:$0x3F93];
	s0 =	simm.s32 @p0 $0x1  }
0x13: {  	[smem:$0x3FAE] =	sst s0;
	s0 =	simm.s32 @!p1 $0x0  }
0x14: {  	s2 =	sld [smem:$0x3F92];
	s0 =	simm.s32 @p1 $0x1  }
0x15: {  	[smem:$0x3FAF] =	sst s0;
	s0 =	simm.s32 @!p2 $0x0  }
0x16: {  	s3 =	sld [smem:$0x3FDB];
	s0 =	simm.s32 @p2 $0x1  }
0x17: {  	s4 =	simm.s32 $0x1BF5;
	[smem:$0x3FB1] =	sst s0  }
0x18: {  	s0 =	sld [smem:$0x3F94];
	_ =	swait.ge [sflag:s4], $0x0  }
0x19: {  	s7 =	sld [smem:$0x3F95]  }
0x1a: {  	s8 =	sadd.s32 $0xFFFFE003, lr  }
0x1b: {  	s9 =	sadd.s32 $0xFFFFFEF7, lr;
	s5 =	simm.s32 $0xFFFFFFFF;
	p2 =	slt.u32 s8, $0xFFFFF086  }
0x1c: {  	p1 =	slt.u32 s9, $0xF7A;
	s5 =	simm.s32 @!p2 $0x0  }
0x1d: {  	s5 =	simm.s32 @p1 $0x1;
	p0 =	seq.s32 s7, s2  }
0x1e: {  	s7 =	smul.u32 @!p0 $0xF7A, s2;
	p2 =	seq.s32 @!p0 s5, $0x0  }
0x1f: {  	s9 =	smul.u32 $0xF7A, s1;
	s8 =	simm.s32 @!p0 $0x1BF5;
	p2 =	por !p2, p0  }
0x20: {  	[sflag:s8] =	ssyncset.s32 @!p0 $0xFFFFF086;
	s6 =	sadd.s32 @!p0 s3, s7;
	s7 =	simm.s32 @!p0 $0x108  }
0x21: {  	s3 =	sadd.s32 s3, s9;
	s6 =	sadd.s32 @!p0 $0x88, s6;
	s7 =	simm.s32 @p2 $0x1082  }
0x22: {  	[simem:s7], [sflag:s8] =	dma.local @!p0 [hbm:s6], $0xF7A  }
0x23: {  	s9 =	sor.u32 $0xD0000000, s2;
	s6 =	simm.s32 $0x108;
	_ =	swait.ge @!p0 [sflag:s8], $0x0  }
0x24: {  	s3 =	sadd.s32 $0x88, s3;
	s6 =	simm.s32 @!p1 $0x1082;
	[sflag:s4] =	ssyncset.s32 $0xFFFFF086  }
0x25: {  	[simem:s6], [sflag:s4] =	dma.local [hbm:s3], $0xF7A  }
0x26: {  	[smem:$0x3F95] =	sst s1;
	(tag) =	ssettag s2;
	_ =	strace s9  }
0x27: {  	s1 =	sld [smem:$0x3FA5]  }
0x28: {  	s2 =	sld [smem:$0x3FA6]  }
0x29: {  	s4 =	sld [smem:$0x3FA8]  }
0x2a: {  	p0 =	seq.s32 s5, $0x0;
	s5 =	sld [smem:$0x3FA9]  }
0x2b: {  	s6 =	sld [smem:$0x3FAA]  }
0x2c: {  	s7 =	sld [smem:$0x3FAB]  }
0x2d: {  	s3 =	simm.s32 $0x108;
	s8 =	sld [smem:$0x3FAC]  }
0x2e: {  	s3 =	simm.s32 @!p0 $0x1082;
	s9 =	sld [smem:$0x3FAD]  }
0x2f: {  	lr =	sadd.s32 s0, s3;
	s0 =	sld [smem:$0x3FA4]  }
0x30: {  	s3 =	sld [smem:$0x3FA7]  }
0x31: {  	[smem:$0x3FB0] =	sst s10  }
0x32: {  	s10 =	sld [smem:$0x3FAE];
	_ =	sdelay $0x3  }
0x33: {  	p0 =	seq.s32 s10, $0x1;
	s10 =	sld [smem:$0x3FB0];
	_ =	sdelay $0x3  }
0x34: {  	[smem:$0x3FB0] =	sst s10  }
0x35: {  	s10 =	sld [smem:$0x3FAF];
	_ =	sdelay $0x3  }
0x36: {  	p1 =	seq.s32 s10, $0x1;
	s10 =	sld [smem:$0x3FB0];
	_ =	sdelay $0x3  }
0x37: {  	[smem:$0x3FB0] =	sst s10  }
0x38: {  	s10 =	sld [smem:$0x3FB1]  }
0x39: {  	_ = 	snop;
	(pc) =	sbr.ind lr, $3  }
0x3a: {  	_ = 	snop  }
0x3b: {  	_ = 	snop  }
0x3c: {  	p2 =	seq.s32 s10, $0x1;
	s10 =	sld [smem:$0x3FB0]  }
0x3d: {  	_ =	shalt  }
0x3e: {  	_ =	shalt  }
0x3f: {  	_ =	shalt  }
0x40: {  	_ =	shalt  }
0x41: {  	_ =	shalt  }
0x42: {  	_ =	shalt  }
0x43: {  	_ =	shalt  }
0x44: {  	_ =	shalt  }
0x45: {  	_ =	shalt  }
0x46: {  	_ =	shalt  }
0x47: {  	_ =	shalt  }
0x48: {  	_ =	shalt  }
0x49: {  	_ =	shalt  }
0x4a: {  	_ =	shalt  }
0x4b: {  	_ =	shalt  }
0x4c: {  	_ =	shalt  }
0x4d: {  	_ =	shalt  }
0x4e: {  	_ =	shalt  }
0x4f: {  	_ =	shalt  }
0x50: {  	_ =	shalt  }
0x51: {  	_ =	shalt  }
0x52: {  	_ =	shalt  }
0x53: {  	_ =	shalt  }
0x54: {  	_ =	shalt  }
0x55: {  	_ =	shalt  }
0x56: {  	_ =	shalt  }
0x57: {  	_ =	shalt  }
0x58: {  	_ =	shalt  }
0x59: {  	_ =	shalt  }
0x5a: {  	_ =	shalt  }
0x5b: {  	_ =	shalt  }
0x5c: {  	_ =	shalt  }
0x5d: {  	_ =	shalt  }
0x5e: {  	_ =	shalt  }
0x5f: {  	_ =	shalt  }
0x60: {  	_ =	shalt  }
0x61: {  	_ =	shalt  }
0x62: {  	_ =	shalt  }
0x63: {  	_ =	shalt  }
0x64: {  	_ =	shalt  }
0x65: {  	_ =	shalt  }
0x66: {  	_ =	shalt  }
0x67: {  	_ =	shalt  }
0x68: {  	_ =	shalt  }
0x69: {  	_ =	shalt  }
0x6a: {  	_ =	shalt  }
0x6b: {  	_ =	shalt  }
0x6c: {  	_ =	shalt  }
0x6d: {  	_ =	shalt  }
0x6e: {  	_ =	shalt  }
0x6f: {  	_ =	shalt  }
0x70: {  	_ =	shalt  }
0x71: {  	_ =	shalt  }
0x72: {  	_ =	shalt  }
0x73: {  	_ =	shalt  }
0x74: {  	_ =	shalt  }
0x75: {  	_ =	shalt  }
0x76: {  	_ =	shalt  }
0x77: {  	_ =	shalt  }
0x78: {  	_ =	shalt  }
0x79: {  	_ =	shalt  }
0x7a: {  	_ =	shalt  }
0x7b: {  	_ =	shalt  }
0x7c: {  	_ =	shalt  }
0x7d: {  	_ =	shalt  }
0x7e: {  	_ =	shalt  }
0x7f: {  	_ =	shalt  }
0x80: {  	_ =	shalt  }
0x81: {  	_ =	shalt  }
0x82: {  	_ =	shalt  }
0x83: {  	_ =	shalt  }
0x84: {  	_ =	shalt  }
0x85: {  	_ =	shalt  }
0x86: {  	_ =	shalt  }
0x87: {  	_ =	shalt  }
.Lfunc_end0:
.L_simem_size_0:
called_computation.2_lowered:
.L_overlay_start_0:
0x88: {  	s2 =	sld [smem:$0x3FD9]  }
0x89: {  	s3 =	sld [smem:$0x3FFE];
	_ =	sdelay $0x1  }
0x8a: {  	s1 =	srdreg.scid  }
0x8b: {  	s0 =	sand.u32 $0x1, s1  }
0x8c: {  	s16 =	sshll.u32 s0, $0xA;
	s2 =	sadd.s32 s3, s2  }
0x8d: {  	s2 =	sadd.s32 s2, s16  }
0x8e: {  	[smem:$0x3FBC] =	sst s2  }
0x8f: {  	_ = 	snop  }
0x90: {  	(tm) =	ssettm $0x1  }
0x91: {  	s17 =	sld [smem:$0x3FFB];
	_ =	sdelay $0x3  }
0x92: {  	_ =	strace s17  }
0x93: {  	s2 =	sld [smem:$0x3FFC];
	_ =	sdelay $0x3  }
0x94: {  	_ =	strace s2  }
0x95: {  	s2 =	sld [smem:$0x3FFD];
	_ =	sdelay $0x3  }
0x96: {  	_ =	strace s2  }
0x97: {  	_ =	strace $0x8FFFFFFF  }
0x98: {  	s18 =	sld [smem:$0x3FDB];
	_ =	sdelay $0x1  }
0x99: {  	s19 =	simm.s32 $_scs_section_size  }
0x9a: {  	s4 =	simm.s32 $_size__tile_overlayer_lowered;
	s5 =	simm.s32 $_tile_overlayer_lowered  }
0x9b: {  	s22 =	simm.s32 $0x1BFF;
	s21 =	sshll.u32 s5, $0x1;
	s2 =	sadd.s32 s19, s18  }
0x9c: {  	s6 =	simm.s32 $0x0;
	s20 =	sshll.u32 s4, $0x1;
	s4 =	sadd.s32 s21, s2  }
0x9d: {  	[timem:s6], [sflag:s22] =	dma.local [hbm:s4], s20  }
0x9e: {  	_ =	swait.ge [sflag:s22], s20  }
0x9f: {  	s3 =	ssub.s32 $0x0, s20;
	[sflag:s22] =	ssyncset.done $0x0  }
0xa0: {  	[sflag:s22] =	ssyncadd.s32 s3;
	_ =	sdelay $0x1  }
0xa1: {  	s23 =	simm.s32 $0x1B8B  }
0xa2: {  	_ =	swait.ge [sflag:s23], $0x1  }
0xa3: {  	[sflag:s23] =	ssyncset.done $0x0  }
0xa4: {  	s25 =	simm.s32 $0x1B8E;
	s24 =	sld [smem:$0x3FFE];
	[sflag:s23] =	ssyncadd.s32 $0xFFFFFFFF  }
0xa5: {  	s26 =	simm.s32 $execute0_lowered;
	[smem:$0x3FD2] =	sst s25  }
0xa6: {  	s4 =	sshll.u32 s26, $0x1;
	_ =	strace $0x8000004C;
	[dreg:$0x1] =	wrdreg $0xFFFFFFFF  }
0xa7: {  	s28 =	simm.s32 $_size_execute0_lowered;
	s2 =	sadd.s32 s2, s4;
	[dreg:$0x0] =	wrdreg $0x0  }
0xa8: {  	s4 =	sshll.u32 s28, $0x1;
	[dreg:$0x2] =	wrdreg s2  }
0xa9: {  	[dreg:$0x3] =	wrdreg s4  }
0xaa: {  	[dreg:$0x4] =	wrdreg $0xC0  }
0xab: {  	_ =	task [dreg:s6], $0x5FFFF  }
0xac: {  	[dreg:$0x1] =	wrdreg $0xFFFFFFFF  }
0xad: {  	[dreg:$0x0] =	wrdreg $0x60  }
0xae: {  	[dreg:$0x2] =	wrdreg s24  }
0xaf: {  	[dreg:$0x3] =	wrdreg $0x98000  }
0xb0: {  	[dreg:$0x4] =	wrdreg $0x9  }
0xb1: {  	_ =	task.clear_ibuf [dreg:s6], $0x5FFFF;
	_ =	strace $0x9000004C  }
0xb2: {  	s29 =	simm.s32 $0x9;
	_ =	strace $0x8000004E  }
0xb3: {  	_ =	swait.ge [sflag:s29], $0x1  }
0xb4: {  	[sflag:s29] =	ssyncadd.s32 $0xFFFFFFFF  }
0xb5: {  	_ =	strace $0x9000004E  }
0xb6: {  	_ =	sfence  }
0xb7: {  	s30 =	sld [smem:$0x0];
	_ =	sdelay $0x2  }
0xb8: {  	s31 =	sshll.u32 s1, $0xD;
	s1 =	sshrl.u32 s1, $0x2  }
0xb9: {  	s3 =	sand.u32 $0x4000, s31;
	s1 =	sadd.s32 s1, s30  }
0xba: {  	s0 =	sor.u32 s3, s0;
	s1 =	sshll.u32 s1, $0x11  }
0xbb: {  	s0 =	sor.u32 s1, s0  }
0xbc: {  	s0 =	sadd.s32 $0x8F2B, s0  }
0xbd: {  	[sflag:s0] =	ssyncadd.remote.s32 $0x1  }
0xbe: {  	_ =	sfence.sel $0xFFFF  }
0xbf: {  	[dreg:$0x0] =	wrdreg $0xFFFFFFFF;
	(pc) =	sbr.abs _section_cstart, $3  }
0xc0: {  	[dreg:$0x1] =	wrdreg $0xFFFFFFFF  }
0xc1: {  	_ =	task.clear_ibuf [dreg:s6], $0x2FFFF;
	_ =	strace $0x9FFFFFFF  }
0xc2: {  	(tm) =	ssettm $0x7FFFFFFF  }
0xc3: {  	_ =	shalt  }
tec
execute0_lowered:
.L_overlay_start_1:
0x0: {  	(tag) =	ssettag $0x1  }
0x1: {  	s1 =	srdreg.scid  }
0x2: {  	s0 =	stileid.u32;
	s6 =	rddreg [dreg:$0x0]  }
0x3: {  	s2 =	rddreg [dreg:$0x1];
	s3 =	simm.s32 $0x0;
	s14 =	simm.s32 $0x80  }
0x4: {  	s15 =	simm.s32 $0x5000;
	s16 =	simm.s32 $0x1;
	s18 =	simm.s32 $0x0  }
0x5: {  	s4 =	sand.u32 $0x1, s1;
	s5 =	smul.u32 $0x2800, s0;
	s1 =	rddreg [dreg:$0x2]  }
0x6: {  	[smem:$0x7FF] =	sst s3;
	s11 =	smul.u32 $0x14000, s0;
	s12 =	sadd.s32 $0x61600, s6  }
0x7: {  	s13 =	smul.u32 $0x50000, s0;
	s17 =	sadd.s32 $0x12C000, s2;
	p0 =	seq.s32 s0, $0xF  }
0x8: {  	s7 =	smul.u32 $0x28000, s4;
	_ =	strace $0x8000004D;
	s29 =	ssub.s32 $0x2, s4  }
0x9: {  	s9 =	smul.u32 $0x138800, s4;
	s4 =	sadd.s32 $0x7600, s6;
	s17 =	sshrl.u32 @p0 s17, $0x3  }
0xa: {  	s10 =	sshrl.u32 s29, $0x1;
	s31 =	sshrl.u32 s13, $0x2;
	s13 =	simm.s32 $0x9000  }
0xb: {  	s7 =	sadd.s32 s5, s7;
	s5 =	sshrl.u32 s5, $0x3;
	s10 =	ssub.s32 s29, s10  }
0xc: {  	s30 =	sadd.s32 s11, s9;
	s9 =	sshrl.u32 s9, $0x3;
	s7 =	sshrl.u32 s7, $0x3  }
0xd: {  	s8 =	sadd.s32 s5, s6;
	s11 =	sshrl.u32 s30, $0x3;
	s9 =	sadd.s32 s12, s9  }
0xe: {  	s10 =	smax.u32 s10, $0x1;
	s7 =	sadd.s32 s7, s6;
	s6 =	sadd.s32 $0x2600, s8  }
0xf: {  	s8 =	sadd.s32 s12, s11;
	s9 =	sadd.s32 $0x25800, s9;
	s11 =	simm.s32 $0x2  }
0x10: {  	v0 =	vimm.f32 $0.0e+00;
	s12 =	simm.s32 $0x2800;
	s5 =	sadd.s32 $0x57600, s7;
	s7 =	sadd.s32 s31, s2  }
.LBB2_1:
0x11: {  	[tilespmem:s3], [sflag:$0x2] =	stream.linear.gather [hbm4b:s5+s3], $0x2800, $0x38;
	[tilespmem:$0x1D800] =	vst v63  }
0x12: {  	_ =	swait.ge [sflag:s11], $0x2800  }
0x13: {  	[sflag:s11] =	ssyncset.done $0x0  }
0x14: {  	[sflag:s11] =	ssyncadd.s32 $0xFFFFD800  }
0x15: {  	[tilespmem:s12], [sflag:$0x2] =	stream.linear.gather [hbm4b:s6+s3], $0x2800, $0x38;
	[tilespmem:$0x1D800] =	vst v63  }
0x16: {  	_ =	swait.ge [sflag:s11], $0x2800  }
0x17: {  	[sflag:s11] =	ssyncset.done $0x0  }
0x18: {  	s19 =	simm.s32 $0x0;
	s20 =	simm.s32 $0x200;
	[sflag:s11] =	ssyncadd.s32 $0xFFFFD800  }
.LBB2_2:
0x19: {  	p1 =	sne.s32 s20, $0x1E00;
	[tilespmem:s19+$0x9070] =	vst v0  }
0x1a: {  	[tilespmem:s19+$0x9000] =	vst v0  }
0x1b: {  	[tilespmem:s19+$0x9010] =	vst v0  }
.Ltmp0:
0x1c: {  	[tilespmem:s19+$0x9020] =	vst v0;
	(pc) =	sbr.rel @p1 .LBB2_2-.Ltmp0, $4  }
0x1d: {  	[tilespmem:s19+$0x9030] =	vst v0  }
0x1e: {  	[tilespmem:s19+$0x9040] =	vst v0  }
0x1f: {  	[tilespmem:s19+$0x9050] =	vst v0  }
0x20: {  	[tilespmem:s19+$0x9060] =	vst v0;
	s19 =	sshra.s32 s20, $0x2;
	s20 =	sadd.s32 $0x200, s20  }
0x21: {  	[tilespmem:s19+$0x9070] =	vst v0  }
0x22: {  	[tilespmem:s19+$0x9000] =	vst v0  }
0x23: {  	[tilespmem:s19+$0x9010] =	vst v0  }
0x24: {  	[tilespmem:s19+$0x9020] =	vst v0  }
0x25: {  	[tilespmem:s19+$0x9030] =	vst v0  }
0x26: {  	[tilespmem:s19+$0x9040] =	vst v0  }
0x27: {  	[tilespmem:s19+$0x9050] =	vst v0  }
0x28: {  	[tilespmem:s19+$0x9060] =	vst v0;
	s31 =	sadd.s32 $0x0, s7  }
0x29: {  	[spmem:s31] =	stream.linear.scatter [tilespmem:s13], [sflag:$0x2], $0x800, $0x38;
	[tilespmem:$0x1D800] =	vst v63  }
0x2a: {  	s19 =	simm.s32 $0x2000;
	_ =	swait.ge [sflag:s11], $0x800  }
.LBB2_4:
0x2b: {  	s20 =	sshra.s32 s19, $0x2;
	[sflag:s11] =	ssyncset.done $0x0;
	p1 =	sne.s32 s19, $0x4E000  }
.Ltmp1:
0x2c: {  	s20 =	sadd.s32 s20, s7;
	[sflag:s11] =	ssyncadd.s32 $0xFFFFF800;
	(pc) =	sbr.rel @p1 .LBB2_4-.Ltmp1, $3  }
0x2d: {  	[spmem:s20] =	stream.linear.scatter [tilespmem:s13], [sflag:$0x2], $0x800, $0x38;
	[tilespmem:$0x1D800] =	vst v63  }
0x2e: {  	s19 =	sadd.s32 $0x2000, s19;
	_ =	sdelay $0x1  }
0x2f: {  	_ =	swait.ge [sflag:s11], $0x800  }
0x30: {  	[sflag:s11] =	ssyncset.done $0x0  }
0x31: {  	[sflag:s11] =	ssyncadd.s32 $0xFFFFF800  }
0x32: {  	s19 =	simm.s32 $0x0;
	[bflag:$0x0] =	sbarrier.arrive $0xFFFF  }
0x33: {  	[tilespmem:s15], [sflag:$0x1] =	stream.indirect.gather [hbm4b:s4+s14], $0x80, s19, s14, $0xb8;
	[tilespmem:$0x1D800] =	vst v63  }
0x34: {  	_ =	swait.ge [sflag:s16], $0x4000  }
0x35: {  	[sflag:s16] =	ssyncset.done $0x0  }
0x36: {  	s31 =	simm.s32 $0x2800;
	[sflag:s16] =	ssyncadd.s32 $0xFFFFC000  }
0x37: {  	[spmem:s2] =	stream.indirect.scatter.add.f32 [tilespmem:s15], [sflag:$0x2], $0x80, s31, s14, $0xb8;
	[tilespmem:$0x1D800] =	vst v63  }
0x38: {  	_ =	swait.ge [sflag:s11], $0x4000  }
0x39: {  	s20 =	simm.s32 $0x400;
	s19 =	simm.s32 $0x200;
	[sflag:s11] =	ssyncset.done $0x0  }
.LBB2_6:
0x3a: {  	s21 =	sshra.s32 s19, $0x2  }
0x3b: {  	[sflag:s11] =	ssyncadd.s32 $0xFFFFC000;
	s19 =	smov.u32 s20;
	s22 =	sadd.s32 $0x200, s20  }
0x3c: {  	[tilespmem:s15], [sflag:$0x1] =	stream.indirect.gather [hbm4b:s4+s14], $0x80, s21, s14, $0xb8;
	[tilespmem:$0x1D800] =	vst v63  }
0x3d: {  	p1 =	sne.s32 s20, $0x9E00;
	_ =	swait.ge [sflag:s16], $0x4000  }
.Ltmp2:
0x3e: {  	[sflag:s16] =	ssyncset.done $0x0;
	(pc) =	sbr.rel @p1 .LBB2_6-.Ltmp2, $4  }
0x3f: {  	s20 =	sadd.s32 $0x2800, s21;
	[sflag:s16] =	ssyncadd.s32 $0xFFFFC000  }
0x40: {  	[spmem:s2] =	stream.indirect.scatter.add.f32 [tilespmem:s15], [sflag:$0x2], $0x80, s20, s14, $0xb8;
	[tilespmem:$0x1D800] =	vst v63  }
0x41: {  	_ =	swait.ge [sflag:s11], $0x4000  }
0x42: {  	s20 =	smov.u32 s22;
	[sflag:s11] =	ssyncset.done $0x0  }
0x43: {  	s19 =	sshra.s32 s19, $0x2;
	[sflag:s11] =	ssyncadd.s32 $0xFFFFC000  }
0x44: {  	[tilespmem:s15], [sflag:$0x1] =	stream.indirect.gather [hbm4b:s4+s14], $0x80, s19, s14, $0xb8;
	[tilespmem:$0x1D800] =	vst v63  }
0x45: {  	_ =	swait.ge [sflag:s16], $0x4000  }
0x46: {  	[sflag:s16] =	ssyncset.done $0x0  }
0x47: {  	s19 =	sadd.s32 $0x2800, s19;
	[sflag:s16] =	ssyncadd.s32 $0xFFFFC000  }
0x48: {  	[spmem:s2] =	stream.indirect.scatter.add.f32 [tilespmem:s15], [sflag:$0x2], $0x80, s19, s14, $0xb8;
	[tilespmem:$0x1D800] =	vst v63  }
0x49: {  	_ =	swait.ge [sflag:s11], $0x4000  }
0x4a: {  	[sflag:s11] =	ssyncset.done $0x0  }
0x4b: {  	[sflag:s11] =	ssyncadd.s32 $0xFFFFC000  }
0x4c: {  	s19 =	simm.s32 @p0 $0x1FC2;
	[bflag:$0x0] =	sbarrier.arrive $0xFFFF  }
0x4d: {  	[hbm:s9], [sflag:s19] =	dma.local @p0 [spmem:s17], $0x1900  }
0x4e: {  	s19 =	simm.s32 @p0 $0x2  }
0x4f: {  	s18 =	sadd.s32 $0x1, s18;
	_ =	swait.ge @p0 [sflag:s19], $0x1900  }
0x50: {  	s20 =	sshll.u32 @!p0 s0, $0x6;
	p1 =	sne.s32 s18, s10;
	[sflag:s19] =	ssyncset.done @p0 $0x0  }
0x51: {  	[sflag:s19] =	ssyncadd.s32 @p0 $0xFFFFE700;
	s19 =	sor.u32 @!p0 $0x1C02, s20;
	s20 =	sshrl.u32 @!p0 s7, $0x3  }
0x52: {  	[hbm:s8], [sflag:s19] =	dma.local @!p0 [spmem:s20], $0x2800  }
.Ltmp3:
0x53: {  	_ = 	snop;
	(pc) =	sbr.rel @p1 .LBB2_1-.Ltmp3, $4  }
0x54: {  	s19 =	simm.s32 @!p0 $0x2  }
0x55: {  	_ =	swait.ge @!p0 [sflag:s19], $0x2800  }
0x56: {  	[sflag:s19] =	ssyncset.done @!p0 $0x0  }
0x57: {  	[sflag:s19] =	ssyncadd.s32 @!p0 $0xFFFFD800  }
0x58: {  	_ =	sfence.sel $0x180000  }
0x59: {  	[bflag:$0x0] =	sbarrier.arrive $0xFFFF  }
0x5a: {  	p0 =	sne.s32 s0, $0x0;
	_ =	strace $0x9000004D  }
0x5b: {  	s0 =	sadd.s32 @!p0 $0x100000, s1;
	[bflag:$0x2] =	sbarrier.arrive $0xFFFF  }
0x5c: {  	[sflag:s0] =	ssyncadd.tile.s32 @!p0 $0x1;
	_ =	shalt  }
.Lfunc_end2:
_tile_overlayer_lowered:
.L_overlay_start_2:
0x5d: {  	(tag) =	ssettag $0x2  }
0x5e: {  	s0 =	rddreg [dreg:$0x0];
	s2 =	stileid.u32  }
0x5f: {  	s1 =	rddreg [dreg:$0x1];
	p0 =	sne.s32 s2, $0x0  }
0x60: {  	s3 =	rddreg [dreg:$0x2];
	[bflag:$0x3] =	sbarrier.arrive $0xFFFF;
	s2 =	simm.s32 @!p0 $0x1C02  }
0x61: {  	[timem:s3], [sflag:s2] =	dma.local @!p0 [hbm:s0], s1  }
0x62: {  	s0 =	simm.s32 @!p0 $0x2  }
0x63: {  	_ =	swait.ge @!p0 [sflag:s0], s1  }
0x64: {  	s1 =	ssub.s32 @!p0 $0x0, s1;
	[sflag:s0] =	ssyncset.done @!p0 $0x0  }
0x65: {  	[sflag:s0] =	ssyncadd.s32 @!p0 s1  }
0x66: {  	[bflag:$0x3] =	sbarrier.arrive $0xFFFF  }
0x67: {  	_ =	shalt  }

// kernel: kernel.19.cloned.1.call-start
scs
__scs_entry_jumppad:
0x0: {  	(pc) =	sbr.rel $0x88, $3  }
0x1: {  	(tag) =	ssettag $0x0;
	lr =	simm.s32 $0x1  }
0x2: {  	[smem:$0x3F95] =	sst lr;
	_ =	strace $0xD0000000  }
0x3: {  	_ = 	snop  }
0x4: {  	_ = 	snop  }
0x5: {  	_ = 	snop  }
0x6: {  	_ = 	snop  }
0x7: {  	_ = 	snop  }
__scs_overlays_trampoline_lowered:
0x8: {  	[smem:$0x3FA4] =	sst s0  }
0x9: {  	[smem:$0x3FA5] =	sst s1  }
0xa: {  	[smem:$0x3FA6] =	sst s2  }
0xb: {  	[smem:$0x3FA7] =	sst s3  }
0xc: {  	[smem:$0x3FA8] =	sst s4  }
0xd: {  	[smem:$0x3FA9] =	sst s5  }
0xe: {  	[smem:$0x3FAA] =	sst s6  }
0xf: {  	[smem:$0x3FAB] =	sst s7  }
0x10: {  	[smem:$0x3FAC] =	sst s8  }
0x11: {  	[smem:$0x3FAD] =	sst s9;
	s0 =	simm.s32 @!p0 $0x0  }
0x12: {  	s1 =	sld [smem:$0x3F93];
	s0 =	simm.s32 @p0 $0x1  }
0x13: {  	[smem:$0x3FAE] =	sst s0;
	s0 =	simm.s32 @!p1 $0x0  }
0x14: {  	s2 =	sld [smem:$0x3F92];
	s0 =	simm.s32 @p1 $0x1  }
0x15: {  	[smem:$0x3FAF] =	sst s0;
	s0 =	simm.s32 @!p2 $0x0  }
0x16: {  	s3 =	sld [smem:$0x3FDB];
	s0 =	simm.s32 @p2 $0x1  }
0x17: {  	s4 =	simm.s32 $0x1BF5;
	[smem:$0x3FB1] =	sst s0  }
0x18: {  	s0 =	sld [smem:$0x3F94];
	_ =	swait.ge [sflag:s4], $0x0  }
0x19: {  	s7 =	sld [smem:$0x3F95]  }
0x1a: {  	s8 =	sadd.s32 $0xFFFFE003, lr  }
0x1b: {  	s9 =	sadd.s32 $0xFFFFFEF7, lr;
	s5 =	simm.s32 $0xFFFFFFFF;
	p2 =	slt.u32 s8, $0xFFFFF086  }
0x1c: {  	p1 =	slt.u32 s9, $0xF7A;
	s5 =	simm.s32 @!p2 $0x0  }
0x1d: {  	s5 =	simm.s32 @p1 $0x1;
	p0 =	seq.s32 s7, s2  }
0x1e: {  	s7 =	smul.u32 @!p0 $0xF7A, s2;
	p2 =	seq.s32 @!p0 s5, $0x0  }
0x1f: {  	s9 =	smul.u32 $0xF7A, s1;
	s8 =	simm.s32 @!p0 $0x1BF5;
	p2 =	por !p2, p0  }
0x20: {  	[sflag:s8] =	ssyncset.s32 @!p0 $0xFFFFF086;
	s6 =	sadd.s32 @!p0 s3, s7;
	s7 =	simm.s32 @!p0 $0x108  }
0x21: {  	s3 =	sadd.s32 s3, s9;
	s6 =	sadd.s32 @!p0 $0x88, s6;
	s7 =	simm.s32 @p2 $0x1082  }
0x22: {  	[simem:s7], [sflag:s8] =	dma.local @!p0 [hbm:s6], $0xF7A  }
0x23: {  	s9 =	sor.u32 $0xD0000000, s2;
	s6 =	simm.s32 $0x108;
	_ =	swait.ge @!p0 [sflag:s8], $0x0  }
0x24: {  	s3 =	sadd.s32 $0x88, s3;
	s6 =	simm.s32 @!p1 $0x1082;
	[sflag:s4] =	ssyncset.s32 $0xFFFFF086  }
0x25: {  	[simem:s6], [sflag:s4] =	dma.local [hbm:s3], $0xF7A  }
0x26: {  	[smem:$0x3F95] =	sst s1;
	(tag) =	ssettag s2;
	_ =	strace s9  }
0x27: {  	s1 =	sld [smem:$0x3FA5]  }
0x28: {  	s2 =	sld [smem:$0x3FA6]  }
0x29: {  	s4 =	sld [smem:$0x3FA8]  }
0x2a: {  	p0 =	seq.s32 s5, $0x0;
	s5 =	sld [smem:$0x3FA9]  }
0x2b: {  	s6 =	sld [smem:$0x3FAA]  }
0x2c: {  	s7 =	sld [smem:$0x3FAB]  }
0x2d: {  	s3 =	simm.s32 $0x108;
	s8 =	sld [smem:$0x3FAC]  }
0x2e: {  	s3 =	simm.s32 @!p0 $0x1082;
	s9 =	sld [smem:$0x3FAD]  }
0x2f: {  	lr =	sadd.s32 s0, s3;
	s0 =	sld [smem:$0x3FA4]  }
0x30: {  	s3 =	sld [smem:$0x3FA7]  }
0x31: {  	[smem:$0x3FB0] =	sst s10  }
0x32: {  	s10 =	sld [smem:$0x3FAE];
	_ =	sdelay $0x3  }
0x33: {  	p0 =	seq.s32 s10, $0x1;
	s10 =	sld [smem:$0x3FB0];
	_ =	sdelay $0x3  }
0x34: {  	[smem:$0x3FB0] =	sst s10  }
0x35: {  	s10 =	sld [smem:$0x3FAF];
	_ =	sdelay $0x3  }
0x36: {  	p1 =	seq.s32 s10, $0x1;
	s10 =	sld [smem:$0x3FB0];
	_ =	sdelay $0x3  }
0x37: {  	[smem:$0x3FB0] =	sst s10  }
0x38: {  	s10 =	sld [smem:$0x3FB1]  }
0x39: {  	_ = 	snop;
	(pc) =	sbr.ind lr, $3  }
0x3a: {  	_ = 	snop  }
0x3b: {  	_ = 	snop  }
0x3c: {  	p2 =	seq.s32 s10, $0x1;
	s10 =	sld [smem:$0x3FB0]  }
0x3d: {  	_ =	shalt  }
0x3e: {  	_ =	shalt  }
0x3f: {  	_ =	shalt  }
0x40: {  	_ =	shalt  }
0x41: {  	_ =	shalt  }
0x42: {  	_ =	shalt  }
0x43: {  	_ =	shalt  }
0x44: {  	_ =	shalt  }
0x45: {  	_ =	shalt  }
0x46: {  	_ =	shalt  }
0x47: {  	_ =	shalt  }
0x48: {  	_ =	shalt  }
0x49: {  	_ =	shalt  }
0x4a: {  	_ =	shalt  }
0x4b: {  	_ =	shalt  }
0x4c: {  	_ =	shalt  }
0x4d: {  	_ =	shalt  }
0x4e: {  	_ =	shalt  }
0x4f: {  	_ =	shalt  }
0x50: {  	_ =	shalt  }
0x51: {  	_ =	shalt  }
0x52: {  	_ =	shalt  }
0x53: {  	_ =	shalt  }
0x54: {  	_ =	shalt  }
0x55: {  	_ =	shalt  }
0x56: {  	_ =	shalt  }
0x57: {  	_ =	shalt  }
0x58: {  	_ =	shalt  }
0x59: {  	_ =	shalt  }
0x5a: {  	_ =	shalt  }
0x5b: {  	_ =	shalt  }
0x5c: {  	_ =	shalt  }
0x5d: {  	_ =	shalt  }
0x5e: {  	_ =	shalt  }
0x5f: {  	_ =	shalt  }
0x60: {  	_ =	shalt  }
0x61: {  	_ =	shalt  }
0x62: {  	_ =	shalt  }
0x63: {  	_ =	shalt  }
0x64: {  	_ =	shalt  }
0x65: {  	_ =	shalt  }
0x66: {  	_ =	shalt  }
0x67: {  	_ =	shalt  }
0x68: {  	_ =	shalt  }
0x69: {  	_ =	shalt  }
0x6a: {  	_ =	shalt  }
0x6b: {  	_ =	shalt  }
0x6c: {  	_ =	shalt  }
0x6d: {  	_ =	shalt  }
0x6e: {  	_ =	shalt  }
0x6f: {  	_ =	shalt  }
0x70: {  	_ =	shalt  }
0x71: {  	_ =	shalt  }
0x72: {  	_ =	shalt  }
0x73: {  	_ =	shalt  }
0x74: {  	_ =	shalt  }
0x75: {  	_ =	shalt  }
0x76: {  	_ =	shalt  }
0x77: {  	_ =	shalt  }
0x78: {  	_ =	shalt  }
0x79: {  	_ =	shalt  }
0x7a: {  	_ =	shalt  }
0x7b: {  	_ =	shalt  }
0x7c: {  	_ =	shalt  }
0x7d: {  	_ =	shalt  }
0x7e: {  	_ =	shalt  }
0x7f: {  	_ =	shalt  }
0x80: {  	_ =	shalt  }
0x81: {  	_ =	shalt  }
0x82: {  	_ =	shalt  }
0x83: {  	_ =	shalt  }
0x84: {  	_ =	shalt  }
0x85: {  	_ =	shalt  }
0x86: {  	_ =	shalt  }
0x87: {  	_ =	shalt  }
.Lfunc_end0:
.L_simem_size_0:
called_computation.3_lowered:
.L_overlay_start_0:
0x88: {  	s2 =	sld [smem:$0x3FD9]  }
0x89: {  	s3 =	sld [smem:$0x3FFE];
	_ =	sdelay $0x1  }
0x8a: {  	s1 =	srdreg.scid  }
0x8b: {  	s0 =	sand.u32 $0x1, s1  }
0x8c: {  	s16 =	sshll.u32 s0, $0xA;
	s2 =	sadd.s32 s3, s2  }
0x8d: {  	s2 =	sadd.s32 s2, s16  }
0x8e: {  	[smem:$0x3FBC] =	sst s2  }
0x8f: {  	_ = 	snop  }
0x90: {  	(tm) =	ssettm $0x1  }
0x91: {  	s17 =	sld [smem:$0x3FFB];
	_ =	sdelay $0x3  }
0x92: {  	_ =	strace s17  }
0x93: {  	s2 =	sld [smem:$0x3FFC];
	_ =	sdelay $0x3  }
0x94: {  	_ =	strace s2  }
0x95: {  	s2 =	sld [smem:$0x3FFD];
	_ =	sdelay $0x3  }
0x96: {  	_ =	strace s2  }
0x97: {  	_ =	strace $0x8FFFFFFF  }
0x98: {  	s18 =	sld [smem:$0x3FDB];
	_ =	sdelay $0x1  }
0x99: {  	s19 =	simm.s32 $_scs_section_size  }
0x9a: {  	s4 =	simm.s32 $_size__tile_overlayer_lowered;
	s5 =	simm.s32 $_tile_overlayer_lowered  }
0x9b: {  	s22 =	simm.s32 $0x1BFF;
	s21 =	sshll.u32 s5, $0x1;
	s2 =	sadd.s32 s19, s18  }
0x9c: {  	s6 =	simm.s32 $0x0;
	s20 =	sshll.u32 s4, $0x1;
	s4 =	sadd.s32 s21, s2  }
0x9d: {  	[timem:s6], [sflag:s22] =	dma.local [hbm:s4], s20  }
0x9e: {  	_ =	swait.ge [sflag:s22], s20  }
0x9f: {  	s3 =	ssub.s32 $0x0, s20;
	[sflag:s22] =	ssyncset.done $0x0  }
0xa0: {  	[sflag:s22] =	ssyncadd.s32 s3;
	_ =	sdelay $0x1  }
0xa1: {  	s23 =	simm.s32 $0x1B8B  }
0xa2: {  	_ =	swait.ge [sflag:s23], $0x1  }
0xa3: {  	[sflag:s23] =	ssyncset.done $0x0  }
0xa4: {  	s25 =	simm.s32 $0x1B8E;
	s24 =	sld [smem:$0x3FFE];
	[sflag:s23] =	ssyncadd.s32 $0xFFFFFFFF  }
0xa5: {  	s26 =	simm.s32 $execute0_lowered;
	[smem:$0x3FD2] =	sst s25  }
0xa6: {  	s4 =	sshll.u32 s26, $0x1;
	_ =	strace $0x8000004F;
	[dreg:$0x1] =	wrdreg $0xFFFFFFFF  }
0xa7: {  	s28 =	simm.s32 $_size_execute0_lowered;
	s2 =	sadd.s32 s2, s4;
	[dreg:$0x0] =	wrdreg $0x0  }
0xa8: {  	s4 =	sshll.u32 s28, $0x1;
	[dreg:$0x2] =	wrdreg s2  }
0xa9: {  	[dreg:$0x3] =	wrdreg s4  }
0xaa: {  	[dreg:$0x4] =	wrdreg $0xC0  }
0xab: {  	_ =	task [dreg:s6], $0x5FFFF  }
0xac: {  	[dreg:$0x1] =	wrdreg $0xFFFFFFFF  }
0xad: {  	[dreg:$0x0] =	wrdreg $0x60  }
0xae: {  	[dreg:$0x2] =	wrdreg s24  }
0xaf: {  	[dreg:$0x3] =	wrdreg $0x98000  }
0xb0: {  	[dreg:$0x4] =	wrdreg $0x9  }
0xb1: {  	_ =	task.clear_ibuf [dreg:s6], $0x5FFFF;
	_ =	strace $0x9000004F  }
0xb2: {  	s29 =	simm.s32 $0x9;
	_ =	strace $0x80000051  }
0xb3: {  	_ =	swait.ge [sflag:s29], $0x1  }
0xb4: {  	[sflag:s29] =	ssyncadd.s32 $0xFFFFFFFF  }
0xb5: {  	_ =	strace $0x90000051  }
0xb6: {  	_ =	sfence  }
0xb7: {  	s30 =	sld [smem:$0x0];
	_ =	sdelay $0x2  }
0xb8: {  	s31 =	sshll.u32 s1, $0xD;
	s1 =	sshrl.u32 s1, $0x2  }
0xb9: {  	s3 =	sand.u32 $0x4000, s31;
	s1 =	sadd.s32 s1, s30  }
0xba: {  	s0 =	sor.u32 s3, s0;
	s1 =	sshll.u32 s1, $0x11  }
0xbb: {  	s0 =	sor.u32 s1, s0  }
0xbc: {  	s0 =	sadd.s32 $0x8F2B, s0  }
0xbd: {  	[sflag:s0] =	ssyncadd.remote.s32 $0x1  }
0xbe: {  	_ =	sfence.sel $0xFFFF  }
0xbf: {  	[dreg:$0x0] =	wrdreg $0xFFFFFFFF;
	(pc) =	sbr.abs _section_cstart, $3  }
0xc0: {  	[dreg:$0x1] =	wrdreg $0xFFFFFFFF  }
0xc1: {  	_ =	task.clear_ibuf [dreg:s6], $0x2FFFF;
	_ =	strace $0x9FFFFFFF  }
0xc2: {  	(tm) =	ssettm $0x7FFFFFFF  }
0xc3: {  	_ =	shalt  }
tec
execute0_lowered:
.L_overlay_start_1:
0x0: {  	(tag) =	ssettag $0x1  }
0x1: {  	s1 =	srdreg.scid  }
0x2: {  	s0 =	stileid.u32;
	s6 =	rddreg [dreg:$0x0]  }
0x3: {  	s2 =	rddreg [dreg:$0x1];
	s3 =	simm.s32 $0x0;
	s14 =	simm.s32 $0x80  }
0x4: {  	s15 =	simm.s32 $0x5000;
	s16 =	simm.s32 $0x1;
	s18 =	simm.s32 $0x0  }
0x5: {  	s4 =	sand.u32 $0x1, s1;
	s5 =	smul.u32 $0x2800, s0;
	s1 =	rddreg [dreg:$0x2]  }
0x6: {  	[smem:$0x7FF] =	sst s3;
	s11 =	smul.u32 $0x14000, s0;
	s12 =	sadd.s32 $0x61600, s6  }
0x7: {  	s13 =	smul.u32 $0x50000, s0;
	s17 =	sadd.s32 $0x12C000, s2;
	p0 =	seq.s32 s0, $0xF  }
0x8: {  	s7 =	smul.u32 $0x28000, s4;
	_ =	strace $0x80000050;
	s29 =	ssub.s32 $0x2, s4  }
0x9: {  	s9 =	smul.u32 $0x138800, s4;
	s4 =	sadd.s32 $0x7600, s6;
	s17 =	sshrl.u32 @p0 s17, $0x3  }
0xa: {  	s10 =	sshrl.u32 s29, $0x1;
	s31 =	sshrl.u32 s13, $0x2;
	s13 =	simm.s32 $0x9000  }
0xb: {  	s7 =	sadd.s32 s5, s7;
	s5 =	sshrl.u32 s5, $0x3;
	s10 =	ssub.s32 s29, s10  }
0xc: {  	s30 =	sadd.s32 s11, s9;
	s9 =	sshrl.u32 s9, $0x3;
	s7 =	sshrl.u32 s7, $0x3  }
0xd: {  	s8 =	sadd.s32 s5, s6;
	s11 =	sshrl.u32 s30, $0x3;
	s9 =	sadd.s32 s12, s9  }
0xe: {  	s10 =	smax.u32 s10, $0x1;
	s7 =	sadd.s32 s7, s6;
	s6 =	sadd.s32 $0x2600, s8  }
0xf: {  	s8 =	sadd.s32 s12, s11;
	s9 =	sadd.s32 $0x25800, s9;
	s11 =	simm.s32 $0x2  }
0x10: {  	v0 =	vimm.f32 $0.0e+00;
	s12 =	simm.s32 $0x2800;
	s5 =	sadd.s32 $0x57600, s7;
	s7 =	sadd.s32 s31, s2  }
.LBB2_1:
0x11: {  	[tilespmem:s3], [sflag:$0x2] =	stream.linear.gather [hbm4b:s5+s3], $0x2800, $0x38;
	[tilespmem:$0x1D800] =	vst v63  }
0x12: {  	_ =	swait.ge [sflag:s11], $0x2800  }
0x13: {  	[sflag:s11] =	ssyncset.done $0x0  }
0x14: {  	[sflag:s11] =	ssyncadd.s32 $0xFFFFD800  }
0x15: {  	[tilespmem:s12], [sflag:$0x2] =	stream.linear.gather [hbm4b:s6+s3], $0x2800, $0x38;
	[tilespmem:$0x1D800] =	vst v63  }
0x16: {  	_ =	swait.ge [sflag:s11], $0x2800  }
0x17: {  	[sflag:s11] =	ssyncset.done $0x0  }
0x18: {  	s19 =	simm.s32 $0x0;
	s20 =	simm.s32 $0x200;
	[sflag:s11] =	ssyncadd.s32 $0xFFFFD800  }
.LBB2_2:
0x19: {  	p1 =	sne.s32 s20, $0x1E00;
	[tilespmem:s19+$0x9070] =	vst v0  }
0x1a: {  	[tilespmem:s19+$0x9000] =	vst v0  }
0x1b: {  	[tilespmem:s19+$0x9010] =	vst v0  }
.Ltmp0:
0x1c: {  	[tilespmem:s19+$0x9020] =	vst v0;
	(pc) =	sbr.rel @p1 .LBB2_2-.Ltmp0, $4  }
0x1d: {  	[tilespmem:s19+$0x9030] =	vst v0  }
0x1e: {  	[tilespmem:s19+$0x9040] =	vst v0  }
0x1f: {  	[tilespmem:s19+$0x9050] =	vst v0  }
0x20: {  	[tilespmem:s19+$0x9060] =	vst v0;
	s19 =	sshra.s32 s20, $0x2;
	s20 =	sadd.s32 $0x200, s20  }
0x21: {  	[tilespmem:s19+$0x9070] =	vst v0  }
0x22: {  	[tilespmem:s19+$0x9000] =	vst v0  }
0x23: {  	[tilespmem:s19+$0x9010] =	vst v0  }
0x24: {  	[tilespmem:s19+$0x9020] =	vst v0  }
0x25: {  	[tilespmem:s19+$0x9030] =	vst v0  }
0x26: {  	[tilespmem:s19+$0x9040] =	vst v0  }
0x27: {  	[tilespmem:s19+$0x9050] =	vst v0  }
0x28: {  	[tilespmem:s19+$0x9060] =	vst v0;
	s31 =	sadd.s32 $0x0, s7  }
0x29: {  	[spmem:s31] =	stream.linear.scatter [tilespmem:s13], [sflag:$0x2], $0x800, $0x38;
	[tilespmem:$0x1D800] =	vst v63  }
0x2a: {  	s19 =	simm.s32 $0x2000;
	_ =	swait.ge [sflag:s11], $0x800  }
.LBB2_4:
0x2b: {  	s20 =	sshra.s32 s19, $0x2;
	[sflag:s11] =	ssyncset.done $0x0;
	p1 =	sne.s32 s19, $0x4E000  }
.Ltmp1:
0x2c: {  	s20 =	sadd.s32 s20, s7;
	[sflag:s11] =	ssyncadd.s32 $0xFFFFF800;
	(pc) =	sbr.rel @p1 .LBB2_4-.Ltmp1, $3  }
0x2d: {  	[spmem:s20] =	stream.linear.scatter [tilespmem:s13], [sflag:$0x2], $0x800, $0x38;
	[tilespmem:$0x1D800] =	vst v63  }
0x2e: {  	s19 =	sadd.s32 $0x2000, s19;
	_ =	sdelay $0x1  }
0x2f: {  	_ =	swait.ge [sflag:s11], $0x800  }
0x30: {  	[sflag:s11] =	ssyncset.done $0x0  }
0x31: {  	[sflag:s11] =	ssyncadd.s32 $0xFFFFF800  }
0x32: {  	s19 =	simm.s32 $0x0;
	[bflag:$0x0] =	sbarrier.arrive $0xFFFF  }
0x33: {  	[tilespmem:s15], [sflag:$0x1] =	stream.indirect.gather [hbm4b:s4+s14], $0x80, s19, s14, $0xb8;
	[tilespmem:$0x1D800] =	vst v63  }
0x34: {  	_ =	swait.ge [sflag:s16], $0x4000  }
0x35: {  	[sflag:s16] =	ssyncset.done $0x0  }
0x36: {  	s31 =	simm.s32 $0x2800;
	[sflag:s16] =	ssyncadd.s32 $0xFFFFC000  }
0x37: {  	[spmem:s2] =	stream.indirect.scatter.add.f32 [tilespmem:s15], [sflag:$0x2], $0x80, s31, s14, $0xb8;
	[tilespmem:$0x1D800] =	vst v63  }
0x38: {  	_ =	swait.ge [sflag:s11], $0x4000  }
0x39: {  	s20 =	simm.s32 $0x400;
	s19 =	simm.s32 $0x200;
	[sflag:s11] =	ssyncset.done $0x0  }
.LBB2_6:
0x3a: {  	s21 =	sshra.s32 s19, $0x2  }
0x3b: {  	[sflag:s11] =	ssyncadd.s32 $0xFFFFC000;
	s19 =	smov.u32 s20;
	s22 =	sadd.s32 $0x200, s20  }
0x3c: {  	[tilespmem:s15], [sflag:$0x1] =	stream.indirect.gather [hbm4b:s4+s14], $0x80, s21, s14, $0xb8;
	[tilespmem:$0x1D800] =	vst v63  }
0x3d: {  	p1 =	sne.s32 s20, $0x9E00;
	_ =	swait.ge [sflag:s16], $0x4000  }
.Ltmp2:
0x3e: {  	[sflag:s16] =	ssyncset.done $0x0;
	(pc) =	sbr.rel @p1 .LBB2_6-.Ltmp2, $4  }
0x3f: {  	s20 =	sadd.s32 $0x2800, s21;
	[sflag:s16] =	ssyncadd.s32 $0xFFFFC000  }
0x40: {  	[spmem:s2] =	stream.indirect.scatter.add.f32 [tilespmem:s15], [sflag:$0x2], $0x80, s20, s14, $0xb8;
	[tilespmem:$0x1D800] =	vst v63  }
0x41: {  	_ =	swait.ge [sflag:s11], $0x4000  }
0x42: {  	s20 =	smov.u32 s22;
	[sflag:s11] =	ssyncset.done $0x0  }
0x43: {  	s19 =	sshra.s32 s19, $0x2;
	[sflag:s11] =	ssyncadd.s32 $0xFFFFC000  }
0x44: {  	[tilespmem:s15], [sflag:$0x1] =	stream.indirect.gather [hbm4b:s4+s14], $0x80, s19, s14, $0xb8;
	[tilespmem:$0x1D800] =	vst v63  }
0x45: {  	_ =	swait.ge [sflag:s16], $0x4000  }
0x46: {  	[sflag:s16] =	ssyncset.done $0x0  }
0x47: {  	s19 =	sadd.s32 $0x2800, s19;
	[sflag:s16] =	ssyncadd.s32 $0xFFFFC000  }
0x48: {  	[spmem:s2] =	stream.indirect.scatter.add.f32 [tilespmem:s15], [sflag:$0x2], $0x80, s19, s14, $0xb8;
	[tilespmem:$0x1D800] =	vst v63  }
0x49: {  	_ =	swait.ge [sflag:s11], $0x4000  }
0x4a: {  	[sflag:s11] =	ssyncset.done $0x0  }
0x4b: {  	[sflag:s11] =	ssyncadd.s32 $0xFFFFC000  }
0x4c: {  	s19 =	simm.s32 @p0 $0x1FC2;
	[bflag:$0x0] =	sbarrier.arrive $0xFFFF  }
0x4d: {  	[hbm:s9], [sflag:s19] =	dma.local @p0 [spmem:s17], $0x1900  }
0x4e: {  	s19 =	simm.s32 @p0 $0x2  }
0x4f: {  	s18 =	sadd.s32 $0x1, s18;
	_ =	swait.ge @p0 [sflag:s19], $0x1900  }
0x50: {  	s20 =	sshll.u32 @!p0 s0, $0x6;
	p1 =	sne.s32 s18, s10;
	[sflag:s19] =	ssyncset.done @p0 $0x0  }
0x51: {  	[sflag:s19] =	ssyncadd.s32 @p0 $0xFFFFE700;
	s19 =	sor.u32 @!p0 $0x1C02, s20;
	s20 =	sshrl.u32 @!p0 s7, $0x3  }
0x52: {  	[hbm:s8], [sflag:s19] =	dma.local @!p0 [spmem:s20], $0x2800  }
.Ltmp3:
0x53: {  	_ = 	snop;
	(pc) =	sbr.rel @p1 .LBB2_1-.Ltmp3, $4  }
0x54: {  	s19 =	simm.s32 @!p0 $0x2  }
0x55: {  	_ =	swait.ge @!p0 [sflag:s19], $0x2800  }
0x56: {  	[sflag:s19] =	ssyncset.done @!p0 $0x0  }
0x57: {  	[sflag:s19] =	ssyncadd.s32 @!p0 $0xFFFFD800  }
0x58: {  	_ =	sfence.sel $0x180000  }
0x59: {  	[bflag:$0x0] =	sbarrier.arrive $0xFFFF  }
0x5a: {  	p0 =	sne.s32 s0, $0x0;
	_ =	strace $0x90000050  }
0x5b: {  	s0 =	sadd.s32 @!p0 $0x100000, s1;
	[bflag:$0x2] =	sbarrier.arrive $0xFFFF  }
0x5c: {  	[sflag:s0] =	ssyncadd.tile.s32 @!p0 $0x1;
	_ =	shalt  }
.Lfunc_end2:
_tile_overlayer_lowered:
.L_overlay_start_2:
0x5d: {  	(tag) =	ssettag $0x2  }
0x5e: {  	s0 =	rddreg [dreg:$0x0];
	s2 =	stileid.u32  }
0x5f: {  	s1 =	rddreg [dreg:$0x1];
	p0 =	sne.s32 s2, $0x0  }
0x60: {  	s3 =	rddreg [dreg:$0x2];
	[bflag:$0x3] =	sbarrier.arrive $0xFFFF;
	s2 =	simm.s32 @!p0 $0x1C02  }
0x61: {  	[timem:s3], [sflag:s2] =	dma.local @!p0 [hbm:s0], s1  }
0x62: {  	s0 =	simm.s32 @!p0 $0x2  }
0x63: {  	_ =	swait.ge @!p0 [sflag:s0], s1  }
0x64: {  	s1 =	ssub.s32 @!p0 $0x0, s1;
	[sflag:s0] =	ssyncset.done @!p0 $0x0  }
0x65: {  	[sflag:s0] =	ssyncadd.s32 @!p0 s1  }
0x66: {  	[bflag:$0x3] =	sbarrier.arrive $0xFFFF  }
0x67: {  	_ =	shalt  }

</sc_bundles>
